<compile_context>
chip_gen: v7x
topology: tpu7x:2x2x1
jax: 0.10.2.dev20260603
libtpu: 0.0.44.dev20260713+nightly
codegen_flags: <defaults>
</compile_context>

<pallas_src>
import functools

import jax
import jax.numpy as jnp
from jax import lax
from jax.experimental import pallas as pl
from jax.experimental.pallas import tpu as pltpu
from jax.experimental.pallas import tpu_sc as plsc

_STRIPE = 32768
_CW = 512
_HCAP = 16
_SLOTS = 32
_BIG = 0x7FFFFFF0


def kernel(input_vector, W_input, W_target):
    del W_target
    batch = input_vector.shape[0]
    vocab_max = 1000000
    embed_dim = W_input.shape[1]

    info = plsc.get_sparse_core_info()
    num_workers = info.num_cores * info.num_subcores
    n_qv = batch // 16
    max_chunks = _STRIPE // _CW
    out_rows = batch + num_workers
    tail_j0 = (vocab_max // _CW) * _CW
    tail_w = vocab_max - tail_j0
    tail_wid = tail_j0 // _STRIPE

    mesh = plsc.VectorSubcoreMesh(core_axis_name="c", subcore_axis_name="s")

    @functools.partial(
        pl.kernel,
        mesh=mesh,
        out_type=jax.ShapeDtypeStruct((out_rows, 128), jnp.float32),
        scratch_types=[
            pltpu.VMEM((batch,), jnp.int32),
            pltpu.VMEM((batch + 16,), jnp.int32),
            pltpu.VMEM((batch,), jnp.int32),
            pltpu.VMEM((2, embed_dim, _CW), jnp.float32),
            pltpu.VMEM((_SLOTS,), jnp.int32),
            pltpu.VMEM((_SLOTS,), jnp.int32),
            pltpu.VMEM((2, _SLOTS, 128), jnp.float32),
            pltpu.VMEM((2, _SLOTS), jnp.int32),
            pltpu.VMEM((16,), jnp.int32),
            pltpu.VMEM((16,), jnp.int32),
            pltpu.SemaphoreType.DMA((2,)),
            pltpu.SemaphoreType.DMA((2,)),
        ],
        compiler_params=pltpu.CompilerParams(
            needs_layout_passes=False, disable_bounds_checks=True
        ),
    )
    def scan_kernel(
        table_hbm,
        tail_hbm,
        idx_hbm,
        out_hbm,
        idx_v,
        cand_v,
        cand_p,
        chunk_v,
        hit_u,
        hit_p,
        stage2_v,
        pos_v,
        tmp_a,
        tmp_b,
        chunk_sem,
        scat_sem,
    ):
        wid = lax.axis_index("s") * info.num_cores + lax.axis_index("c")
        dummy_row = jnp.int32(batch) + wid
        dummy16 = jnp.full((16,), jnp.int32(batch), jnp.int32) + wid

        for pb in range(2):
            pos_v[pb, pl.ds(0, 16)] = dummy16
            pos_v[pb, pl.ds(16, 16)] = dummy16
            pltpu.async_copy(
                stage2_v.at[pb], out_hbm.at[pos_v.at[pb]], scat_sem.at[pb]
            )

        pltpu.sync_copy(idx_hbm, idx_v)

        lane = lax.iota(jnp.int32, 16)

        def filter_body(q, n_cand):
            v = idx_v[pl.ds(q * 16, 16)]
            m = lax.shift_right_logical(v, 15) == wid
            cnt = jnp.sum(m.astype(jnp.int32))

            @pl.when(cnt > 0)
            def _():
                plsc.store_compressed(tmp_a.at[...], v, mask=m)
                plsc.store_compressed(tmp_b.at[...], lane + q * 16, mask=m)
                cand_v[pl.ds(n_cand, 16)] = tmp_a[...]
                cand_p[pl.ds(n_cand, 16)] = tmp_b[...]

            return n_cand + cnt

        n_cand = lax.fori_loop(0, n_qv, filter_body, jnp.int32(0))
        cand_v[pl.ds(n_cand, 16)] = jnp.full((16,), _BIG, jnp.int32)
        n_qc = (n_cand + 15) // 16

        def process_chunk(j0, cw, buf, pb):

            def wave(_):
                def scan_body(q, off):
                    cv = cand_v[pl.ds(q * 16, 16)]
                    inb = (cv >= j0) & (cv < j0 + cw)
                    cnt = jnp.sum(inb.astype(jnp.int32))
                    do = (cnt > 0) & (off < _HCAP)

                    @pl.when(do)
                    def _():
                        cp = cand_p[pl.ds(q * 16, 16)]
                        plsc.store_compressed(tmp_a.at[...], cv - j0, mask=inb)
                        plsc.store_compressed(tmp_b.at[...], cp, mask=inb)
                        hit_u[pl.ds(off, 16)] = tmp_a[...]
                        hit_p[pl.ds(off, 16)] = tmp_b[...]
                        cand_v[pl.ds(q * 16, 16)] = jnp.where(inb, _BIG, cv)

                    return off + jnp.where(do, cnt, 0)

                off = lax.fori_loop(0, n_qc, scan_body, jnp.int32(0))

                @pl.when(off > 0)
                def _():
                    pltpu.make_async_copy(
                        stage2_v.at[pb],
                        out_hbm.at[pos_v.at[pb]],
                        scat_sem.at[pb],
                    ).wait()

                    def emit_hit(j, carry):
                        w = hit_u[pl.ds((j // 16) * 16, 16)]
                        uj = jnp.sum(jnp.where(lane == j % 16, w, 0))
                        col = jnp.full((16,), uj, jnp.int32)
                        for q4 in range(embed_dim // 16):
                            vals = plsc.load_gather(buf, [lane + q4 * 16, col])
                            stage2_v[pb, j, pl.ds(q4 * 16, 16)] = vals
                        return carry

                    lax.fori_loop(0, off, emit_hit, jnp.int32(0))
                    for g in range(_SLOTS // 16):
                        slot = lane + g * 16
                        pos_v[pb, pl.ds(g * 16, 16)] = jnp.where(
                            slot < off, hit_p[pl.ds(g * 16, 16)], dummy_row
                        )
                    pltpu.async_copy(
                        stage2_v.at[pb],
                        out_hbm.at[pos_v.at[pb]],
                        scat_sem.at[pb],
                    )

                return off >= _HCAP

            lax.while_loop(lambda more: more, wave, True)

        n_chunks = jnp.clip(
            (vocab_max - wid * _STRIPE) // _CW, 0, max_chunks
        ).astype(jnp.int32)

        def fire(c, b):
            j0 = pl.multiple_of(wid * _STRIPE + c * _CW, 128)
            pltpu.async_copy(
                table_hbm.at[:, pl.ds(j0, _CW)], chunk_v.at[b], chunk_sem.at[b]
            )

        @pl.when(n_chunks > 0)
        def _():
            fire(jnp.int32(0), 0)

        @pl.when(n_chunks > 1)
        def _():
            fire(jnp.int32(1), 1)

        def chunk_pair_body(cp, carry):
            for b in range(2):
                c = cp * 2 + b

                @pl.when(c < n_chunks)
                def _():
                    pltpu.make_async_copy(
                        table_hbm.at[:, pl.ds(0, _CW)],
                        chunk_v.at[b],
                        chunk_sem.at[b],
                    ).wait()
                    j0 = wid * _STRIPE + c * _CW
                    process_chunk(j0, _CW, chunk_v.at[b], b)

                    @pl.when(c + 2 < n_chunks)
                    def _():
                        fire(c + 2, b)

            return carry

        lax.fori_loop(0, (n_chunks + 1) // 2, chunk_pair_body, jnp.int32(0))

        @pl.when(wid == tail_wid)
        def _():
            pltpu.sync_copy(tail_hbm, chunk_v.at[1])
            process_chunk(jnp.int32(tail_j0), tail_w, chunk_v.at[1], 1)

        for pb in range(2):
            pltpu.make_async_copy(
                stage2_v.at[pb], out_hbm.at[pos_v.at[pb]], scat_sem.at[pb]
            ).wait()

    W_t = W_input.T
    W_tail = lax.slice(W_t, (0, tail_j0), (embed_dim, vocab_max))
    W_tail = jnp.pad(W_tail, ((0, 0), (0, _CW - tail_w)))
    out_pad = scan_kernel(W_t, W_tail, input_vector)
    return out_pad[:batch, :embed_dim]

# --- scband reference (transcript-rebuilt; emitter-appended) ---
"""Pipeline reference for scband-graph2-vec-model-41437844471816 (READ-ONLY COPY).

The authoritative reference and input builder live on the scoring server;
editing this copy changes nothing except your own understanding.
"""

import jax, jax.numpy as jnp
import numpy as np

VOCAB = 1000000
EMBED_DIM = 64
BATCH = 16384

def setup_inputs(seed: int = 0) -> dict:
    key = jax.random.key(seed)
    k_idx, k_in, k_tgt = jax.random.split(key, 3)
    input_vector = jax.random.randint(k_idx, (BATCH,), 0, VOCAB, dtype=jnp.int32)
    # nn.Embedding(input_dim + 1, embedding_dim) with weights uniform in [-1, 1]
    W_input = jax.random.uniform(k_in, (VOCAB + 1, EMBED_DIM), minval=-1.0, maxval=1.0, dtype=jnp.float32)
    W_target = jax.random.uniform(k_tgt, (VOCAB + 1, EMBED_DIM), minval=-1.0, maxval=1.0, dtype=jnp.float32)
    return {"input_vector": input_vector, "W_input": W_input, "W_target": W_target}

def reference(input_vector, W_input, W_target):
    # Graph2VecModel.input_forward: embedding lookup into the input table.
    # (W_target is the target_embedding_layer parameter; unused on this path,
    #  mirroring the torch module which only touches input_embedding_layer.)
    return jnp.take(W_input, input_vector, axis=0)

if __name__ == "__main__":
    import jax
    _d = setup_inputs()
    print(jax.jit(kernel)(*tuple(_d.values())))

</pallas_src>

<mosaic_0001>
#map = affine_map<(d0, d1) -> (0, 0)>
#map1 = affine_map<(d0, d1) -> (0)>
module attributes {stable_mosaic.version = 14 : i64} {
  func.func @scan_kernel(%arg0: i32, %arg1: i32, %arg2: memref<64x1000001xf32, #tpu.memory_space<hbm>>, %arg3: memref<64x512xf32, #tpu.memory_space<hbm>>, %arg4: memref<16384xi32, #tpu.memory_space<hbm>>, %arg5: memref<16416x128xf32, #tpu.memory_space<hbm>>, %arg6: memref<16384xi32, #tpu.memory_space<vmem>>, %arg7: memref<16400xi32, #tpu.memory_space<vmem>>, %arg8: memref<16384xi32, #tpu.memory_space<vmem>>, %arg9: memref<2x64x512xf32, #tpu.memory_space<vmem>>, %arg10: memref<32xi32, #tpu.memory_space<vmem>>, %arg11: memref<32xi32, #tpu.memory_space<vmem>>, %arg12: memref<2x32x128xf32, #tpu.memory_space<vmem>>, %arg13: memref<2x32xi32, #tpu.memory_space<vmem>>, %arg14: memref<16xi32, #tpu.memory_space<vmem>>, %arg15: memref<16xi32, #tpu.memory_space<vmem>>, %arg16: memref<2x!tpu.dma_semaphore, #tpu.memory_space<semaphore_mem>>, %arg17: memref<2x!tpu.dma_semaphore, #tpu.memory_space<semaphore_mem>>) attributes {dimension_semantics = [#tpu.dimension_semantics<core_parallel>, #tpu.dimension_semantics<subcore_parallel>], iteration_bounds = array<i64: 2, 16>, scalar_prefetch = 0 : i64, scratch_operands = 12 : i64, tpu.core_type = #tpu.core_type<sc_vector_subcore>, window_params = [{transform_indices = #map}, {transform_indices = #map}, {transform_indices = #map1}, {transform_indices = #map}]} {
    %mul3A = arith.constant 2 : i32
    %mul3A_0 = arith.muli %arg1, %mul3A : i32
    %add3A = arith.addi %mul3A_0, %arg0 : i32
    %add3A_1 = arith.constant 16384 : i32
    %add3A_2 = arith.addi %add3A_1, %add3A : i32
    %broadcast_in_dim3A = arith.constant 16384 : i32
    %broadcast_in_dim3A_3 = vector.broadcast %broadcast_in_dim3A : i32 to vector<16xi32>
    %add3A_4 = vector.broadcast %add3A : i32 to vector<16xi32>
    %add3A_5 = arith.addi %broadcast_in_dim3A_3, %add3A_4 : vector<16xi32>
    %swap3A = arith.constant 0 : i32
    %swap3A_6 = arith.index_cast %swap3A : i32 to index
    %swap3A_7 = arith.constant 0 : index
    %swap3A_8 = tpu.vector_load %arg13[%swap3A_6, %swap3A_7] {strides = array<i32>} : memref<2x32xi32, #tpu.memory_space<vmem>>, vector<16xi32>,
    tpu.vector_store %arg13[%swap3A_6, %swap3A_7], %add3A_5 {strides = array<i32>} : memref<2x32xi32, #tpu.memory_space<vmem>>, vector<16xi32>,
    %swap3A_9 = arith.constant 0 : i32
    %swap3A_10 = arith.index_cast %swap3A_9 : i32 to index
    %swap3A_11 = arith.constant 16 : index
    %swap3A_12 = tpu.vector_load %arg13[%swap3A_10, %swap3A_11] {strides = array<i32>} : memref<2x32xi32, #tpu.memory_space<vmem>>, vector<16xi32>,
    tpu.vector_store %arg13[%swap3A_10, %swap3A_11], %add3A_5 {strides = array<i32>} : memref<2x32xi32, #tpu.memory_space<vmem>>, vector<16xi32>,
    %dma_start3A = arith.constant 0 : i32
    %dma_start3A_13 = arith.constant 0 : i32
    %dma_start3A_14 = arith.constant 0 : i32
    %dma_start3A_15 = arith.constant 0 : i32
    %dma_start3A_16 = arith.constant 0 : i32
    %dma_start3A_17 = tpu.memref_slice %arg12[%dma_start3A, %dma_start3A_15, %dma_start3A_16] : memref<2x32x128xf32, #tpu.memory_space<vmem>> -> memref<1x32x128xf32, #tpu.memory_space<vmem>>
    %dma_start3A_18 = tpu.memref_squeeze %dma_start3A_17 : memref<1x32x128xf32, #tpu.memory_space<vmem>> -> memref<32x128xf32, #tpu.memory_space<vmem>>
    %dma_start3A_19 = arith.constant 0 : i32
    %dma_start3A_20 = tpu.memref_slice %arg13[%dma_start3A_13, %dma_start3A_19] : memref<2x32xi32, #tpu.memory_space<vmem>> -> memref<1x32xi32, #tpu.memory_space<vmem>>
    %dma_start3A_21 = tpu.memref_squeeze %dma_start3A_20 : memref<1x32xi32, #tpu.memory_space<vmem>> -> memref<32xi32, #tpu.memory_space<vmem>>
    %dma_start3A_22 = arith.constant 0 : i32
    %dma_start3A_23 = arith.constant 0 : i32
    %dma_start3A_24 = tpu.memref_slice %arg5[%dma_start3A_22, %dma_start3A_23] : memref<16416x128xf32, #tpu.memory_space<hbm>> -> memref<16416x128xf32, #tpu.memory_space<hbm>>
    %dma_start3A_25 = tpu.memref_slice %arg17[%dma_start3A_14] : memref<2x!tpu.dma_semaphore, #tpu.memory_space<semaphore_mem>> -> memref<1x!tpu.dma_semaphore, #tpu.memory_space<semaphore_mem>>
    %dma_start3A_26 = tpu.memref_squeeze %dma_start3A_25 : memref<1x!tpu.dma_semaphore, #tpu.memory_space<semaphore_mem>> -> memref<!tpu.dma_semaphore, #tpu.memory_space<semaphore_mem>>
    tpu.enqueue_indirect_dma source(%dma_start3A_18 : memref<32x128xf32, #tpu.memory_space<vmem>>) target(%dma_start3A_24 : memref<16416x128xf32, #tpu.memory_space<hbm>>) offsets(%dma_start3A_21 : memref<32xi32, #tpu.memory_space<vmem>>) semaphore(%dma_start3A_26 : memref<!tpu.dma_semaphore, #tpu.memory_space<semaphore_mem>>)
    %swap3A_27 = arith.constant 1 : i32
    %swap3A_28 = arith.index_cast %swap3A_27 : i32 to index
    %swap3A_29 = arith.constant 0 : index
    %swap3A_30 = tpu.vector_load %arg13[%swap3A_28, %swap3A_29] {strides = array<i32>} : memref<2x32xi32, #tpu.memory_space<vmem>>, vector<16xi32>,
    tpu.vector_store %arg13[%swap3A_28, %swap3A_29], %add3A_5 {strides = array<i32>} : memref<2x32xi32, #tpu.memory_space<vmem>>, vector<16xi32>,
    %swap3A_31 = arith.constant 1 : i32
    %swap3A_32 = arith.index_cast %swap3A_31 : i32 to index
    %swap3A_33 = arith.constant 16 : index
    %swap3A_34 = tpu.vector_load %arg13[%swap3A_32, %swap3A_33] {strides = array<i32>} : memref<2x32xi32, #tpu.memory_space<vmem>>, vector<16xi32>,
    tpu.vector_store %arg13[%swap3A_32, %swap3A_33], %add3A_5 {strides = array<i32>} : memref<2x32xi32, #tpu.memory_space<vmem>>, vector<16xi32>,
    %dma_start3A_35 = arith.constant 1 : i32
    %dma_start3A_36 = arith.constant 1 : i32
    %dma_start3A_37 = arith.constant 1 : i32
    %dma_start3A_38 = arith.constant 0 : i32
    %dma_start3A_39 = arith.constant 0 : i32
    %dma_start3A_40 = tpu.memref_slice %arg12[%dma_start3A_35, %dma_start3A_38, %dma_start3A_39] : memref<2x32x128xf32, #tpu.memory_space<vmem>> -> memref<1x32x128xf32, #tpu.memory_space<vmem>>
    %dma_start3A_41 = tpu.memref_squeeze %dma_start3A_40 : memref<1x32x128xf32, #tpu.memory_space<vmem>> -> memref<32x128xf32, #tpu.memory_space<vmem>>
    %dma_start3A_42 = arith.constant 0 : i32
    %dma_start3A_43 = tpu.memref_slice %arg13[%dma_start3A_36, %dma_start3A_42] : memref<2x32xi32, #tpu.memory_space<vmem>> -> memref<1x32xi32, #tpu.memory_space<vmem>>
    %dma_start3A_44 = tpu.memref_squeeze %dma_start3A_43 : memref<1x32xi32, #tpu.memory_space<vmem>> -> memref<32xi32, #tpu.memory_space<vmem>>
    %dma_start3A_45 = arith.constant 0 : i32
    %dma_start3A_46 = arith.constant 0 : i32
    %dma_start3A_47 = tpu.memref_slice %arg5[%dma_start3A_45, %dma_start3A_46] : memref<16416x128xf32, #tpu.memory_space<hbm>> -> memref<16416x128xf32, #tpu.memory_space<hbm>>
    %dma_start3A_48 = tpu.memref_slice %arg17[%dma_start3A_37] : memref<2x!tpu.dma_semaphore, #tpu.memory_space<semaphore_mem>> -> memref<1x!tpu.dma_semaphore, #tpu.memory_space<semaphore_mem>>
    %dma_start3A_49 = tpu.memref_squeeze %dma_start3A_48 : memref<1x!tpu.dma_semaphore, #tpu.memory_space<semaphore_mem>> -> memref<!tpu.dma_semaphore, #tpu.memory_space<semaphore_mem>>
    tpu.enqueue_indirect_dma source(%dma_start3A_41 : memref<32x128xf32, #tpu.memory_space<vmem>>) target(%dma_start3A_47 : memref<16416x128xf32, #tpu.memory_space<hbm>>) offsets(%dma_start3A_44 : memref<32xi32, #tpu.memory_space<vmem>>) semaphore(%dma_start3A_49 : memref<!tpu.dma_semaphore, #tpu.memory_space<semaphore_mem>>)
    "tpu.region"() ({
      %run_scoped3A = tpu.sem_alloc : memref<!tpu.dma_semaphore, #tpu.memory_space<semaphore_mem>>
      tpu.enqueue_dma source(%arg4 : memref<16384xi32, #tpu.memory_space<hbm>>) target(%arg6 : memref<16384xi32, #tpu.memory_space<vmem>>) target_semaphore(%run_scoped3A : memref<!tpu.dma_semaphore, #tpu.memory_space<semaphore_mem>>)
      tpu.wait_dma2 semaphore(%run_scoped3A : memref<!tpu.dma_semaphore, #tpu.memory_space<semaphore_mem>>) src(%arg4 : memref<16384xi32, #tpu.memory_space<hbm>>) dst(%arg6 : memref<16384xi32, #tpu.memory_space<vmem>>)
      tpu.yield
    }) : () -> ()
    %iota3A = tpu.iota {dimensions = array<i32: 0>} : vector<16xi32>
    %scan3A = arith.constant 0 : i32
    %scan3A_50 = arith.constant 0 : i32
    %scan3A_51 = arith.constant 1024 : i32
    %scan3A_52 = arith.addi %scan3A_50, %scan3A_51 : i32
    %scan3A_53 = arith.constant 1 : i32
    %scan3A_54 = scf.for %scan3A_183 = %scan3A_50 to %scan3A_52 step %scan3A_53 iter_args(%scan3A_184 = %scan3A) -> (i32)  : i32 {
      %mul3A_185 = arith.constant 16 : i32
      %mul3A_186 = arith.muli %scan3A_183, %mul3A_185 : i32
      %get3A = arith.index_cast %mul3A_186 : i32 to index
      %get3A_187 = tpu.vector_load %arg6[%get3A] {strides = array<i32>} : memref<16384xi32, #tpu.memory_space<vmem>>, vector<16xi32>,
      %shift_right_logical3A = arith.constant 15 : i32
      %shift_right_logical3A_188 = vector.broadcast %shift_right_logical3A : i32 to vector<16xi32>
      %shift_right_logical3A_189 = arith.shrui %get3A_187, %shift_right_logical3A_188 : vector<16xi32>
      %eq3A_190 = vector.broadcast %add3A : i32 to vector<16xi32>
      %eq3A_191 = arith.cmpi eq, %shift_right_logical3A_189, %eq3A_190 : vector<16xi32>
      %convert_element_type3A_192 = arith.extui %eq3A_191 : vector<16xi1> to vector<16xi32>
      %reduce_sum3A = arith.constant true
      %reduce_sum3A_193 = vector.broadcast %reduce_sum3A : i1 to vector<16xi1>
      %reduce_sum3A_194 = tpu.scan <sum>, %convert_element_type3A_192 masked %reduce_sum3A_193 : vector<16xi32>, vector<16xi1> -> vector<16xi32>
      %reduce_sum3A_195 = vector.extract %reduce_sum3A_194[15] : i32 from vector<16xi32>
      %gt3A_196 = arith.constant 0 : i32
      %gt3A_197 = arith.cmpi sgt, %reduce_sum3A_195, %gt3A_196 : i32
      %convert_element_type3A_198 = arith.extui %gt3A_197 : i1 to i32
      %cond3A_199 = arith.constant 0 : i32
      %cond3A_200 = arith.cmpi ne, %convert_element_type3A_198, %cond3A_199 : i32
      scf.if %cond3A_200 {
        %swap3A_202 = arith.constant 0 : index
        %swap3A_203 = tpu.vector_load %arg14[%swap3A_202] masked %eq3A_191 {strides = array<i32>} : memref<16xi32, #tpu.memory_space<vmem>>, vector<16xi32>, vector<16xi1>
        tpu.vector_store %arg14[%swap3A_202], %get3A_187 masked %eq3A_191 {strides = array<i32>} : memref<16xi32, #tpu.memory_space<vmem>>, vector<16xi32>, vector<16xi1>
        %mul3A_204 = arith.constant 16 : i32
        %mul3A_205 = arith.muli %scan3A_183, %mul3A_204 : i32
        %add3A_206 = vector.broadcast %mul3A_205 : i32 to vector<16xi32>
        %add3A_207 = arith.addi %iota3A, %add3A_206 : vector<16xi32>
        %swap3A_208 = arith.constant 0 : index
        %swap3A_209 = tpu.vector_load %arg15[%swap3A_208] masked %eq3A_191 {strides = array<i32>} : memref<16xi32, #tpu.memory_space<vmem>>, vector<16xi32>, vector<16xi1>
        tpu.vector_store %arg15[%swap3A_208], %add3A_207 masked %eq3A_191 {strides = array<i32>} : memref<16xi32, #tpu.memory_space<vmem>>, vector<16xi32>, vector<16xi1>
        %get3A_210 = arith.constant 0 : index
        %get3A_211 = tpu.vector_load %arg14[%get3A_210] {strides = array<i32>} : memref<16xi32, #tpu.memory_space<vmem>>, vector<16xi32>,
        %swap3A_212 = arith.index_cast %scan3A_184 : i32 to index
        %swap3A_213 = tpu.vector_load %arg7[%swap3A_212] {strides = array<i32>} : memref<16400xi32, #tpu.memory_space<vmem>>, vector<16xi32>,
        tpu.vector_store %arg7[%swap3A_212], %get3A_211 {strides = array<i32>} : memref<16400xi32, #tpu.memory_space<vmem>>, vector<16xi32>,
        %get3A_214 = arith.constant 0 : index
        %get3A_215 = tpu.vector_load %arg15[%get3A_214] {strides = array<i32>} : memref<16xi32, #tpu.memory_space<vmem>>, vector<16xi32>,
        %swap3A_216 = arith.index_cast %scan3A_184 : i32 to index
        %swap3A_217 = tpu.vector_load %arg8[%swap3A_216] {strides = array<i32>} : memref<16384xi32, #tpu.memory_space<vmem>>, vector<16xi32>,
        tpu.vector_store %arg8[%swap3A_216], %get3A_215 {strides = array<i32>} : memref<16384xi32, #tpu.memory_space<vmem>>, vector<16xi32>,
      } else {
      }
      %add3A_201 = arith.addi %scan3A_184, %reduce_sum3A_195 : i32
      scf.yield %add3A_201 : i32
    }
    %scan3A_55 = arith.constant 1024 : i32
    %broadcast_in_dim3A_56 = arith.constant 2147483632 : i32
    %broadcast_in_dim3A_57 = vector.broadcast %broadcast_in_dim3A_56 : i32 to vector<16xi32>
    %swap3A_58 = arith.index_cast %scan3A_54 : i32 to index
    %swap3A_59 = tpu.vector_load %arg7[%swap3A_58] {strides = array<i32>} : memref<16400xi32, #tpu.memory_space<vmem>>, vector<16xi32>,
    tpu.vector_store %arg7[%swap3A_58], %broadcast_in_dim3A_57 {strides = array<i32>} : memref<16400xi32, #tpu.memory_space<vmem>>, vector<16xi32>,
    %add3A_60 = arith.constant 15 : i32
    %add3A_61 = arith.addi %scan3A_54, %add3A_60 : i32
    %jit3A = arith.constant 16 : i32
    %div3A = arith.divsi %add3A_61, %jit3A : i32
    %sign3A = arith.constant 0 : i32
    %sign3A_62 = arith.cmpi sgt, %add3A_61, %sign3A : i32
    %sign3A_63 = arith.extui %sign3A_62 : i1 to i32
    %sign3A_64 = arith.constant 0 : i32
    %sign3A_65 = arith.cmpi slt, %add3A_61, %sign3A_64 : i32
    %sign3A_66 = arith.extui %sign3A_65 : i1 to i32
    %sign3A_67 = arith.subi %sign3A_63, %sign3A_66 : i32
    %sign3A_68 = arith.constant 0 : i32
    %sign3A_69 = arith.cmpi sgt, %jit3A, %sign3A_68 : i32
    %sign3A_70 = arith.extui %sign3A_69 : i1 to i32
    %sign3A_71 = arith.constant 0 : i32
    %sign3A_72 = arith.cmpi slt, %jit3A, %sign3A_71 : i32
    %sign3A_73 = arith.extui %sign3A_72 : i1 to i32
    %sign3A_74 = arith.subi %sign3A_70, %sign3A_73 : i32
    %ne3A = arith.cmpi ne, %sign3A_67, %sign3A_74 : i32
    %rem3A = arith.remsi %add3A_61, %jit3A : i32
    %ne3A_75 = arith.constant 0 : i32
    %ne3A_76 = arith.cmpi ne, %rem3A, %ne3A_75 : i32
    %and3A = arith.andi %ne3A, %ne3A_76 : i1
    %sub3A = arith.constant 1 : i32
    %sub3A_77 = arith.subi %div3A, %sub3A : i32
    %select_n3A = arith.select %and3A, %sub3A_77, %div3A : i32
    %mul3A_78 = arith.constant 32768 : i32
    %mul3A_79 = arith.muli %add3A, %mul3A_78 : i32
    %sub3A_80 = arith.constant 1000000 : i32
    %sub3A_81 = arith.subi %sub3A_80, %mul3A_79 : i32
    %jit3A_82 = arith.constant 512 : i32
    %div3A_83 = arith.divsi %sub3A_81, %jit3A_82 : i32
    %sign3A_84 = arith.constant 0 : i32
    %sign3A_85 = arith.cmpi sgt, %sub3A_81, %sign3A_84 : i32
    %sign3A_86 = arith.extui %sign3A_85 : i1 to i32
    %sign3A_87 = arith.constant 0 : i32
    %sign3A_88 = arith.cmpi slt, %sub3A_81, %sign3A_87 : i32
    %sign3A_89 = arith.extui %sign3A_88 : i1 to i32
    %sign3A_90 = arith.subi %sign3A_86, %sign3A_89 : i32
    %sign3A_91 = arith.constant 0 : i32
    %sign3A_92 = arith.cmpi sgt, %jit3A_82, %sign3A_91 : i32
    %sign3A_93 = arith.extui %sign3A_92 : i1 to i32
    %sign3A_94 = arith.constant 0 : i32
    %sign3A_95 = arith.cmpi slt, %jit3A_82, %sign3A_94 : i32
    %sign3A_96 = arith.extui %sign3A_95 : i1 to i32
    %sign3A_97 = arith.subi %sign3A_93, %sign3A_96 : i32
    %ne3A_98 = arith.cmpi ne, %sign3A_90, %sign3A_97 : i32
    %rem3A_99 = arith.remsi %sub3A_81, %jit3A_82 : i32
    %ne3A_100 = arith.constant 0 : i32
    %ne3A_101 = arith.cmpi ne, %rem3A_99, %ne3A_100 : i32
    %and3A_102 = arith.andi %ne3A_98, %ne3A_101 : i1
    %sub3A_103 = arith.constant 1 : i32
    %sub3A_104 = arith.subi %div3A_83, %sub3A_103 : i32
    %select_n3A_105 = arith.select %and3A_102, %sub3A_104, %div3A_83 : i32
    %jit3A_106 = arith.constant 0 : i32
    %jit3A_107 = arith.constant 64 : i32
    %max3A = arith.maxsi %jit3A_106, %select_n3A_105 : i32
    %min3A = arith.minsi %jit3A_107, %max3A : i32
    %gt3A = arith.constant 0 : i32
    %gt3A_108 = arith.cmpi sgt, %min3A, %gt3A : i32
    %convert_element_type3A = arith.extui %gt3A_108 : i1 to i32
    %cond3A = arith.constant 0 : i32
    %cond3A_109 = arith.cmpi ne, %convert_element_type3A, %cond3A : i32
    scf.if %cond3A_109 {
      %mul3A_183 = arith.constant 32768 : i32
      %mul3A_184 = arith.muli %add3A, %mul3A_183 : i32
      %mul3A_185 = arith.constant 0 : i32
      %mul3A_186 = arith.constant 512 : i32
      %mul3A_187 = arith.muli %mul3A_185, %mul3A_186 : i32
      %add3A_188 = arith.addi %mul3A_184, %mul3A_187 : i32
      %multiple_of3A = tpu.assume_multiple %add3A_188, 128 : i32
      %dma_start3A_189 = arith.constant 0 : i32
      %dma_start3A_190 = arith.constant 0 : i32
      %dma_start3A_191 = arith.constant 0 : i32
      %dma_start3A_192 = arith.constant 0 : i32
      %dma_start3A_193 = tpu.memref_slice %arg9[%dma_start3A_189, %dma_start3A_191, %dma_start3A_192] : memref<2x64x512xf32, #tpu.memory_space<vmem>> -> memref<1x64x512xf32, #tpu.memory_space<vmem>>
      %dma_start3A_194 = tpu.memref_squeeze %dma_start3A_193 : memref<1x64x512xf32, #tpu.memory_space<vmem>> -> memref<64x512xf32, #tpu.memory_space<vmem>>
      %dma_start3A_195 = arith.constant 0 : i32
      %dma_start3A_196 = tpu.memref_slice %arg2[%dma_start3A_195, %multiple_of3A] : memref<64x1000001xf32, #tpu.memory_space<hbm>> -> memref<64x512xf32, #tpu.memory_space<hbm>>
      %dma_start3A_197 = tpu.memref_slice %arg16[%dma_start3A_190] : memref<2x!tpu.dma_semaphore, #tpu.memory_space<semaphore_mem>> -> memref<1x!tpu.dma_semaphore, #tpu.memory_space<semaphore_mem>>
      %dma_start3A_198 = tpu.memref_squeeze %dma_start3A_197 : memref<1x!tpu.dma_semaphore, #tpu.memory_space<semaphore_mem>> -> memref<!tpu.dma_semaphore, #tpu.memory_space<semaphore_mem>>
      %dma_start3A_199 = arith.constant 0 : i32
      %dma_start3A_200 = arith.constant 0 : i32
      %dma_start3A_201 = tpu.memref_slice %arg9[%dma_start3A_189, %dma_start3A_199, %dma_start3A_200] : memref<2x64x512xf32, #tpu.memory_space<vmem>> -> memref<1x64x512xf32, #tpu.memory_space<vmem>>
      %dma_start3A_202 = tpu.memref_squeeze %dma_start3A_201 : memref<1x64x512xf32, #tpu.memory_space<vmem>> -> memref<64x512xf32, #tpu.memory_space<vmem>>
      %dma_start3A_203 = arith.constant 0 : i32
      %dma_start3A_204 = tpu.memref_slice %arg2[%dma_start3A_203, %multiple_of3A] : memref<64x1000001xf32, #tpu.memory_space<hbm>> -> memref<64x512xf32, #tpu.memory_space<hbm>>
      tpu.enqueue_dma source(%dma_start3A_204 : memref<64x512xf32, #tpu.memory_space<hbm>>) target(%dma_start3A_202 : memref<64x512xf32, #tpu.memory_space<vmem>>) target_semaphore(%dma_start3A_198 : memref<!tpu.dma_semaphore, #tpu.memory_space<semaphore_mem>>)
    } else {
    }
    %gt3A_110 = arith.constant 1 : i32
    %gt3A_111 = arith.cmpi sgt, %min3A, %gt3A_110 : i32
    %convert_element_type3A_112 = arith.extui %gt3A_111 : i1 to i32
    %cond3A_113 = arith.constant 0 : i32
    %cond3A_114 = arith.cmpi ne, %convert_element_type3A_112, %cond3A_113 : i32
    scf.if %cond3A_114 {
      %mul3A_183 = arith.constant 32768 : i32
      %mul3A_184 = arith.muli %add3A, %mul3A_183 : i32
      %mul3A_185 = arith.constant 1 : i32
      %mul3A_186 = arith.constant 512 : i32
      %mul3A_187 = arith.muli %mul3A_185, %mul3A_186 : i32
      %add3A_188 = arith.addi %mul3A_184, %mul3A_187 : i32
      %multiple_of3A = tpu.assume_multiple %add3A_188, 128 : i32
      %dma_start3A_189 = arith.constant 1 : i32
      %dma_start3A_190 = arith.constant 1 : i32
      %dma_start3A_191 = arith.constant 0 : i32
      %dma_start3A_192 = arith.constant 0 : i32
      %dma_start3A_193 = tpu.memref_slice %arg9[%dma_start3A_189, %dma_start3A_191, %dma_start3A_192] : memref<2x64x512xf32, #tpu.memory_space<vmem>> -> memref<1x64x512xf32, #tpu.memory_space<vmem>>
      %dma_start3A_194 = tpu.memref_squeeze %dma_start3A_193 : memref<1x64x512xf32, #tpu.memory_space<vmem>> -> memref<64x512xf32, #tpu.memory_space<vmem>>
      %dma_start3A_195 = arith.constant 0 : i32
      %dma_start3A_196 = tpu.memref_slice %arg2[%dma_start3A_195, %multiple_of3A] : memref<64x1000001xf32, #tpu.memory_space<hbm>> -> memref<64x512xf32, #tpu.memory_space<hbm>>
      %dma_start3A_197 = tpu.memref_slice %arg16[%dma_start3A_190] : memref<2x!tpu.dma_semaphore, #tpu.memory_space<semaphore_mem>> -> memref<1x!tpu.dma_semaphore, #tpu.memory_space<semaphore_mem>>
      %dma_start3A_198 = tpu.memref_squeeze %dma_start3A_197 : memref<1x!tpu.dma_semaphore, #tpu.memory_space<semaphore_mem>> -> memref<!tpu.dma_semaphore, #tpu.memory_space<semaphore_mem>>
      %dma_start3A_199 = arith.constant 0 : i32
      %dma_start3A_200 = arith.constant 0 : i32
      %dma_start3A_201 = tpu.memref_slice %arg9[%dma_start3A_189, %dma_start3A_199, %dma_start3A_200] : memref<2x64x512xf32, #tpu.memory_space<vmem>> -> memref<1x64x512xf32, #tpu.memory_space<vmem>>
      %dma_start3A_202 = tpu.memref_squeeze %dma_start3A_201 : memref<1x64x512xf32, #tpu.memory_space<vmem>> -> memref<64x512xf32, #tpu.memory_space<vmem>>
      %dma_start3A_203 = arith.constant 0 : i32
      %dma_start3A_204 = tpu.memref_slice %arg2[%dma_start3A_203, %multiple_of3A] : memref<64x1000001xf32, #tpu.memory_space<hbm>> -> memref<64x512xf32, #tpu.memory_space<hbm>>
      tpu.enqueue_dma source(%dma_start3A_204 : memref<64x512xf32, #tpu.memory_space<hbm>>) target(%dma_start3A_202 : memref<64x512xf32, #tpu.memory_space<vmem>>) target_semaphore(%dma_start3A_198 : memref<!tpu.dma_semaphore, #tpu.memory_space<semaphore_mem>>)
    } else {
    }
    %add3A_115 = arith.constant 1 : i32
    %add3A_116 = arith.addi %min3A, %add3A_115 : i32
    %jit3A_117 = arith.constant 2 : i32
    %div3A_118 = arith.divsi %add3A_116, %jit3A_117 : i32
    %sign3A_119 = arith.constant 0 : i32
    %sign3A_120 = arith.cmpi sgt, %add3A_116, %sign3A_119 : i32
    %sign3A_121 = arith.extui %sign3A_120 : i1 to i32
    %sign3A_122 = arith.constant 0 : i32
    %sign3A_123 = arith.cmpi slt, %add3A_116, %sign3A_122 : i32
    %sign3A_124 = arith.extui %sign3A_123 : i1 to i32
    %sign3A_125 = arith.subi %sign3A_121, %sign3A_124 : i32
    %sign3A_126 = arith.constant 0 : i32
    %sign3A_127 = arith.cmpi sgt, %jit3A_117, %sign3A_126 : i32
    %sign3A_128 = arith.extui %sign3A_127 : i1 to i32
    %sign3A_129 = arith.constant 0 : i32
    %sign3A_130 = arith.cmpi slt, %jit3A_117, %sign3A_129 : i32
    %sign3A_131 = arith.extui %sign3A_130 : i1 to i32
    %sign3A_132 = arith.subi %sign3A_128, %sign3A_131 : i32
    %ne3A_133 = arith.cmpi ne, %sign3A_125, %sign3A_132 : i32
    %rem3A_134 = arith.remsi %add3A_116, %jit3A_117 : i32
    %ne3A_135 = arith.constant 0 : i32
    %ne3A_136 = arith.cmpi ne, %rem3A_134, %ne3A_135 : i32
    %and3A_137 = arith.andi %ne3A_133, %ne3A_136 : i1
    %sub3A_138 = arith.constant 1 : i32
    %sub3A_139 = arith.subi %div3A_118, %sub3A_138 : i32
    %select_n3A_140 = arith.select %and3A_137, %sub3A_139, %div3A_118 : i32
    %while3A = arith.constant 0 : i32
    %while3A_141 = arith.constant 0 : i32
    %while3A_142 = arith.subi %select_n3A_140, %while3A_141 : i32
    %while3A_143 = arith.addi %while3A_141, %while3A_142 : i32
    %while3A_144 = arith.constant 1 : i32
    %while3A_145 = arith.divsi %while3A_142, %while3A_144 : i32
    %while3A_146 = arith.muli %while3A_145, %while3A_144 : i32
    %while3A_147 = arith.addi %while3A_141, %while3A_146 : i32
    %while3A_148 = arith.constant 1 : i32
    scf.for %while3A_183 = %while3A_141 to %while3A_147 step %while3A_148  : i32 {
      %mul3A_184 = arith.constant 2 : i32
      %mul3A_185 = arith.muli %while3A_183, %mul3A_184 : i32
      %add3A_186 = arith.constant 0 : i32
      %add3A_187 = arith.addi %mul3A_185, %add3A_186 : i32
      %lt3A = arith.cmpi slt, %add3A_187, %min3A : i32
      %convert_element_type3A_188 = arith.extui %lt3A : i1 to i32
      %cond3A_189 = arith.constant 0 : i32
      %cond3A_190 = arith.cmpi ne, %convert_element_type3A_188, %cond3A_189 : i32
      scf.if %cond3A_190 {
        %dma_wait3A_199 = arith.constant 0 : i32
        %dma_wait3A_200 = arith.constant 0 : i32
        %dma_wait3A_201 = arith.constant 0 : i32
        %dma_wait3A_202 = arith.constant 0 : i32
        %dma_wait3A_203 = tpu.memref_slice %arg9[%dma_wait3A_199, %dma_wait3A_201, %dma_wait3A_202] : memref<2x64x512xf32, #tpu.memory_space<vmem>> -> memref<1x64x512xf32, #tpu.memory_space<vmem>>
        %dma_wait3A_204 = tpu.memref_squeeze %dma_wait3A_203 : memref<1x64x512xf32, #tpu.memory_space<vmem>> -> memref<64x512xf32, #tpu.memory_space<vmem>>
        %dma_wait3A_205 = arith.constant 0 : i32
        %dma_wait3A_206 = arith.constant 0 : i32
        %dma_wait3A_207 = tpu.memref_slice %arg2[%dma_wait3A_205, %dma_wait3A_206] : memref<64x1000001xf32, #tpu.memory_space<hbm>> -> memref<64x512xf32, #tpu.memory_space<hbm>>
        %dma_wait3A_208 = tpu.memref_slice %arg16[%dma_wait3A_200] : memref<2x!tpu.dma_semaphore, #tpu.memory_space<semaphore_mem>> -> memref<1x!tpu.dma_semaphore, #tpu.memory_space<semaphore_mem>>
        %dma_wait3A_209 = tpu.memref_squeeze %dma_wait3A_208 : memref<1x!tpu.dma_semaphore, #tpu.memory_space<semaphore_mem>> -> memref<!tpu.dma_semaphore, #tpu.memory_space<semaphore_mem>>
        %dma_wait3A_210 = arith.constant 0 : i32
        %dma_wait3A_211 = arith.constant 0 : i32
        %dma_wait3A_212 = tpu.memref_slice %arg9[%dma_wait3A_199, %dma_wait3A_210, %dma_wait3A_211] : memref<2x64x512xf32, #tpu.memory_space<vmem>> -> memref<1x64x512xf32, #tpu.memory_space<vmem>>
        %dma_wait3A_213 = tpu.memref_squeeze %dma_wait3A_212 : memref<1x64x512xf32, #tpu.memory_space<vmem>> -> memref<64x512xf32, #tpu.memory_space<vmem>>
        %dma_wait3A_214 = arith.constant 0 : i32
        %dma_wait3A_215 = arith.constant 0 : i32
        %dma_wait3A_216 = tpu.memref_slice %arg2[%dma_wait3A_214, %dma_wait3A_215] : memref<64x1000001xf32, #tpu.memory_space<hbm>> -> memref<64x512xf32, #tpu.memory_space<hbm>>
        tpu.wait_dma2 semaphore(%dma_wait3A_209 : memref<!tpu.dma_semaphore, #tpu.memory_space<semaphore_mem>>) src(%dma_wait3A_216 : memref<64x512xf32, #tpu.memory_space<hbm>>) dst(%dma_wait3A_213 : memref<64x512xf32, #tpu.memory_space<vmem>>)
        %mul3A_217 = arith.constant 32768 : i32
        %mul3A_218 = arith.muli %add3A, %mul3A_217 : i32
        %mul3A_219 = arith.constant 512 : i32
        %mul3A_220 = arith.muli %add3A_187, %mul3A_219 : i32
        %add3A_221 = arith.addi %mul3A_218, %mul3A_220 : i32
        %while3A_222 = arith.constant 0 : i32
        %while3A_223 = arith.constant true
        %while3A_224 = scf.while (%while3A_231 = %while3A_223) : (i1) -> i1 {
          scf.condition(%while3A_231) %while3A_231 : i1
        } do {
        ^bb0(%while3A_231: i1):
          %while3A_232 = arith.constant 0 : i32
          %while3A_233 = arith.constant 0 : i32
          %while3A_234 = arith.subi %select_n3A, %while3A_232 : i32
          %while3A_235 = arith.addi %while3A_232, %while3A_234 : i32
          %while3A_236 = arith.constant 1 : i32
          %while3A_237 = arith.divsi %while3A_234, %while3A_236 : i32
          %while3A_238 = arith.muli %while3A_237, %while3A_236 : i32
          %while3A_239 = arith.addi %while3A_232, %while3A_238 : i32
          %while3A_240 = arith.constant 1 : i32
          %while3A_241 = scf.for %while3A_250 = %while3A_232 to %while3A_239 step %while3A_240 iter_args(%while3A_251 = %while3A_233) -> (i32)  : i32 {
            %mul3A_252 = arith.constant 16 : i32
            %mul3A_253 = arith.muli %while3A_250, %mul3A_252 : i32
            %get3A = arith.index_cast %mul3A_253 : i32 to index
            %get3A_254 = tpu.vector_load %arg7[%get3A] {strides = array<i32>} : memref<16400xi32, #tpu.memory_space<vmem>>, vector<16xi32>,
            %ge3A_255 = vector.broadcast %add3A_221 : i32 to vector<16xi32>
            %ge3A_256 = arith.cmpi sge, %get3A_254, %ge3A_255 : vector<16xi32>
            %add3A_257 = arith.constant 512 : i32
            %add3A_258 = arith.addi %add3A_221, %add3A_257 : i32
            %lt3A_259 = vector.broadcast %add3A_258 : i32 to vector<16xi32>
            %lt3A_260 = arith.cmpi slt, %get3A_254, %lt3A_259 : vector<16xi32>
            %and3A_261 = arith.andi %ge3A_256, %lt3A_260 : vector<16xi1>
            %convert_element_type3A_262 = arith.extui %and3A_261 : vector<16xi1> to vector<16xi32>
            %reduce_sum3A = arith.constant true
            %reduce_sum3A_263 = vector.broadcast %reduce_sum3A : i1 to vector<16xi1>
            %reduce_sum3A_264 = tpu.scan <sum>, %convert_element_type3A_262 masked %reduce_sum3A_263 : vector<16xi32>, vector<16xi1> -> vector<16xi32>
            %reduce_sum3A_265 = vector.extract %reduce_sum3A_264[15] : i32 from vector<16xi32>
            %gt3A_266 = arith.constant 0 : i32
            %gt3A_267 = arith.cmpi sgt, %reduce_sum3A_265, %gt3A_266 : i32
            %lt3A_268 = arith.constant 16 : i32
            %lt3A_269 = arith.cmpi slt, %while3A_251, %lt3A_268 : i32
            %and3A_270 = arith.andi %gt3A_267, %lt3A_269 : i1
            %convert_element_type3A_271 = arith.extui %and3A_270 : i1 to i32
            %cond3A_272 = arith.constant 0 : i32
            %cond3A_273 = arith.cmpi ne, %convert_element_type3A_271, %cond3A_272 : i32
            scf.if %cond3A_273 {
              %mul3A_277 = arith.constant 16 : i32
              %mul3A_278 = arith.muli %while3A_250, %mul3A_277 : i32
              %get3A_279 = arith.index_cast %mul3A_278 : i32 to index
              %get3A_280 = tpu.vector_load %arg8[%get3A_279] {strides = array<i32>} : memref<16384xi32, #tpu.memory_space<vmem>>, vector<16xi32>,
              %sub3A_281 = vector.broadcast %add3A_221 : i32 to vector<16xi32>
              %sub3A_282 = arith.subi %get3A_254, %sub3A_281 : vector<16xi32>
              %swap3A_283 = arith.constant 0 : index
              %swap3A_284 = tpu.vector_load %arg14[%swap3A_283] masked %and3A_261 {strides = array<i32>} : memref<16xi32, #tpu.memory_space<vmem>>, vector<16xi32>, vector<16xi1>
              tpu.vector_store %arg14[%swap3A_283], %sub3A_282 masked %and3A_261 {strides = array<i32>} : memref<16xi32, #tpu.memory_space<vmem>>, vector<16xi32>, vector<16xi1>
              %swap3A_285 = arith.constant 0 : index
              %swap3A_286 = tpu.vector_load %arg15[%swap3A_285] masked %and3A_261 {strides = array<i32>} : memref<16xi32, #tpu.memory_space<vmem>>, vector<16xi32>, vector<16xi1>
              tpu.vector_store %arg15[%swap3A_285], %get3A_280 masked %and3A_261 {strides = array<i32>} : memref<16xi32, #tpu.memory_space<vmem>>, vector<16xi32>, vector<16xi1>
              %get3A_287 = arith.constant 0 : index
              %get3A_288 = tpu.vector_load %arg14[%get3A_287] {strides = array<i32>} : memref<16xi32, #tpu.memory_space<vmem>>, vector<16xi32>,
              %swap3A_289 = arith.index_cast %while3A_251 : i32 to index
              %swap3A_290 = tpu.vector_load %arg10[%swap3A_289] {strides = array<i32>} : memref<32xi32, #tpu.memory_space<vmem>>, vector<16xi32>,
              tpu.vector_store %arg10[%swap3A_289], %get3A_288 {strides = array<i32>} : memref<32xi32, #tpu.memory_space<vmem>>, vector<16xi32>,
              %get3A_291 = arith.constant 0 : index
              %get3A_292 = tpu.vector_load %arg15[%get3A_291] {strides = array<i32>} : memref<16xi32, #tpu.memory_space<vmem>>, vector<16xi32>,
              %swap3A_293 = arith.index_cast %while3A_251 : i32 to index
              %swap3A_294 = tpu.vector_load %arg11[%swap3A_293] {strides = array<i32>} : memref<32xi32, #tpu.memory_space<vmem>>, vector<16xi32>,
              tpu.vector_store %arg11[%swap3A_293], %get3A_292 {strides = array<i32>} : memref<32xi32, #tpu.memory_space<vmem>>, vector<16xi32>,
              %jit3A_295 = arith.constant 2147483632 : i32
              %broadcast_in_dim3A_296 = vector.broadcast %jit3A_295 : i32 to vector<16xi32>
              %select_n3A_297 = arith.select %and3A_261, %broadcast_in_dim3A_296, %get3A_254 : vector<16xi1>, vector<16xi32>
              %mul3A_298 = arith.constant 16 : i32
              %mul3A_299 = arith.muli %while3A_250, %mul3A_298 : i32
              %swap3A_300 = arith.index_cast %mul3A_299 : i32 to index
              %swap3A_301 = tpu.vector_load %arg7[%swap3A_300] {strides = array<i32>} : memref<16400xi32, #tpu.memory_space<vmem>>, vector<16xi32>,
              tpu.vector_store %arg7[%swap3A_300], %select_n3A_297 {strides = array<i32>} : memref<16400xi32, #tpu.memory_space<vmem>>, vector<16xi32>,
            } else {
            }
            %jit3A_274 = arith.constant 0 : i32
            %select_n3A_275 = arith.select %and3A_270, %reduce_sum3A_265, %jit3A_274 : i32
            %add3A_276 = arith.addi %while3A_251, %select_n3A_275 : i32
            scf.yield %add3A_276 : i32
          }
          %while3A_242 = arith.constant 1 : i32
          %while3A_243 = scf.for %while3A_250 = %while3A_239 to %while3A_235 step %while3A_242 iter_args(%while3A_251 = %while3A_241) -> (i32)  : i32 {
            %mul3A_252 = arith.constant 16 : i32
            %mul3A_253 = arith.muli %while3A_250, %mul3A_252 : i32
            %get3A = arith.index_cast %mul3A_253 : i32 to index
            %get3A_254 = tpu.vector_load %arg7[%get3A] {strides = array<i32>} : memref<16400xi32, #tpu.memory_space<vmem>>, vector<16xi32>,
            %ge3A_255 = vector.broadcast %add3A_221 : i32 to vector<16xi32>
            %ge3A_256 = arith.cmpi sge, %get3A_254, %ge3A_255 : vector<16xi32>
            %add3A_257 = arith.constant 512 : i32
            %add3A_258 = arith.addi %add3A_221, %add3A_257 : i32
            %lt3A_259 = vector.broadcast %add3A_258 : i32 to vector<16xi32>
            %lt3A_260 = arith.cmpi slt, %get3A_254, %lt3A_259 : vector<16xi32>
            %and3A_261 = arith.andi %ge3A_256, %lt3A_260 : vector<16xi1>
            %convert_element_type3A_262 = arith.extui %and3A_261 : vector<16xi1> to vector<16xi32>
            %reduce_sum3A = arith.constant true
            %reduce_sum3A_263 = vector.broadcast %reduce_sum3A : i1 to vector<16xi1>
            %reduce_sum3A_264 = tpu.scan <sum>, %convert_element_type3A_262 masked %reduce_sum3A_263 : vector<16xi32>, vector<16xi1> -> vector<16xi32>
            %reduce_sum3A_265 = vector.extract %reduce_sum3A_264[15] : i32 from vector<16xi32>
            %gt3A_266 = arith.constant 0 : i32
            %gt3A_267 = arith.cmpi sgt, %reduce_sum3A_265, %gt3A_266 : i32
            %lt3A_268 = arith.constant 16 : i32
            %lt3A_269 = arith.cmpi slt, %while3A_251, %lt3A_268 : i32
            %and3A_270 = arith.andi %gt3A_267, %lt3A_269 : i1
            %convert_element_type3A_271 = arith.extui %and3A_270 : i1 to i32
            %cond3A_272 = arith.constant 0 : i32
            %cond3A_273 = arith.cmpi ne, %convert_element_type3A_271, %cond3A_272 : i32
            scf.if %cond3A_273 {
              %mul3A_277 = arith.constant 16 : i32
              %mul3A_278 = arith.muli %while3A_250, %mul3A_277 : i32
              %get3A_279 = arith.index_cast %mul3A_278 : i32 to index
              %get3A_280 = tpu.vector_load %arg8[%get3A_279] {strides = array<i32>} : memref<16384xi32, #tpu.memory_space<vmem>>, vector<16xi32>,
              %sub3A_281 = vector.broadcast %add3A_221 : i32 to vector<16xi32>
              %sub3A_282 = arith.subi %get3A_254, %sub3A_281 : vector<16xi32>
              %swap3A_283 = arith.constant 0 : index
              %swap3A_284 = tpu.vector_load %arg14[%swap3A_283] masked %and3A_261 {strides = array<i32>} : memref<16xi32, #tpu.memory_space<vmem>>, vector<16xi32>, vector<16xi1>
              tpu.vector_store %arg14[%swap3A_283], %sub3A_282 masked %and3A_261 {strides = array<i32>} : memref<16xi32, #tpu.memory_space<vmem>>, vector<16xi32>, vector<16xi1>
              %swap3A_285 = arith.constant 0 : index
              %swap3A_286 = tpu.vector_load %arg15[%swap3A_285] masked %and3A_261 {strides = array<i32>} : memref<16xi32, #tpu.memory_space<vmem>>, vector<16xi32>, vector<16xi1>
              tpu.vector_store %arg15[%swap3A_285], %get3A_280 masked %and3A_261 {strides = array<i32>} : memref<16xi32, #tpu.memory_space<vmem>>, vector<16xi32>, vector<16xi1>
              %get3A_287 = arith.constant 0 : index
              %get3A_288 = tpu.vector_load %arg14[%get3A_287] {strides = array<i32>} : memref<16xi32, #tpu.memory_space<vmem>>, vector<16xi32>,
              %swap3A_289 = arith.index_cast %while3A_251 : i32 to index
              %swap3A_290 = tpu.vector_load %arg10[%swap3A_289] {strides = array<i32>} : memref<32xi32, #tpu.memory_space<vmem>>, vector<16xi32>,
              tpu.vector_store %arg10[%swap3A_289], %get3A_288 {strides = array<i32>} : memref<32xi32, #tpu.memory_space<vmem>>, vector<16xi32>,
              %get3A_291 = arith.constant 0 : index
              %get3A_292 = tpu.vector_load %arg15[%get3A_291] {strides = array<i32>} : memref<16xi32, #tpu.memory_space<vmem>>, vector<16xi32>,
              %swap3A_293 = arith.index_cast %while3A_251 : i32 to index
              %swap3A_294 = tpu.vector_load %arg11[%swap3A_293] {strides = array<i32>} : memref<32xi32, #tpu.memory_space<vmem>>, vector<16xi32>,
              tpu.vector_store %arg11[%swap3A_293], %get3A_292 {strides = array<i32>} : memref<32xi32, #tpu.memory_space<vmem>>, vector<16xi32>,
              %jit3A_295 = arith.constant 2147483632 : i32
              %broadcast_in_dim3A_296 = vector.broadcast %jit3A_295 : i32 to vector<16xi32>
              %select_n3A_297 = arith.select %and3A_261, %broadcast_in_dim3A_296, %get3A_254 : vector<16xi1>, vector<16xi32>
              %mul3A_298 = arith.constant 16 : i32
              %mul3A_299 = arith.muli %while3A_250, %mul3A_298 : i32
              %swap3A_300 = arith.index_cast %mul3A_299 : i32 to index
              %swap3A_301 = tpu.vector_load %arg7[%swap3A_300] {strides = array<i32>} : memref<16400xi32, #tpu.memory_space<vmem>>, vector<16xi32>,
              tpu.vector_store %arg7[%swap3A_300], %select_n3A_297 {strides = array<i32>} : memref<16400xi32, #tpu.memory_space<vmem>>, vector<16xi32>,
            } else {
            }
            %jit3A_274 = arith.constant 0 : i32
            %select_n3A_275 = arith.select %and3A_270, %reduce_sum3A_265, %jit3A_274 : i32
            %add3A_276 = arith.addi %while3A_251, %select_n3A_275 : i32
            scf.yield %add3A_276 : i32
          }
          %gt3A_244 = arith.constant 0 : i32
          %gt3A_245 = arith.cmpi sgt, %while3A_243, %gt3A_244 : i32
          %convert_element_type3A_246 = arith.extui %gt3A_245 : i1 to i32
          %cond3A_247 = arith.constant 0 : i32
          %cond3A_248 = arith.cmpi ne, %convert_element_type3A_246, %cond3A_247 : i32
          scf.if %cond3A_248 {
            %dma_wait3A_250 = arith.constant 0 : i32
            %dma_wait3A_251 = arith.constant 0 : i32
            %dma_wait3A_252 = arith.constant 0 : i32
            %dma_wait3A_253 = arith.constant 0 : i32
            %dma_wait3A_254 = arith.constant 0 : i32
            %dma_wait3A_255 = tpu.memref_slice %arg12[%dma_wait3A_250, %dma_wait3A_253, %dma_wait3A_254] : memref<2x32x128xf32, #tpu.memory_space<vmem>> -> memref<1x32x128xf32, #tpu.memory_space<vmem>>
            %dma_wait3A_256 = tpu.memref_squeeze %dma_wait3A_255 : memref<1x32x128xf32, #tpu.memory_space<vmem>> -> memref<32x128xf32, #tpu.memory_space<vmem>>
            %dma_wait3A_257 = arith.constant 0 : i32
            %dma_wait3A_258 = tpu.memref_slice %arg13[%dma_wait3A_251, %dma_wait3A_257] : memref<2x32xi32, #tpu.memory_space<vmem>> -> memref<1x32xi32, #tpu.memory_space<vmem>>
            %dma_wait3A_259 = tpu.memref_squeeze %dma_wait3A_258 : memref<1x32xi32, #tpu.memory_space<vmem>> -> memref<32xi32, #tpu.memory_space<vmem>>
            %dma_wait3A_260 = arith.constant 0 : i32
            %dma_wait3A_261 = arith.constant 0 : i32
            %dma_wait3A_262 = tpu.memref_slice %arg5[%dma_wait3A_260, %dma_wait3A_261] : memref<16416x128xf32, #tpu.memory_space<hbm>> -> memref<16416x128xf32, #tpu.memory_space<hbm>>
            %dma_wait3A_263 = tpu.memref_slice %arg17[%dma_wait3A_252] : memref<2x!tpu.dma_semaphore, #tpu.memory_space<semaphore_mem>> -> memref<1x!tpu.dma_semaphore, #tpu.memory_space<semaphore_mem>>
            %dma_wait3A_264 = tpu.memref_squeeze %dma_wait3A_263 : memref<1x!tpu.dma_semaphore, #tpu.memory_space<semaphore_mem>> -> memref<!tpu.dma_semaphore, #tpu.memory_space<semaphore_mem>>
            tpu.wait_indirect_dma semaphore(%dma_wait3A_264 : memref<!tpu.dma_semaphore, #tpu.memory_space<semaphore_mem>>) src(%dma_wait3A_256 : memref<32x128xf32, #tpu.memory_space<vmem>>) dst(%dma_wait3A_262 : memref<16416x128xf32, #tpu.memory_space<hbm>>)
            %while3A_265 = arith.constant 0 : i32
            %while3A_266 = arith.constant 0 : i32
            %while3A_267 = arith.subi %while3A_243, %while3A_266 : i32
            %while3A_268 = arith.addi %while3A_266, %while3A_267 : i32
            %while3A_269 = arith.constant 1 : i32
            %while3A_270 = arith.divsi %while3A_267, %while3A_269 : i32
            %while3A_271 = arith.muli %while3A_270, %while3A_269 : i32
            %while3A_272 = arith.addi %while3A_266, %while3A_271 : i32
            %while3A_273 = arith.constant 1 : i32
            scf.for %while3A_315 = %while3A_266 to %while3A_272 step %while3A_273  : i32 {
              %jit3A_316 = arith.constant 16 : i32
              %div3A_317 = arith.divsi %while3A_315, %jit3A_316 : i32
              %sign3A_318 = arith.constant 0 : i32
              %sign3A_319 = arith.cmpi sgt, %while3A_315, %sign3A_318 : i32
              %sign3A_320 = arith.extui %sign3A_319 : i1 to i32
              %sign3A_321 = arith.constant 0 : i32
              %sign3A_322 = arith.cmpi slt, %while3A_315, %sign3A_321 : i32
              %sign3A_323 = arith.extui %sign3A_322 : i1 to i32
              %sign3A_324 = arith.subi %sign3A_320, %sign3A_323 : i32
              %sign3A_325 = arith.constant 0 : i32
              %sign3A_326 = arith.cmpi sgt, %jit3A_316, %sign3A_325 : i32
              %sign3A_327 = arith.extui %sign3A_326 : i1 to i32
              %sign3A_328 = arith.constant 0 : i32
              %sign3A_329 = arith.cmpi slt, %jit3A_316, %sign3A_328 : i32
              %sign3A_330 = arith.extui %sign3A_329 : i1 to i32
              %sign3A_331 = arith.subi %sign3A_327, %sign3A_330 : i32
              %ne3A_332 = arith.cmpi ne, %sign3A_324, %sign3A_331 : i32
              %rem3A_333 = arith.remsi %while3A_315, %jit3A_316 : i32
              %ne3A_334 = arith.constant 0 : i32
              %ne3A_335 = arith.cmpi ne, %rem3A_333, %ne3A_334 : i32
              %and3A_336 = arith.andi %ne3A_332, %ne3A_335 : i1
              %sub3A_337 = arith.constant 1 : i32
              %sub3A_338 = arith.subi %div3A_317, %sub3A_337 : i32
              %select_n3A_339 = arith.select %and3A_336, %sub3A_338, %div3A_317 : i32
              %mul3A_340 = arith.constant 16 : i32
              %mul3A_341 = arith.muli %select_n3A_339, %mul3A_340 : i32
              %get3A_342 = arith.index_cast %mul3A_341 : i32 to index
              %get3A_343 = tpu.vector_load %arg10[%get3A_342] {strides = array<i32>} : memref<32xi32, #tpu.memory_space<vmem>>, vector<16xi32>,
              %jit3A_344 = arith.constant 16 : i32
              %eq3A_345 = arith.constant 0 : i32
              %eq3A_346 = arith.cmpi eq, %jit3A_344, %eq3A_345 : i32
              %jit3A_347 = arith.constant 1 : i32
              %select_n3A_348 = arith.select %eq3A_346, %jit3A_347, %jit3A_344 : i32
              %rem3A_349 = arith.remsi %while3A_315, %select_n3A_348 : i32
              %ne3A_350 = arith.constant 0 : i32
              %ne3A_351 = arith.cmpi ne, %rem3A_349, %ne3A_350 : i32
              %lt3A_352 = arith.constant 0 : i32
              %lt3A_353 = arith.cmpi slt, %rem3A_349, %lt3A_352 : i32
              %lt3A_354 = arith.constant 0 : i32
              %lt3A_355 = arith.cmpi slt, %select_n3A_348, %lt3A_354 : i32
              %ne3A_356 = arith.xori %lt3A_353, %lt3A_355 : i1
              %and3A_357 = arith.andi %ne3A_356, %ne3A_351 : i1
              %add3A_358 = arith.addi %rem3A_349, %select_n3A_348 : i32
              %select_n3A_359 = arith.select %and3A_357, %add3A_358, %rem3A_349 : i32
              %eq3A_360 = vector.broadcast %select_n3A_359 : i32 to vector<16xi32>
              %eq3A_361 = arith.cmpi eq, %iota3A, %eq3A_360 : vector<16xi32>
              %jit3A_362 = arith.constant 0 : i32
              %broadcast_in_dim3A_363 = vector.broadcast %jit3A_362 : i32 to vector<16xi32>
              %select_n3A_364 = arith.select %eq3A_361, %get3A_343, %broadcast_in_dim3A_363 : vector<16xi1>, vector<16xi32>
              %reduce_sum3A = arith.constant true
              %reduce_sum3A_365 = vector.broadcast %reduce_sum3A : i1 to vector<16xi1>
              %reduce_sum3A_366 = tpu.scan <sum>, %select_n3A_364 masked %reduce_sum3A_365 : vector<16xi32>, vector<16xi1> -> vector<16xi32>
              %reduce_sum3A_367 = vector.extract %reduce_sum3A_366[15] : i32 from vector<16xi32>
              %broadcast_in_dim3A_368 = vector.broadcast %reduce_sum3A_367 : i32 to vector<16xi32>
              %add3A_369 = arith.constant 0 : i32
              %add3A_370 = vector.broadcast %add3A_369 : i32 to vector<16xi32>
              %add3A_371 = arith.addi %iota3A, %add3A_370 : vector<16xi32>
              %gather3A = arith.constant 0 : i32
              %gather3A_372 = arith.constant 0 : i32
              %gather3A_373 = tpu.memref_slice %arg9[%while3A_222, %gather3A, %gather3A_372] : memref<2x64x512xf32, #tpu.memory_space<vmem>> -> memref<1x64x512xf32, #tpu.memory_space<vmem>>
              %gather3A_374 = tpu.memref_squeeze %gather3A_373 : memref<1x64x512xf32, #tpu.memory_space<vmem>> -> memref<64x512xf32, #tpu.memory_space<vmem>>
              %gather3A_375 = tpu.vector_load_idx %gather3A_374[%add3A_371, %broadcast_in_dim3A_368] : memref<64x512xf32, #tpu.memory_space<vmem>>[vector<16xi32>, vector<16xi32>], vector<16xf32>,
              %swap3A_376 = arith.constant 0 : i32
              %swap3A_377 = arith.index_cast %swap3A_376 : i32 to index
              %swap3A_378 = arith.index_cast %while3A_315 : i32 to index
              %swap3A_379 = arith.constant 0 : index
              %swap3A_380 = tpu.vector_load %arg12[%swap3A_377, %swap3A_378, %swap3A_379] {strides = array<i32>} : memref<2x32x128xf32, #tpu.memory_space<vmem>>, vector<16xf32>,
              tpu.vector_store %arg12[%swap3A_377, %swap3A_378, %swap3A_379], %gather3A_375 {strides = array<i32>} : memref<2x32x128xf32, #tpu.memory_space<vmem>>, vector<16xf32>,
              %add3A_381 = arith.constant 16 : i32
              %add3A_382 = vector.broadcast %add3A_381 : i32 to vector<16xi32>
              %add3A_383 = arith.addi %iota3A, %add3A_382 : vector<16xi32>
              %gather3A_384 = arith.constant 0 : i32
              %gather3A_385 = arith.constant 0 : i32
              %gather3A_386 = tpu.memref_slice %arg9[%while3A_222, %gather3A_384, %gather3A_385] : memref<2x64x512xf32, #tpu.memory_space<vmem>> -> memref<1x64x512xf32, #tpu.memory_space<vmem>>
              %gather3A_387 = tpu.memref_squeeze %gather3A_386 : memref<1x64x512xf32, #tpu.memory_space<vmem>> -> memref<64x512xf32, #tpu.memory_space<vmem>>
              %gather3A_388 = tpu.vector_load_idx %gather3A_387[%add3A_383, %broadcast_in_dim3A_368] : memref<64x512xf32, #tpu.memory_space<vmem>>[vector<16xi32>, vector<16xi32>], vector<16xf32>,
              %swap3A_389 = arith.constant 0 : i32
              %swap3A_390 = arith.index_cast %swap3A_389 : i32 to index
              %swap3A_391 = arith.index_cast %while3A_315 : i32 to index
              %swap3A_392 = arith.constant 16 : index
              %swap3A_393 = tpu.vector_load %arg12[%swap3A_390, %swap3A_391, %swap3A_392] {strides = array<i32>} : memref<2x32x128xf32, #tpu.memory_space<vmem>>, vector<16xf32>,
              tpu.vector_store %arg12[%swap3A_390, %swap3A_391, %swap3A_392], %gather3A_388 {strides = array<i32>} : memref<2x32x128xf32, #tpu.memory_space<vmem>>, vector<16xf32>,
              %add3A_394 = arith.constant 32 : i32
              %add3A_395 = vector.broadcast %add3A_394 : i32 to vector<16xi32>
              %add3A_396 = arith.addi %iota3A, %add3A_395 : vector<16xi32>
              %gather3A_397 = arith.constant 0 : i32
              %gather3A_398 = arith.constant 0 : i32
              %gather3A_399 = tpu.memref_slice %arg9[%while3A_222, %gather3A_397, %gather3A_398] : memref<2x64x512xf32, #tpu.memory_space<vmem>> -> memref<1x64x512xf32, #tpu.memory_space<vmem>>
              %gather3A_400 = tpu.memref_squeeze %gather3A_399 : memref<1x64x512xf32, #tpu.memory_space<vmem>> -> memref<64x512xf32, #tpu.memory_space<vmem>>
              %gather3A_401 = tpu.vector_load_idx %gather3A_400[%add3A_396, %broadcast_in_dim3A_368] : memref<64x512xf32, #tpu.memory_space<vmem>>[vector<16xi32>, vector<16xi32>], vector<16xf32>,
              %swap3A_402 = arith.constant 0 : i32
              %swap3A_403 = arith.index_cast %swap3A_402 : i32 to index
              %swap3A_404 = arith.index_cast %while3A_315 : i32 to index
              %swap3A_405 = arith.constant 32 : index
              %swap3A_406 = tpu.vector_load %arg12[%swap3A_403, %swap3A_404, %swap3A_405] {strides = array<i32>} : memref<2x32x128xf32, #tpu.memory_space<vmem>>, vector<16xf32>,
              tpu.vector_store %arg12[%swap3A_403, %swap3A_404, %swap3A_405], %gather3A_401 {strides = array<i32>} : memref<2x32x128xf32, #tpu.memory_space<vmem>>, vector<16xf32>,
              %add3A_407 = arith.constant 48 : i32
              %add3A_408 = vector.broadcast %add3A_407 : i32 to vector<16xi32>
              %add3A_409 = arith.addi %iota3A, %add3A_408 : vector<16xi32>
              %gather3A_410 = arith.constant 0 : i32
              %gather3A_411 = arith.constant 0 : i32
              %gather3A_412 = tpu.memref_slice %arg9[%while3A_222, %gather3A_410, %gather3A_411] : memref<2x64x512xf32, #tpu.memory_space<vmem>> -> memref<1x64x512xf32, #tpu.memory_space<vmem>>
              %gather3A_413 = tpu.memref_squeeze %gather3A_412 : memref<1x64x512xf32, #tpu.memory_space<vmem>> -> memref<64x512xf32, #tpu.memory_space<vmem>>
              %gather3A_414 = tpu.vector_load_idx %gather3A_413[%add3A_409, %broadcast_in_dim3A_368] : memref<64x512xf32, #tpu.memory_space<vmem>>[vector<16xi32>, vector<16xi32>], vector<16xf32>,
              %swap3A_415 = arith.constant 0 : i32
              %swap3A_416 = arith.index_cast %swap3A_415 : i32 to index
              %swap3A_417 = arith.index_cast %while3A_315 : i32 to index
              %swap3A_418 = arith.constant 48 : index
              %swap3A_419 = tpu.vector_load %arg12[%swap3A_416, %swap3A_417, %swap3A_418] {strides = array<i32>} : memref<2x32x128xf32, #tpu.memory_space<vmem>>, vector<16xf32>,
              tpu.vector_store %arg12[%swap3A_416, %swap3A_417, %swap3A_418], %gather3A_414 {strides = array<i32>} : memref<2x32x128xf32, #tpu.memory_space<vmem>>, vector<16xf32>,
            }
            %while3A_274 = arith.constant 1 : i32
            scf.for %while3A_315 = %while3A_272 to %while3A_268 step %while3A_274  : i32 {
              %jit3A_316 = arith.constant 16 : i32
              %div3A_317 = arith.divsi %while3A_315, %jit3A_316 : i32
              %sign3A_318 = arith.constant 0 : i32
              %sign3A_319 = arith.cmpi sgt, %while3A_315, %sign3A_318 : i32
              %sign3A_320 = arith.extui %sign3A_319 : i1 to i32
              %sign3A_321 = arith.constant 0 : i32
              %sign3A_322 = arith.cmpi slt, %while3A_315, %sign3A_321 : i32
              %sign3A_323 = arith.extui %sign3A_322 : i1 to i32
              %sign3A_324 = arith.subi %sign3A_320, %sign3A_323 : i32
              %sign3A_325 = arith.constant 0 : i32
              %sign3A_326 = arith.cmpi sgt, %jit3A_316, %sign3A_325 : i32
              %sign3A_327 = arith.extui %sign3A_326 : i1 to i32
              %sign3A_328 = arith.constant 0 : i32
              %sign3A_329 = arith.cmpi slt, %jit3A_316, %sign3A_328 : i32
              %sign3A_330 = arith.extui %sign3A_329 : i1 to i32
              %sign3A_331 = arith.subi %sign3A_327, %sign3A_330 : i32
              %ne3A_332 = arith.cmpi ne, %sign3A_324, %sign3A_331 : i32
              %rem3A_333 = arith.remsi %while3A_315, %jit3A_316 : i32
              %ne3A_334 = arith.constant 0 : i32
              %ne3A_335 = arith.cmpi ne, %rem3A_333, %ne3A_334 : i32
              %and3A_336 = arith.andi %ne3A_332, %ne3A_335 : i1
              %sub3A_337 = arith.constant 1 : i32
              %sub3A_338 = arith.subi %div3A_317, %sub3A_337 : i32
              %select_n3A_339 = arith.select %and3A_336, %sub3A_338, %div3A_317 : i32
              %mul3A_340 = arith.constant 16 : i32
              %mul3A_341 = arith.muli %select_n3A_339, %mul3A_340 : i32
              %get3A_342 = arith.index_cast %mul3A_341 : i32 to index
              %get3A_343 = tpu.vector_load %arg10[%get3A_342] {strides = array<i32>} : memref<32xi32, #tpu.memory_space<vmem>>, vector<16xi32>,
              %jit3A_344 = arith.constant 16 : i32
              %eq3A_345 = arith.constant 0 : i32
              %eq3A_346 = arith.cmpi eq, %jit3A_344, %eq3A_345 : i32
              %jit3A_347 = arith.constant 1 : i32
              %select_n3A_348 = arith.select %eq3A_346, %jit3A_347, %jit3A_344 : i32
              %rem3A_349 = arith.remsi %while3A_315, %select_n3A_348 : i32
              %ne3A_350 = arith.constant 0 : i32
              %ne3A_351 = arith.cmpi ne, %rem3A_349, %ne3A_350 : i32
              %lt3A_352 = arith.constant 0 : i32
              %lt3A_353 = arith.cmpi slt, %rem3A_349, %lt3A_352 : i32
              %lt3A_354 = arith.constant 0 : i32
              %lt3A_355 = arith.cmpi slt, %select_n3A_348, %lt3A_354 : i32
              %ne3A_356 = arith.xori %lt3A_353, %lt3A_355 : i1
              %and3A_357 = arith.andi %ne3A_356, %ne3A_351 : i1
              %add3A_358 = arith.addi %rem3A_349, %select_n3A_348 : i32
              %select_n3A_359 = arith.select %and3A_357, %add3A_358, %rem3A_349 : i32
              %eq3A_360 = vector.broadcast %select_n3A_359 : i32 to vector<16xi32>
              %eq3A_361 = arith.cmpi eq, %iota3A, %eq3A_360 : vector<16xi32>
              %jit3A_362 = arith.constant 0 : i32
              %broadcast_in_dim3A_363 = vector.broadcast %jit3A_362 : i32 to vector<16xi32>
              %select_n3A_364 = arith.select %eq3A_361, %get3A_343, %broadcast_in_dim3A_363 : vector<16xi1>, vector<16xi32>
              %reduce_sum3A = arith.constant true
              %reduce_sum3A_365 = vector.broadcast %reduce_sum3A : i1 to vector<16xi1>
              %reduce_sum3A_366 = tpu.scan <sum>, %select_n3A_364 masked %reduce_sum3A_365 : vector<16xi32>, vector<16xi1> -> vector<16xi32>
              %reduce_sum3A_367 = vector.extract %reduce_sum3A_366[15] : i32 from vector<16xi32>
              %broadcast_in_dim3A_368 = vector.broadcast %reduce_sum3A_367 : i32 to vector<16xi32>
              %add3A_369 = arith.constant 0 : i32
              %add3A_370 = vector.broadcast %add3A_369 : i32 to vector<16xi32>
              %add3A_371 = arith.addi %iota3A, %add3A_370 : vector<16xi32>
              %gather3A = arith.constant 0 : i32
              %gather3A_372 = arith.constant 0 : i32
              %gather3A_373 = tpu.memref_slice %arg9[%while3A_222, %gather3A, %gather3A_372] : memref<2x64x512xf32, #tpu.memory_space<vmem>> -> memref<1x64x512xf32, #tpu.memory_space<vmem>>
              %gather3A_374 = tpu.memref_squeeze %gather3A_373 : memref<1x64x512xf32, #tpu.memory_space<vmem>> -> memref<64x512xf32, #tpu.memory_space<vmem>>
              %gather3A_375 = tpu.vector_load_idx %gather3A_374[%add3A_371, %broadcast_in_dim3A_368] : memref<64x512xf32, #tpu.memory_space<vmem>>[vector<16xi32>, vector<16xi32>], vector<16xf32>,
              %swap3A_376 = arith.constant 0 : i32
              %swap3A_377 = arith.index_cast %swap3A_376 : i32 to index
              %swap3A_378 = arith.index_cast %while3A_315 : i32 to index
              %swap3A_379 = arith.constant 0 : index
              %swap3A_380 = tpu.vector_load %arg12[%swap3A_377, %swap3A_378, %swap3A_379] {strides = array<i32>} : memref<2x32x128xf32, #tpu.memory_space<vmem>>, vector<16xf32>,
              tpu.vector_store %arg12[%swap3A_377, %swap3A_378, %swap3A_379], %gather3A_375 {strides = array<i32>} : memref<2x32x128xf32, #tpu.memory_space<vmem>>, vector<16xf32>,
              %add3A_381 = arith.constant 16 : i32
              %add3A_382 = vector.broadcast %add3A_381 : i32 to vector<16xi32>
              %add3A_383 = arith.addi %iota3A, %add3A_382 : vector<16xi32>
              %gather3A_384 = arith.constant 0 : i32
              %gather3A_385 = arith.constant 0 : i32
              %gather3A_386 = tpu.memref_slice %arg9[%while3A_222, %gather3A_384, %gather3A_385] : memref<2x64x512xf32, #tpu.memory_space<vmem>> -> memref<1x64x512xf32, #tpu.memory_space<vmem>>
              %gather3A_387 = tpu.memref_squeeze %gather3A_386 : memref<1x64x512xf32, #tpu.memory_space<vmem>> -> memref<64x512xf32, #tpu.memory_space<vmem>>
              %gather3A_388 = tpu.vector_load_idx %gather3A_387[%add3A_383, %broadcast_in_dim3A_368] : memref<64x512xf32, #tpu.memory_space<vmem>>[vector<16xi32>, vector<16xi32>], vector<16xf32>,
              %swap3A_389 = arith.constant 0 : i32
              %swap3A_390 = arith.index_cast %swap3A_389 : i32 to index
              %swap3A_391 = arith.index_cast %while3A_315 : i32 to index
              %swap3A_392 = arith.constant 16 : index
              %swap3A_393 = tpu.vector_load %arg12[%swap3A_390, %swap3A_391, %swap3A_392] {strides = array<i32>} : memref<2x32x128xf32, #tpu.memory_space<vmem>>, vector<16xf32>,
              tpu.vector_store %arg12[%swap3A_390, %swap3A_391, %swap3A_392], %gather3A_388 {strides = array<i32>} : memref<2x32x128xf32, #tpu.memory_space<vmem>>, vector<16xf32>,
              %add3A_394 = arith.constant 32 : i32
              %add3A_395 = vector.broadcast %add3A_394 : i32 to vector<16xi32>
              %add3A_396 = arith.addi %iota3A, %add3A_395 : vector<16xi32>
              %gather3A_397 = arith.constant 0 : i32
              %gather3A_398 = arith.constant 0 : i32
              %gather3A_399 = tpu.memref_slice %arg9[%while3A_222, %gather3A_397, %gather3A_398] : memref<2x64x512xf32, #tpu.memory_space<vmem>> -> memref<1x64x512xf32, #tpu.memory_space<vmem>>
              %gather3A_400 = tpu.memref_squeeze %gather3A_399 : memref<1x64x512xf32, #tpu.memory_space<vmem>> -> memref<64x512xf32, #tpu.memory_space<vmem>>
              %gather3A_401 = tpu.vector_load_idx %gather3A_400[%add3A_396, %broadcast_in_dim3A_368] : memref<64x512xf32, #tpu.memory_space<vmem>>[vector<16xi32>, vector<16xi32>], vector<16xf32>,
              %swap3A_402 = arith.constant 0 : i32
              %swap3A_403 = arith.index_cast %swap3A_402 : i32 to index
              %swap3A_404 = arith.index_cast %while3A_315 : i32 to index
              %swap3A_405 = arith.constant 32 : index
              %swap3A_406 = tpu.vector_load %arg12[%swap3A_403, %swap3A_404, %swap3A_405] {strides = array<i32>} : memref<2x32x128xf32, #tpu.memory_space<vmem>>, vector<16xf32>,
              tpu.vector_store %arg12[%swap3A_403, %swap3A_404, %swap3A_405], %gather3A_401 {strides = array<i32>} : memref<2x32x128xf32, #tpu.memory_space<vmem>>, vector<16xf32>,
              %add3A_407 = arith.constant 48 : i32
              %add3A_408 = vector.broadcast %add3A_407 : i32 to vector<16xi32>
              %add3A_409 = arith.addi %iota3A, %add3A_408 : vector<16xi32>
              %gather3A_410 = arith.constant 0 : i32
              %gather3A_411 = arith.constant 0 : i32
              %gather3A_412 = tpu.memref_slice %arg9[%while3A_222, %gather3A_410, %gather3A_411] : memref<2x64x512xf32, #tpu.memory_space<vmem>> -> memref<1x64x512xf32, #tpu.memory_space<vmem>>
              %gather3A_413 = tpu.memref_squeeze %gather3A_412 : memref<1x64x512xf32, #tpu.memory_space<vmem>> -> memref<64x512xf32, #tpu.memory_space<vmem>>
              %gather3A_414 = tpu.vector_load_idx %gather3A_413[%add3A_409, %broadcast_in_dim3A_368] : memref<64x512xf32, #tpu.memory_space<vmem>>[vector<16xi32>, vector<16xi32>], vector<16xf32>,
              %swap3A_415 = arith.constant 0 : i32
              %swap3A_416 = arith.index_cast %swap3A_415 : i32 to index
              %swap3A_417 = arith.index_cast %while3A_315 : i32 to index
              %swap3A_418 = arith.constant 48 : index
              %swap3A_419 = tpu.vector_load %arg12[%swap3A_416, %swap3A_417, %swap3A_418] {strides = array<i32>} : memref<2x32x128xf32, #tpu.memory_space<vmem>>, vector<16xf32>,
              tpu.vector_store %arg12[%swap3A_416, %swap3A_417, %swap3A_418], %gather3A_414 {strides = array<i32>} : memref<2x32x128xf32, #tpu.memory_space<vmem>>, vector<16xf32>,
            }
            %add3A_275 = arith.constant 0 : i32
            %add3A_276 = vector.broadcast %add3A_275 : i32 to vector<16xi32>
            %add3A_277 = arith.addi %iota3A, %add3A_276 : vector<16xi32>
            %lt3A_278 = vector.broadcast %while3A_243 : i32 to vector<16xi32>
            %lt3A_279 = arith.cmpi slt, %add3A_277, %lt3A_278 : vector<16xi32>
            %get3A = arith.constant 0 : index
            %get3A_280 = tpu.vector_load %arg11[%get3A] {strides = array<i32>} : memref<32xi32, #tpu.memory_space<vmem>>, vector<16xi32>,
            %broadcast_in_dim3A_281 = vector.broadcast %add3A_2 : i32 to vector<16xi32>
            %select_n3A_282 = arith.select %lt3A_279, %get3A_280, %broadcast_in_dim3A_281 : vector<16xi1>, vector<16xi32>
            %swap3A_283 = arith.constant 0 : i32
            %swap3A_284 = arith.index_cast %swap3A_283 : i32 to index
            %swap3A_285 = arith.constant 0 : index
            %swap3A_286 = tpu.vector_load %arg13[%swap3A_284, %swap3A_285] {strides = array<i32>} : memref<2x32xi32, #tpu.memory_space<vmem>>, vector<16xi32>,
            tpu.vector_store %arg13[%swap3A_284, %swap3A_285], %select_n3A_282 {strides = array<i32>} : memref<2x32xi32, #tpu.memory_space<vmem>>, vector<16xi32>,
            %add3A_287 = arith.constant 16 : i32
            %add3A_288 = vector.broadcast %add3A_287 : i32 to vector<16xi32>
            %add3A_289 = arith.addi %iota3A, %add3A_288 : vector<16xi32>
            %lt3A_290 = vector.broadcast %while3A_243 : i32 to vector<16xi32>
            %lt3A_291 = arith.cmpi slt, %add3A_289, %lt3A_290 : vector<16xi32>
            %get3A_292 = arith.constant 16 : index
            %get3A_293 = tpu.vector_load %arg11[%get3A_292] {strides = array<i32>} : memref<32xi32, #tpu.memory_space<vmem>>, vector<16xi32>,
            %broadcast_in_dim3A_294 = vector.broadcast %add3A_2 : i32 to vector<16xi32>
            %select_n3A_295 = arith.select %lt3A_291, %get3A_293, %broadcast_in_dim3A_294 : vector<16xi1>, vector<16xi32>
            %swap3A_296 = arith.constant 0 : i32
            %swap3A_297 = arith.index_cast %swap3A_296 : i32 to index
            %swap3A_298 = arith.constant 16 : index
            %swap3A_299 = tpu.vector_load %arg13[%swap3A_297, %swap3A_298] {strides = array<i32>} : memref<2x32xi32, #tpu.memory_space<vmem>>, vector<16xi32>,
            tpu.vector_store %arg13[%swap3A_297, %swap3A_298], %select_n3A_295 {strides = array<i32>} : memref<2x32xi32, #tpu.memory_space<vmem>>, vector<16xi32>,
            %dma_start3A_300 = arith.constant 0 : i32
            %dma_start3A_301 = arith.constant 0 : i32
            %dma_start3A_302 = arith.constant 0 : i32
            %dma_start3A_303 = arith.constant 0 : i32
            %dma_start3A_304 = arith.constant 0 : i32
            %dma_start3A_305 = tpu.memref_slice %arg12[%dma_start3A_300, %dma_start3A_303, %dma_start3A_304] : memref<2x32x128xf32, #tpu.memory_space<vmem>> -> memref<1x32x128xf32, #tpu.memory_space<vmem>>
            %dma_start3A_306 = tpu.memref_squeeze %dma_start3A_305 : memref<1x32x128xf32, #tpu.memory_space<vmem>> -> memref<32x128xf32, #tpu.memory_space<vmem>>
            %dma_start3A_307 = arith.constant 0 : i32
            %dma_start3A_308 = tpu.memref_slice %arg13[%dma_start3A_301, %dma_start3A_307] : memref<2x32xi32, #tpu.memory_space<vmem>> -> memref<1x32xi32, #tpu.memory_space<vmem>>
            %dma_start3A_309 = tpu.memref_squeeze %dma_start3A_308 : memref<1x32xi32, #tpu.memory_space<vmem>> -> memref<32xi32, #tpu.memory_space<vmem>>
            %dma_start3A_310 = arith.constant 0 : i32
            %dma_start3A_311 = arith.constant 0 : i32
            %dma_start3A_312 = tpu.memref_slice %arg5[%dma_start3A_310, %dma_start3A_311] : memref<16416x128xf32, #tpu.memory_space<hbm>> -> memref<16416x128xf32, #tpu.memory_space<hbm>>
            %dma_start3A_313 = tpu.memref_slice %arg17[%dma_start3A_302] : memref<2x!tpu.dma_semaphore, #tpu.memory_space<semaphore_mem>> -> memref<1x!tpu.dma_semaphore, #tpu.memory_space<semaphore_mem>>
            %dma_start3A_314 = tpu.memref_squeeze %dma_start3A_313 : memref<1x!tpu.dma_semaphore, #tpu.memory_space<semaphore_mem>> -> memref<!tpu.dma_semaphore, #tpu.memory_space<semaphore_mem>>
            tpu.enqueue_indirect_dma source(%dma_start3A_306 : memref<32x128xf32, #tpu.memory_space<vmem>>) target(%dma_start3A_312 : memref<16416x128xf32, #tpu.memory_space<hbm>>) offsets(%dma_start3A_309 : memref<32xi32, #tpu.memory_space<vmem>>) semaphore(%dma_start3A_314 : memref<!tpu.dma_semaphore, #tpu.memory_space<semaphore_mem>>)
          } else {
          }
          %ge3A = arith.constant 16 : i32
          %ge3A_249 = arith.cmpi sge, %while3A_243, %ge3A : i32
          scf.yield %ge3A_249 : i1
        }
        %add3A_225 = arith.constant 2 : i32
        %add3A_226 = arith.addi %add3A_187, %add3A_225 : i32
        %lt3A_227 = arith.cmpi slt, %add3A_226, %min3A : i32
        %convert_element_type3A_228 = arith.extui %lt3A_227 : i1 to i32
        %cond3A_229 = arith.constant 0 : i32
        %cond3A_230 = arith.cmpi ne, %convert_element_type3A_228, %cond3A_229 : i32
        scf.if %cond3A_230 {
          %add3A_231 = arith.constant 2 : i32
          %add3A_232 = arith.addi %add3A_187, %add3A_231 : i32
          %mul3A_233 = arith.constant 32768 : i32
          %mul3A_234 = arith.muli %add3A, %mul3A_233 : i32
          %mul3A_235 = arith.constant 512 : i32
          %mul3A_236 = arith.muli %add3A_232, %mul3A_235 : i32
          %add3A_237 = arith.addi %mul3A_234, %mul3A_236 : i32
          %multiple_of3A = tpu.assume_multiple %add3A_237, 128 : i32
          %dma_start3A_238 = arith.constant 0 : i32
          %dma_start3A_239 = arith.constant 0 : i32
          %dma_start3A_240 = arith.constant 0 : i32
          %dma_start3A_241 = arith.constant 0 : i32
          %dma_start3A_242 = tpu.memref_slice %arg9[%dma_start3A_238, %dma_start3A_240, %dma_start3A_241] : memref<2x64x512xf32, #tpu.memory_space<vmem>> -> memref<1x64x512xf32, #tpu.memory_space<vmem>>
          %dma_start3A_243 = tpu.memref_squeeze %dma_start3A_242 : memref<1x64x512xf32, #tpu.memory_space<vmem>> -> memref<64x512xf32, #tpu.memory_space<vmem>>
          %dma_start3A_244 = arith.constant 0 : i32
          %dma_start3A_245 = tpu.memref_slice %arg2[%dma_start3A_244, %multiple_of3A] : memref<64x1000001xf32, #tpu.memory_space<hbm>> -> memref<64x512xf32, #tpu.memory_space<hbm>>
          %dma_start3A_246 = tpu.memref_slice %arg16[%dma_start3A_239] : memref<2x!tpu.dma_semaphore, #tpu.memory_space<semaphore_mem>> -> memref<1x!tpu.dma_semaphore, #tpu.memory_space<semaphore_mem>>
          %dma_start3A_247 = tpu.memref_squeeze %dma_start3A_246 : memref<1x!tpu.dma_semaphore, #tpu.memory_space<semaphore_mem>> -> memref<!tpu.dma_semaphore, #tpu.memory_space<semaphore_mem>>
          %dma_start3A_248 = arith.constant 0 : i32
          %dma_start3A_249 = arith.constant 0 : i32
          %dma_start3A_250 = tpu.memref_slice %arg9[%dma_start3A_238, %dma_start3A_248, %dma_start3A_249] : memref<2x64x512xf32, #tpu.memory_space<vmem>> -> memref<1x64x512xf32, #tpu.memory_space<vmem>>
          %dma_start3A_251 = tpu.memref_squeeze %dma_start3A_250 : memref<1x64x512xf32, #tpu.memory_space<vmem>> -> memref<64x512xf32, #tpu.memory_space<vmem>>
          %dma_start3A_252 = arith.constant 0 : i32
          %dma_start3A_253 = tpu.memref_slice %arg2[%dma_start3A_252, %multiple_of3A] : memref<64x1000001xf32, #tpu.memory_space<hbm>> -> memref<64x512xf32, #tpu.memory_space<hbm>>
          tpu.enqueue_dma source(%dma_start3A_253 : memref<64x512xf32, #tpu.memory_space<hbm>>) target(%dma_start3A_251 : memref<64x512xf32, #tpu.memory_space<vmem>>) target_semaphore(%dma_start3A_247 : memref<!tpu.dma_semaphore, #tpu.memory_space<semaphore_mem>>)
        } else {
        }
      } else {
      }
      %mul3A_191 = arith.constant 2 : i32
      %mul3A_192 = arith.muli %while3A_183, %mul3A_191 : i32
      %add3A_193 = arith.constant 1 : i32
      %add3A_194 = arith.addi %mul3A_192, %add3A_193 : i32
      %lt3A_195 = arith.cmpi slt, %add3A_194, %min3A : i32
      %convert_element_type3A_196 = arith.extui %lt3A_195 : i1 to i32
      %cond3A_197 = arith.constant 0 : i32
      %cond3A_198 = arith.cmpi ne, %convert_element_type3A_196, %cond3A_197 : i32
      scf.if %cond3A_198 {
        %dma_wait3A_199 = arith.constant 1 : i32
        %dma_wait3A_200 = arith.constant 1 : i32
        %dma_wait3A_201 = arith.constant 0 : i32
        %dma_wait3A_202 = arith.constant 0 : i32
        %dma_wait3A_203 = tpu.memref_slice %arg9[%dma_wait3A_199, %dma_wait3A_201, %dma_wait3A_202] : memref<2x64x512xf32, #tpu.memory_space<vmem>> -> memref<1x64x512xf32, #tpu.memory_space<vmem>>
        %dma_wait3A_204 = tpu.memref_squeeze %dma_wait3A_203 : memref<1x64x512xf32, #tpu.memory_space<vmem>> -> memref<64x512xf32, #tpu.memory_space<vmem>>
        %dma_wait3A_205 = arith.constant 0 : i32
        %dma_wait3A_206 = arith.constant 0 : i32
        %dma_wait3A_207 = tpu.memref_slice %arg2[%dma_wait3A_205, %dma_wait3A_206] : memref<64x1000001xf32, #tpu.memory_space<hbm>> -> memref<64x512xf32, #tpu.memory_space<hbm>>
        %dma_wait3A_208 = tpu.memref_slice %arg16[%dma_wait3A_200] : memref<2x!tpu.dma_semaphore, #tpu.memory_space<semaphore_mem>> -> memref<1x!tpu.dma_semaphore, #tpu.memory_space<semaphore_mem>>
        %dma_wait3A_209 = tpu.memref_squeeze %dma_wait3A_208 : memref<1x!tpu.dma_semaphore, #tpu.memory_space<semaphore_mem>> -> memref<!tpu.dma_semaphore, #tpu.memory_space<semaphore_mem>>
        %dma_wait3A_210 = arith.constant 0 : i32
        %dma_wait3A_211 = arith.constant 0 : i32
        %dma_wait3A_212 = tpu.memref_slice %arg9[%dma_wait3A_199, %dma_wait3A_210, %dma_wait3A_211] : memref<2x64x512xf32, #tpu.memory_space<vmem>> -> memref<1x64x512xf32, #tpu.memory_space<vmem>>
        %dma_wait3A_213 = tpu.memref_squeeze %dma_wait3A_212 : memref<1x64x512xf32, #tpu.memory_space<vmem>> -> memref<64x512xf32, #tpu.memory_space<vmem>>
        %dma_wait3A_214 = arith.constant 0 : i32
        %dma_wait3A_215 = arith.constant 0 : i32
        %dma_wait3A_216 = tpu.memref_slice %arg2[%dma_wait3A_214, %dma_wait3A_215] : memref<64x1000001xf32, #tpu.memory_space<hbm>> -> memref<64x512xf32, #tpu.memory_space<hbm>>
        tpu.wait_dma2 semaphore(%dma_wait3A_209 : memref<!tpu.dma_semaphore, #tpu.memory_space<semaphore_mem>>) src(%dma_wait3A_216 : memref<64x512xf32, #tpu.memory_space<hbm>>) dst(%dma_wait3A_213 : memref<64x512xf32, #tpu.memory_space<vmem>>)
        %mul3A_217 = arith.constant 32768 : i32
        %mul3A_218 = arith.muli %add3A, %mul3A_217 : i32
        %mul3A_219 = arith.constant 512 : i32
        %mul3A_220 = arith.muli %add3A_194, %mul3A_219 : i32
        %add3A_221 = arith.addi %mul3A_218, %mul3A_220 : i32
        %while3A_222 = arith.constant 1 : i32
        %while3A_223 = arith.constant true
        %while3A_224 = scf.while (%while3A_231 = %while3A_223) : (i1) -> i1 {
          scf.condition(%while3A_231) %while3A_231 : i1
        } do {
        ^bb0(%while3A_231: i1):
          %while3A_232 = arith.constant 0 : i32
          %while3A_233 = arith.constant 0 : i32
          %while3A_234 = arith.subi %select_n3A, %while3A_232 : i32
          %while3A_235 = arith.addi %while3A_232, %while3A_234 : i32
          %while3A_236 = arith.constant 1 : i32
          %while3A_237 = arith.divsi %while3A_234, %while3A_236 : i32
          %while3A_238 = arith.muli %while3A_237, %while3A_236 : i32
          %while3A_239 = arith.addi %while3A_232, %while3A_238 : i32
          %while3A_240 = arith.constant 1 : i32
          %while3A_241 = scf.for %while3A_250 = %while3A_232 to %while3A_239 step %while3A_240 iter_args(%while3A_251 = %while3A_233) -> (i32)  : i32 {
            %mul3A_252 = arith.constant 16 : i32
            %mul3A_253 = arith.muli %while3A_250, %mul3A_252 : i32
            %get3A = arith.index_cast %mul3A_253 : i32 to index
            %get3A_254 = tpu.vector_load %arg7[%get3A] {strides = array<i32>} : memref<16400xi32, #tpu.memory_space<vmem>>, vector<16xi32>,
            %ge3A_255 = vector.broadcast %add3A_221 : i32 to vector<16xi32>
            %ge3A_256 = arith.cmpi sge, %get3A_254, %ge3A_255 : vector<16xi32>
            %add3A_257 = arith.constant 512 : i32
            %add3A_258 = arith.addi %add3A_221, %add3A_257 : i32
            %lt3A_259 = vector.broadcast %add3A_258 : i32 to vector<16xi32>
            %lt3A_260 = arith.cmpi slt, %get3A_254, %lt3A_259 : vector<16xi32>
            %and3A_261 = arith.andi %ge3A_256, %lt3A_260 : vector<16xi1>
            %convert_element_type3A_262 = arith.extui %and3A_261 : vector<16xi1> to vector<16xi32>
            %reduce_sum3A = arith.constant true
            %reduce_sum3A_263 = vector.broadcast %reduce_sum3A : i1 to vector<16xi1>
            %reduce_sum3A_264 = tpu.scan <sum>, %convert_element_type3A_262 masked %reduce_sum3A_263 : vector<16xi32>, vector<16xi1> -> vector<16xi32>
            %reduce_sum3A_265 = vector.extract %reduce_sum3A_264[15] : i32 from vector<16xi32>
            %gt3A_266 = arith.constant 0 : i32
            %gt3A_267 = arith.cmpi sgt, %reduce_sum3A_265, %gt3A_266 : i32
            %lt3A_268 = arith.constant 16 : i32
            %lt3A_269 = arith.cmpi slt, %while3A_251, %lt3A_268 : i32
            %and3A_270 = arith.andi %gt3A_267, %lt3A_269 : i1
            %convert_element_type3A_271 = arith.extui %and3A_270 : i1 to i32
            %cond3A_272 = arith.constant 0 : i32
            %cond3A_273 = arith.cmpi ne, %convert_element_type3A_271, %cond3A_272 : i32
            scf.if %cond3A_273 {
              %mul3A_277 = arith.constant 16 : i32
              %mul3A_278 = arith.muli %while3A_250, %mul3A_277 : i32
              %get3A_279 = arith.index_cast %mul3A_278 : i32 to index
              %get3A_280 = tpu.vector_load %arg8[%get3A_279] {strides = array<i32>} : memref<16384xi32, #tpu.memory_space<vmem>>, vector<16xi32>,
              %sub3A_281 = vector.broadcast %add3A_221 : i32 to vector<16xi32>
              %sub3A_282 = arith.subi %get3A_254, %sub3A_281 : vector<16xi32>
              %swap3A_283 = arith.constant 0 : index
              %swap3A_284 = tpu.vector_load %arg14[%swap3A_283] masked %and3A_261 {strides = array<i32>} : memref<16xi32, #tpu.memory_space<vmem>>, vector<16xi32>, vector<16xi1>
              tpu.vector_store %arg14[%swap3A_283], %sub3A_282 masked %and3A_261 {strides = array<i32>} : memref<16xi32, #tpu.memory_space<vmem>>, vector<16xi32>, vector<16xi1>
              %swap3A_285 = arith.constant 0 : index
              %swap3A_286 = tpu.vector_load %arg15[%swap3A_285] masked %and3A_261 {strides = array<i32>} : memref<16xi32, #tpu.memory_space<vmem>>, vector<16xi32>, vector<16xi1>
              tpu.vector_store %arg15[%swap3A_285], %get3A_280 masked %and3A_261 {strides = array<i32>} : memref<16xi32, #tpu.memory_space<vmem>>, vector<16xi32>, vector<16xi1>
              %get3A_287 = arith.constant 0 : index
              %get3A_288 = tpu.vector_load %arg14[%get3A_287] {strides = array<i32>} : memref<16xi32, #tpu.memory_space<vmem>>, vector<16xi32>,
              %swap3A_289 = arith.index_cast %while3A_251 : i32 to index
              %swap3A_290 = tpu.vector_load %arg10[%swap3A_289] {strides = array<i32>} : memref<32xi32, #tpu.memory_space<vmem>>, vector<16xi32>,
              tpu.vector_store %arg10[%swap3A_289], %get3A_288 {strides = array<i32>} : memref<32xi32, #tpu.memory_space<vmem>>, vector<16xi32>,
              %get3A_291 = arith.constant 0 : index
              %get3A_292 = tpu.vector_load %arg15[%get3A_291] {strides = array<i32>} : memref<16xi32, #tpu.memory_space<vmem>>, vector<16xi32>,
              %swap3A_293 = arith.index_cast %while3A_251 : i32 to index
              %swap3A_294 = tpu.vector_load %arg11[%swap3A_293] {strides = array<i32>} : memref<32xi32, #tpu.memory_space<vmem>>, vector<16xi32>,
              tpu.vector_store %arg11[%swap3A_293], %get3A_292 {strides = array<i32>} : memref<32xi32, #tpu.memory_space<vmem>>, vector<16xi32>,
              %jit3A_295 = arith.constant 2147483632 : i32
              %broadcast_in_dim3A_296 = vector.broadcast %jit3A_295 : i32 to vector<16xi32>
              %select_n3A_297 = arith.select %and3A_261, %broadcast_in_dim3A_296, %get3A_254 : vector<16xi1>, vector<16xi32>
              %mul3A_298 = arith.constant 16 : i32
              %mul3A_299 = arith.muli %while3A_250, %mul3A_298 : i32
              %swap3A_300 = arith.index_cast %mul3A_299 : i32 to index
              %swap3A_301 = tpu.vector_load %arg7[%swap3A_300] {strides = array<i32>} : memref<16400xi32, #tpu.memory_space<vmem>>, vector<16xi32>,
              tpu.vector_store %arg7[%swap3A_300], %select_n3A_297 {strides = array<i32>} : memref<16400xi32, #tpu.memory_space<vmem>>, vector<16xi32>,
            } else {
            }
            %jit3A_274 = arith.constant 0 : i32
            %select_n3A_275 = arith.select %and3A_270, %reduce_sum3A_265, %jit3A_274 : i32
            %add3A_276 = arith.addi %while3A_251, %select_n3A_275 : i32
            scf.yield %add3A_276 : i32
          }
          %while3A_242 = arith.constant 1 : i32
          %while3A_243 = scf.for %while3A_250 = %while3A_239 to %while3A_235 step %while3A_242 iter_args(%while3A_251 = %while3A_241) -> (i32)  : i32 {
            %mul3A_252 = arith.constant 16 : i32
            %mul3A_253 = arith.muli %while3A_250, %mul3A_252 : i32
            %get3A = arith.index_cast %mul3A_253 : i32 to index
            %get3A_254 = tpu.vector_load %arg7[%get3A] {strides = array<i32>} : memref<16400xi32, #tpu.memory_space<vmem>>, vector<16xi32>,
            %ge3A_255 = vector.broadcast %add3A_221 : i32 to vector<16xi32>
            %ge3A_256 = arith.cmpi sge, %get3A_254, %ge3A_255 : vector<16xi32>
            %add3A_257 = arith.constant 512 : i32
            %add3A_258 = arith.addi %add3A_221, %add3A_257 : i32
            %lt3A_259 = vector.broadcast %add3A_258 : i32 to vector<16xi32>
            %lt3A_260 = arith.cmpi slt, %get3A_254, %lt3A_259 : vector<16xi32>
            %and3A_261 = arith.andi %ge3A_256, %lt3A_260 : vector<16xi1>
            %convert_element_type3A_262 = arith.extui %and3A_261 : vector<16xi1> to vector<16xi32>
            %reduce_sum3A = arith.constant true
            %reduce_sum3A_263 = vector.broadcast %reduce_sum3A : i1 to vector<16xi1>
            %reduce_sum3A_264 = tpu.scan <sum>, %convert_element_type3A_262 masked %reduce_sum3A_263 : vector<16xi32>, vector<16xi1> -> vector<16xi32>
            %reduce_sum3A_265 = vector.extract %reduce_sum3A_264[15] : i32 from vector<16xi32>
            %gt3A_266 = arith.constant 0 : i32
            %gt3A_267 = arith.cmpi sgt, %reduce_sum3A_265, %gt3A_266 : i32
            %lt3A_268 = arith.constant 16 : i32
            %lt3A_269 = arith.cmpi slt, %while3A_251, %lt3A_268 : i32
            %and3A_270 = arith.andi %gt3A_267, %lt3A_269 : i1
            %convert_element_type3A_271 = arith.extui %and3A_270 : i1 to i32
            %cond3A_272 = arith.constant 0 : i32
            %cond3A_273 = arith.cmpi ne, %convert_element_type3A_271, %cond3A_272 : i32
            scf.if %cond3A_273 {
              %mul3A_277 = arith.constant 16 : i32
              %mul3A_278 = arith.muli %while3A_250, %mul3A_277 : i32
              %get3A_279 = arith.index_cast %mul3A_278 : i32 to index
              %get3A_280 = tpu.vector_load %arg8[%get3A_279] {strides = array<i32>} : memref<16384xi32, #tpu.memory_space<vmem>>, vector<16xi32>,
              %sub3A_281 = vector.broadcast %add3A_221 : i32 to vector<16xi32>
              %sub3A_282 = arith.subi %get3A_254, %sub3A_281 : vector<16xi32>
              %swap3A_283 = arith.constant 0 : index
              %swap3A_284 = tpu.vector_load %arg14[%swap3A_283] masked %and3A_261 {strides = array<i32>} : memref<16xi32, #tpu.memory_space<vmem>>, vector<16xi32>, vector<16xi1>
              tpu.vector_store %arg14[%swap3A_283], %sub3A_282 masked %and3A_261 {strides = array<i32>} : memref<16xi32, #tpu.memory_space<vmem>>, vector<16xi32>, vector<16xi1>
              %swap3A_285 = arith.constant 0 : index
              %swap3A_286 = tpu.vector_load %arg15[%swap3A_285] masked %and3A_261 {strides = array<i32>} : memref<16xi32, #tpu.memory_space<vmem>>, vector<16xi32>, vector<16xi1>
              tpu.vector_store %arg15[%swap3A_285], %get3A_280 masked %and3A_261 {strides = array<i32>} : memref<16xi32, #tpu.memory_space<vmem>>, vector<16xi32>, vector<16xi1>
              %get3A_287 = arith.constant 0 : index
              %get3A_288 = tpu.vector_load %arg14[%get3A_287] {strides = array<i32>} : memref<16xi32, #tpu.memory_space<vmem>>, vector<16xi32>,
              %swap3A_289 = arith.index_cast %while3A_251 : i32 to index
              %swap3A_290 = tpu.vector_load %arg10[%swap3A_289] {strides = array<i32>} : memref<32xi32, #tpu.memory_space<vmem>>, vector<16xi32>,
              tpu.vector_store %arg10[%swap3A_289], %get3A_288 {strides = array<i32>} : memref<32xi32, #tpu.memory_space<vmem>>, vector<16xi32>,
              %get3A_291 = arith.constant 0 : index
              %get3A_292 = tpu.vector_load %arg15[%get3A_291] {strides = array<i32>} : memref<16xi32, #tpu.memory_space<vmem>>, vector<16xi32>,
              %swap3A_293 = arith.index_cast %while3A_251 : i32 to index
              %swap3A_294 = tpu.vector_load %arg11[%swap3A_293] {strides = array<i32>} : memref<32xi32, #tpu.memory_space<vmem>>, vector<16xi32>,
              tpu.vector_store %arg11[%swap3A_293], %get3A_292 {strides = array<i32>} : memref<32xi32, #tpu.memory_space<vmem>>, vector<16xi32>,
              %jit3A_295 = arith.constant 2147483632 : i32
              %broadcast_in_dim3A_296 = vector.broadcast %jit3A_295 : i32 to vector<16xi32>
              %select_n3A_297 = arith.select %and3A_261, %broadcast_in_dim3A_296, %get3A_254 : vector<16xi1>, vector<16xi32>
              %mul3A_298 = arith.constant 16 : i32
              %mul3A_299 = arith.muli %while3A_250, %mul3A_298 : i32
              %swap3A_300 = arith.index_cast %mul3A_299 : i32 to index
              %swap3A_301 = tpu.vector_load %arg7[%swap3A_300] {strides = array<i32>} : memref<16400xi32, #tpu.memory_space<vmem>>, vector<16xi32>,
              tpu.vector_store %arg7[%swap3A_300], %select_n3A_297 {strides = array<i32>} : memref<16400xi32, #tpu.memory_space<vmem>>, vector<16xi32>,
            } else {
            }
            %jit3A_274 = arith.constant 0 : i32
            %select_n3A_275 = arith.select %and3A_270, %reduce_sum3A_265, %jit3A_274 : i32
            %add3A_276 = arith.addi %while3A_251, %select_n3A_275 : i32
            scf.yield %add3A_276 : i32
          }
          %gt3A_244 = arith.constant 0 : i32
          %gt3A_245 = arith.cmpi sgt, %while3A_243, %gt3A_244 : i32
          %convert_element_type3A_246 = arith.extui %gt3A_245 : i1 to i32
          %cond3A_247 = arith.constant 0 : i32
          %cond3A_248 = arith.cmpi ne, %convert_element_type3A_246, %cond3A_247 : i32
          scf.if %cond3A_248 {
            %dma_wait3A_250 = arith.constant 1 : i32
            %dma_wait3A_251 = arith.constant 1 : i32
            %dma_wait3A_252 = arith.constant 1 : i32
            %dma_wait3A_253 = arith.constant 0 : i32
            %dma_wait3A_254 = arith.constant 0 : i32
            %dma_wait3A_255 = tpu.memref_slice %arg12[%dma_wait3A_250, %dma_wait3A_253, %dma_wait3A_254] : memref<2x32x128xf32, #tpu.memory_space<vmem>> -> memref<1x32x128xf32, #tpu.memory_space<vmem>>
            %dma_wait3A_256 = tpu.memref_squeeze %dma_wait3A_255 : memref<1x32x128xf32, #tpu.memory_space<vmem>> -> memref<32x128xf32, #tpu.memory_space<vmem>>
            %dma_wait3A_257 = arith.constant 0 : i32
            %dma_wait3A_258 = tpu.memref_slice %arg13[%dma_wait3A_251, %dma_wait3A_257] : memref<2x32xi32, #tpu.memory_space<vmem>> -> memref<1x32xi32, #tpu.memory_space<vmem>>
            %dma_wait3A_259 = tpu.memref_squeeze %dma_wait3A_258 : memref<1x32xi32, #tpu.memory_space<vmem>> -> memref<32xi32, #tpu.memory_space<vmem>>
            %dma_wait3A_260 = arith.constant 0 : i32
            %dma_wait3A_261 = arith.constant 0 : i32
            %dma_wait3A_262 = tpu.memref_slice %arg5[%dma_wait3A_260, %dma_wait3A_261] : memref<16416x128xf32, #tpu.memory_space<hbm>> -> memref<16416x128xf32, #tpu.memory_space<hbm>>
            %dma_wait3A_263 = tpu.memref_slice %arg17[%dma_wait3A_252] : memref<2x!tpu.dma_semaphore, #tpu.memory_space<semaphore_mem>> -> memref<1x!tpu.dma_semaphore, #tpu.memory_space<semaphore_mem>>
            %dma_wait3A_264 = tpu.memref_squeeze %dma_wait3A_263 : memref<1x!tpu.dma_semaphore, #tpu.memory_space<semaphore_mem>> -> memref<!tpu.dma_semaphore, #tpu.memory_space<semaphore_mem>>
            tpu.wait_indirect_dma semaphore(%dma_wait3A_264 : memref<!tpu.dma_semaphore, #tpu.memory_space<semaphore_mem>>) src(%dma_wait3A_256 : memref<32x128xf32, #tpu.memory_space<vmem>>) dst(%dma_wait3A_262 : memref<16416x128xf32, #tpu.memory_space<hbm>>)
            %while3A_265 = arith.constant 0 : i32
            %while3A_266 = arith.constant 0 : i32
            %while3A_267 = arith.subi %while3A_243, %while3A_266 : i32
            %while3A_268 = arith.addi %while3A_266, %while3A_267 : i32
            %while3A_269 = arith.constant 1 : i32
            %while3A_270 = arith.divsi %while3A_267, %while3A_269 : i32
            %while3A_271 = arith.muli %while3A_270, %while3A_269 : i32
            %while3A_272 = arith.addi %while3A_266, %while3A_271 : i32
            %while3A_273 = arith.constant 1 : i32
            scf.for %while3A_315 = %while3A_266 to %while3A_272 step %while3A_273  : i32 {
              %jit3A_316 = arith.constant 16 : i32
              %div3A_317 = arith.divsi %while3A_315, %jit3A_316 : i32
              %sign3A_318 = arith.constant 0 : i32
              %sign3A_319 = arith.cmpi sgt, %while3A_315, %sign3A_318 : i32
              %sign3A_320 = arith.extui %sign3A_319 : i1 to i32
              %sign3A_321 = arith.constant 0 : i32
              %sign3A_322 = arith.cmpi slt, %while3A_315, %sign3A_321 : i32
              %sign3A_323 = arith.extui %sign3A_322 : i1 to i32
              %sign3A_324 = arith.subi %sign3A_320, %sign3A_323 : i32
              %sign3A_325 = arith.constant 0 : i32
              %sign3A_326 = arith.cmpi sgt, %jit3A_316, %sign3A_325 : i32
              %sign3A_327 = arith.extui %sign3A_326 : i1 to i32
              %sign3A_328 = arith.constant 0 : i32
              %sign3A_329 = arith.cmpi slt, %jit3A_316, %sign3A_328 : i32
              %sign3A_330 = arith.extui %sign3A_329 : i1 to i32
              %sign3A_331 = arith.subi %sign3A_327, %sign3A_330 : i32
              %ne3A_332 = arith.cmpi ne, %sign3A_324, %sign3A_331 : i32
              %rem3A_333 = arith.remsi %while3A_315, %jit3A_316 : i32
              %ne3A_334 = arith.constant 0 : i32
              %ne3A_335 = arith.cmpi ne, %rem3A_333, %ne3A_334 : i32
              %and3A_336 = arith.andi %ne3A_332, %ne3A_335 : i1
              %sub3A_337 = arith.constant 1 : i32
              %sub3A_338 = arith.subi %div3A_317, %sub3A_337 : i32
              %select_n3A_339 = arith.select %and3A_336, %sub3A_338, %div3A_317 : i32
              %mul3A_340 = arith.constant 16 : i32
              %mul3A_341 = arith.muli %select_n3A_339, %mul3A_340 : i32
              %get3A_342 = arith.index_cast %mul3A_341 : i32 to index
              %get3A_343 = tpu.vector_load %arg10[%get3A_342] {strides = array<i32>} : memref<32xi32, #tpu.memory_space<vmem>>, vector<16xi32>,
              %jit3A_344 = arith.constant 16 : i32
              %eq3A_345 = arith.constant 0 : i32
              %eq3A_346 = arith.cmpi eq, %jit3A_344, %eq3A_345 : i32
              %jit3A_347 = arith.constant 1 : i32
              %select_n3A_348 = arith.select %eq3A_346, %jit3A_347, %jit3A_344 : i32
              %rem3A_349 = arith.remsi %while3A_315, %select_n3A_348 : i32
              %ne3A_350 = arith.constant 0 : i32
              %ne3A_351 = arith.cmpi ne, %rem3A_349, %ne3A_350 : i32
              %lt3A_352 = arith.constant 0 : i32
              %lt3A_353 = arith.cmpi slt, %rem3A_349, %lt3A_352 : i32
              %lt3A_354 = arith.constant 0 : i32
              %lt3A_355 = arith.cmpi slt, %select_n3A_348, %lt3A_354 : i32
              %ne3A_356 = arith.xori %lt3A_353, %lt3A_355 : i1
              %and3A_357 = arith.andi %ne3A_356, %ne3A_351 : i1
              %add3A_358 = arith.addi %rem3A_349, %select_n3A_348 : i32
              %select_n3A_359 = arith.select %and3A_357, %add3A_358, %rem3A_349 : i32
              %eq3A_360 = vector.broadcast %select_n3A_359 : i32 to vector<16xi32>
              %eq3A_361 = arith.cmpi eq, %iota3A, %eq3A_360 : vector<16xi32>
              %jit3A_362 = arith.constant 0 : i32
              %broadcast_in_dim3A_363 = vector.broadcast %jit3A_362 : i32 to vector<16xi32>
              %select_n3A_364 = arith.select %eq3A_361, %get3A_343, %broadcast_in_dim3A_363 : vector<16xi1>, vector<16xi32>
              %reduce_sum3A = arith.constant true
              %reduce_sum3A_365 = vector.broadcast %reduce_sum3A : i1 to vector<16xi1>
              %reduce_sum3A_366 = tpu.scan <sum>, %select_n3A_364 masked %reduce_sum3A_365 : vector<16xi32>, vector<16xi1> -> vector<16xi32>
              %reduce_sum3A_367 = vector.extract %reduce_sum3A_366[15] : i32 from vector<16xi32>
              %broadcast_in_dim3A_368 = vector.broadcast %reduce_sum3A_367 : i32 to vector<16xi32>
              %add3A_369 = arith.constant 0 : i32
              %add3A_370 = vector.broadcast %add3A_369 : i32 to vector<16xi32>
              %add3A_371 = arith.addi %iota3A, %add3A_370 : vector<16xi32>
              %gather3A = arith.constant 0 : i32
              %gather3A_372 = arith.constant 0 : i32
              %gather3A_373 = tpu.memref_slice %arg9[%while3A_222, %gather3A, %gather3A_372] : memref<2x64x512xf32, #tpu.memory_space<vmem>> -> memref<1x64x512xf32, #tpu.memory_space<vmem>>
              %gather3A_374 = tpu.memref_squeeze %gather3A_373 : memref<1x64x512xf32, #tpu.memory_space<vmem>> -> memref<64x512xf32, #tpu.memory_space<vmem>>
              %gather3A_375 = tpu.vector_load_idx %gather3A_374[%add3A_371, %broadcast_in_dim3A_368] : memref<64x512xf32, #tpu.memory_space<vmem>>[vector<16xi32>, vector<16xi32>], vector<16xf32>,
              %swap3A_376 = arith.constant 1 : i32
              %swap3A_377 = arith.index_cast %swap3A_376 : i32 to index
              %swap3A_378 = arith.index_cast %while3A_315 : i32 to index
              %swap3A_379 = arith.constant 0 : index
              %swap3A_380 = tpu.vector_load %arg12[%swap3A_377, %swap3A_378, %swap3A_379] {strides = array<i32>} : memref<2x32x128xf32, #tpu.memory_space<vmem>>, vector<16xf32>,
              tpu.vector_store %arg12[%swap3A_377, %swap3A_378, %swap3A_379], %gather3A_375 {strides = array<i32>} : memref<2x32x128xf32, #tpu.memory_space<vmem>>, vector<16xf32>,
              %add3A_381 = arith.constant 16 : i32
              %add3A_382 = vector.broadcast %add3A_381 : i32 to vector<16xi32>
              %add3A_383 = arith.addi %iota3A, %add3A_382 : vector<16xi32>
              %gather3A_384 = arith.constant 0 : i32
              %gather3A_385 = arith.constant 0 : i32
              %gather3A_386 = tpu.memref_slice %arg9[%while3A_222, %gather3A_384, %gather3A_385] : memref<2x64x512xf32, #tpu.memory_space<vmem>> -> memref<1x64x512xf32, #tpu.memory_space<vmem>>
              %gather3A_387 = tpu.memref_squeeze %gather3A_386 : memref<1x64x512xf32, #tpu.memory_space<vmem>> -> memref<64x512xf32, #tpu.memory_space<vmem>>
              %gather3A_388 = tpu.vector_load_idx %gather3A_387[%add3A_383, %broadcast_in_dim3A_368] : memref<64x512xf32, #tpu.memory_space<vmem>>[vector<16xi32>, vector<16xi32>], vector<16xf32>,
              %swap3A_389 = arith.constant 1 : i32
              %swap3A_390 = arith.index_cast %swap3A_389 : i32 to index
              %swap3A_391 = arith.index_cast %while3A_315 : i32 to index
              %swap3A_392 = arith.constant 16 : index
              %swap3A_393 = tpu.vector_load %arg12[%swap3A_390, %swap3A_391, %swap3A_392] {strides = array<i32>} : memref<2x32x128xf32, #tpu.memory_space<vmem>>, vector<16xf32>,
              tpu.vector_store %arg12[%swap3A_390, %swap3A_391, %swap3A_392], %gather3A_388 {strides = array<i32>} : memref<2x32x128xf32, #tpu.memory_space<vmem>>, vector<16xf32>,
              %add3A_394 = arith.constant 32 : i32
              %add3A_395 = vector.broadcast %add3A_394 : i32 to vector<16xi32>
              %add3A_396 = arith.addi %iota3A, %add3A_395 : vector<16xi32>
              %gather3A_397 = arith.constant 0 : i32
              %gather3A_398 = arith.constant 0 : i32
              %gather3A_399 = tpu.memref_slice %arg9[%while3A_222, %gather3A_397, %gather3A_398] : memref<2x64x512xf32, #tpu.memory_space<vmem>> -> memref<1x64x512xf32, #tpu.memory_space<vmem>>
              %gather3A_400 = tpu.memref_squeeze %gather3A_399 : memref<1x64x512xf32, #tpu.memory_space<vmem>> -> memref<64x512xf32, #tpu.memory_space<vmem>>
              %gather3A_401 = tpu.vector_load_idx %gather3A_400[%add3A_396, %broadcast_in_dim3A_368] : memref<64x512xf32, #tpu.memory_space<vmem>>[vector<16xi32>, vector<16xi32>], vector<16xf32>,
              %swap3A_402 = arith.constant 1 : i32
              %swap3A_403 = arith.index_cast %swap3A_402 : i32 to index
              %swap3A_404 = arith.index_cast %while3A_315 : i32 to index
              %swap3A_405 = arith.constant 32 : index
              %swap3A_406 = tpu.vector_load %arg12[%swap3A_403, %swap3A_404, %swap3A_405] {strides = array<i32>} : memref<2x32x128xf32, #tpu.memory_space<vmem>>, vector<16xf32>,
              tpu.vector_store %arg12[%swap3A_403, %swap3A_404, %swap3A_405], %gather3A_401 {strides = array<i32>} : memref<2x32x128xf32, #tpu.memory_space<vmem>>, vector<16xf32>,
              %add3A_407 = arith.constant 48 : i32
              %add3A_408 = vector.broadcast %add3A_407 : i32 to vector<16xi32>
              %add3A_409 = arith.addi %iota3A, %add3A_408 : vector<16xi32>
              %gather3A_410 = arith.constant 0 : i32
              %gather3A_411 = arith.constant 0 : i32
              %gather3A_412 = tpu.memref_slice %arg9[%while3A_222, %gather3A_410, %gather3A_411] : memref<2x64x512xf32, #tpu.memory_space<vmem>> -> memref<1x64x512xf32, #tpu.memory_space<vmem>>
              %gather3A_413 = tpu.memref_squeeze %gather3A_412 : memref<1x64x512xf32, #tpu.memory_space<vmem>> -> memref<64x512xf32, #tpu.memory_space<vmem>>
              %gather3A_414 = tpu.vector_load_idx %gather3A_413[%add3A_409, %broadcast_in_dim3A_368] : memref<64x512xf32, #tpu.memory_space<vmem>>[vector<16xi32>, vector<16xi32>], vector<16xf32>,
              %swap3A_415 = arith.constant 1 : i32
              %swap3A_416 = arith.index_cast %swap3A_415 : i32 to index
              %swap3A_417 = arith.index_cast %while3A_315 : i32 to index
              %swap3A_418 = arith.constant 48 : index
              %swap3A_419 = tpu.vector_load %arg12[%swap3A_416, %swap3A_417, %swap3A_418] {strides = array<i32>} : memref<2x32x128xf32, #tpu.memory_space<vmem>>, vector<16xf32>,
              tpu.vector_store %arg12[%swap3A_416, %swap3A_417, %swap3A_418], %gather3A_414 {strides = array<i32>} : memref<2x32x128xf32, #tpu.memory_space<vmem>>, vector<16xf32>,
            }
            %while3A_274 = arith.constant 1 : i32
            scf.for %while3A_315 = %while3A_272 to %while3A_268 step %while3A_274  : i32 {
              %jit3A_316 = arith.constant 16 : i32
              %div3A_317 = arith.divsi %while3A_315, %jit3A_316 : i32
              %sign3A_318 = arith.constant 0 : i32
              %sign3A_319 = arith.cmpi sgt, %while3A_315, %sign3A_318 : i32
              %sign3A_320 = arith.extui %sign3A_319 : i1 to i32
              %sign3A_321 = arith.constant 0 : i32
              %sign3A_322 = arith.cmpi slt, %while3A_315, %sign3A_321 : i32
              %sign3A_323 = arith.extui %sign3A_322 : i1 to i32
              %sign3A_324 = arith.subi %sign3A_320, %sign3A_323 : i32
              %sign3A_325 = arith.constant 0 : i32
              %sign3A_326 = arith.cmpi sgt, %jit3A_316, %sign3A_325 : i32
              %sign3A_327 = arith.extui %sign3A_326 : i1 to i32
              %sign3A_328 = arith.constant 0 : i32
              %sign3A_329 = arith.cmpi slt, %jit3A_316, %sign3A_328 : i32
              %sign3A_330 = arith.extui %sign3A_329 : i1 to i32
              %sign3A_331 = arith.subi %sign3A_327, %sign3A_330 : i32
              %ne3A_332 = arith.cmpi ne, %sign3A_324, %sign3A_331 : i32
              %rem3A_333 = arith.remsi %while3A_315, %jit3A_316 : i32
              %ne3A_334 = arith.constant 0 : i32
              %ne3A_335 = arith.cmpi ne, %rem3A_333, %ne3A_334 : i32
              %and3A_336 = arith.andi %ne3A_332, %ne3A_335 : i1
              %sub3A_337 = arith.constant 1 : i32
              %sub3A_338 = arith.subi %div3A_317, %sub3A_337 : i32
              %select_n3A_339 = arith.select %and3A_336, %sub3A_338, %div3A_317 : i32
              %mul3A_340 = arith.constant 16 : i32
              %mul3A_341 = arith.muli %select_n3A_339, %mul3A_340 : i32
              %get3A_342 = arith.index_cast %mul3A_341 : i32 to index
              %get3A_343 = tpu.vector_load %arg10[%get3A_342] {strides = array<i32>} : memref<32xi32, #tpu.memory_space<vmem>>, vector<16xi32>,
              %jit3A_344 = arith.constant 16 : i32
              %eq3A_345 = arith.constant 0 : i32
              %eq3A_346 = arith.cmpi eq, %jit3A_344, %eq3A_345 : i32
              %jit3A_347 = arith.constant 1 : i32
              %select_n3A_348 = arith.select %eq3A_346, %jit3A_347, %jit3A_344 : i32
              %rem3A_349 = arith.remsi %while3A_315, %select_n3A_348 : i32
              %ne3A_350 = arith.constant 0 : i32
              %ne3A_351 = arith.cmpi ne, %rem3A_349, %ne3A_350 : i32
              %lt3A_352 = arith.constant 0 : i32
              %lt3A_353 = arith.cmpi slt, %rem3A_349, %lt3A_352 : i32
              %lt3A_354 = arith.constant 0 : i32
              %lt3A_355 = arith.cmpi slt, %select_n3A_348, %lt3A_354 : i32
              %ne3A_356 = arith.xori %lt3A_353, %lt3A_355 : i1
              %and3A_357 = arith.andi %ne3A_356, %ne3A_351 : i1
              %add3A_358 = arith.addi %rem3A_349, %select_n3A_348 : i32
              %select_n3A_359 = arith.select %and3A_357, %add3A_358, %rem3A_349 : i32
              %eq3A_360 = vector.broadcast %select_n3A_359 : i32 to vector<16xi32>
              %eq3A_361 = arith.cmpi eq, %iota3A, %eq3A_360 : vector<16xi32>
              %jit3A_362 = arith.constant 0 : i32
              %broadcast_in_dim3A_363 = vector.broadcast %jit3A_362 : i32 to vector<16xi32>
              %select_n3A_364 = arith.select %eq3A_361, %get3A_343, %broadcast_in_dim3A_363 : vector<16xi1>, vector<16xi32>
              %reduce_sum3A = arith.constant true
              %reduce_sum3A_365 = vector.broadcast %reduce_sum3A : i1 to vector<16xi1>
              %reduce_sum3A_366 = tpu.scan <sum>, %select_n3A_364 masked %reduce_sum3A_365 : vector<16xi32>, vector<16xi1> -> vector<16xi32>
              %reduce_sum3A_367 = vector.extract %reduce_sum3A_366[15] : i32 from vector<16xi32>
              %broadcast_in_dim3A_368 = vector.broadcast %reduce_sum3A_367 : i32 to vector<16xi32>
              %add3A_369 = arith.constant 0 : i32
              %add3A_370 = vector.broadcast %add3A_369 : i32 to vector<16xi32>
              %add3A_371 = arith.addi %iota3A, %add3A_370 : vector<16xi32>
              %gather3A = arith.constant 0 : i32
              %gather3A_372 = arith.constant 0 : i32
              %gather3A_373 = tpu.memref_slice %arg9[%while3A_222, %gather3A, %gather3A_372] : memref<2x64x512xf32, #tpu.memory_space<vmem>> -> memref<1x64x512xf32, #tpu.memory_space<vmem>>
              %gather3A_374 = tpu.memref_squeeze %gather3A_373 : memref<1x64x512xf32, #tpu.memory_space<vmem>> -> memref<64x512xf32, #tpu.memory_space<vmem>>
              %gather3A_375 = tpu.vector_load_idx %gather3A_374[%add3A_371, %broadcast_in_dim3A_368] : memref<64x512xf32, #tpu.memory_space<vmem>>[vector<16xi32>, vector<16xi32>], vector<16xf32>,
              %swap3A_376 = arith.constant 1 : i32
              %swap3A_377 = arith.index_cast %swap3A_376 : i32 to index
              %swap3A_378 = arith.index_cast %while3A_315 : i32 to index
              %swap3A_379 = arith.constant 0 : index
              %swap3A_380 = tpu.vector_load %arg12[%swap3A_377, %swap3A_378, %swap3A_379] {strides = array<i32>} : memref<2x32x128xf32, #tpu.memory_space<vmem>>, vector<16xf32>,
              tpu.vector_store %arg12[%swap3A_377, %swap3A_378, %swap3A_379], %gather3A_375 {strides = array<i32>} : memref<2x32x128xf32, #tpu.memory_space<vmem>>, vector<16xf32>,
              %add3A_381 = arith.constant 16 : i32
              %add3A_382 = vector.broadcast %add3A_381 : i32 to vector<16xi32>
              %add3A_383 = arith.addi %iota3A, %add3A_382 : vector<16xi32>
              %gather3A_384 = arith.constant 0 : i32
              %gather3A_385 = arith.constant 0 : i32
              %gather3A_386 = tpu.memref_slice %arg9[%while3A_222, %gather3A_384, %gather3A_385] : memref<2x64x512xf32, #tpu.memory_space<vmem>> -> memref<1x64x512xf32, #tpu.memory_space<vmem>>
              %gather3A_387 = tpu.memref_squeeze %gather3A_386 : memref<1x64x512xf32, #tpu.memory_space<vmem>> -> memref<64x512xf32, #tpu.memory_space<vmem>>
              %gather3A_388 = tpu.vector_load_idx %gather3A_387[%add3A_383, %broadcast_in_dim3A_368] : memref<64x512xf32, #tpu.memory_space<vmem>>[vector<16xi32>, vector<16xi32>], vector<16xf32>,
              %swap3A_389 = arith.constant 1 : i32
              %swap3A_390 = arith.index_cast %swap3A_389 : i32 to index
              %swap3A_391 = arith.index_cast %while3A_315 : i32 to index
              %swap3A_392 = arith.constant 16 : index
              %swap3A_393 = tpu.vector_load %arg12[%swap3A_390, %swap3A_391, %swap3A_392] {strides = array<i32>} : memref<2x32x128xf32, #tpu.memory_space<vmem>>, vector<16xf32>,
              tpu.vector_store %arg12[%swap3A_390, %swap3A_391, %swap3A_392], %gather3A_388 {strides = array<i32>} : memref<2x32x128xf32, #tpu.memory_space<vmem>>, vector<16xf32>,
              %add3A_394 = arith.constant 32 : i32
              %add3A_395 = vector.broadcast %add3A_394 : i32 to vector<16xi32>
              %add3A_396 = arith.addi %iota3A, %add3A_395 : vector<16xi32>
              %gather3A_397 = arith.constant 0 : i32
              %gather3A_398 = arith.constant 0 : i32
              %gather3A_399 = tpu.memref_slice %arg9[%while3A_222, %gather3A_397, %gather3A_398] : memref<2x64x512xf32, #tpu.memory_space<vmem>> -> memref<1x64x512xf32, #tpu.memory_space<vmem>>
              %gather3A_400 = tpu.memref_squeeze %gather3A_399 : memref<1x64x512xf32, #tpu.memory_space<vmem>> -> memref<64x512xf32, #tpu.memory_space<vmem>>
              %gather3A_401 = tpu.vector_load_idx %gather3A_400[%add3A_396, %broadcast_in_dim3A_368] : memref<64x512xf32, #tpu.memory_space<vmem>>[vector<16xi32>, vector<16xi32>], vector<16xf32>,
              %swap3A_402 = arith.constant 1 : i32
              %swap3A_403 = arith.index_cast %swap3A_402 : i32 to index
              %swap3A_404 = arith.index_cast %while3A_315 : i32 to index
              %swap3A_405 = arith.constant 32 : index
              %swap3A_406 = tpu.vector_load %arg12[%swap3A_403, %swap3A_404, %swap3A_405] {strides = array<i32>} : memref<2x32x128xf32, #tpu.memory_space<vmem>>, vector<16xf32>,
              tpu.vector_store %arg12[%swap3A_403, %swap3A_404, %swap3A_405], %gather3A_401 {strides = array<i32>} : memref<2x32x128xf32, #tpu.memory_space<vmem>>, vector<16xf32>,
              %add3A_407 = arith.constant 48 : i32
              %add3A_408 = vector.broadcast %add3A_407 : i32 to vector<16xi32>
              %add3A_409 = arith.addi %iota3A, %add3A_408 : vector<16xi32>
              %gather3A_410 = arith.constant 0 : i32
              %gather3A_411 = arith.constant 0 : i32
              %gather3A_412 = tpu.memref_slice %arg9[%while3A_222, %gather3A_410, %gather3A_411] : memref<2x64x512xf32, #tpu.memory_space<vmem>> -> memref<1x64x512xf32, #tpu.memory_space<vmem>>
              %gather3A_413 = tpu.memref_squeeze %gather3A_412 : memref<1x64x512xf32, #tpu.memory_space<vmem>> -> memref<64x512xf32, #tpu.memory_space<vmem>>
              %gather3A_414 = tpu.vector_load_idx %gather3A_413[%add3A_409, %broadcast_in_dim3A_368] : memref<64x512xf32, #tpu.memory_space<vmem>>[vector<16xi32>, vector<16xi32>], vector<16xf32>,
              %swap3A_415 = arith.constant 1 : i32
              %swap3A_416 = arith.index_cast %swap3A_415 : i32 to index
              %swap3A_417 = arith.index_cast %while3A_315 : i32 to index
              %swap3A_418 = arith.constant 48 : index
              %swap3A_419 = tpu.vector_load %arg12[%swap3A_416, %swap3A_417, %swap3A_418] {strides = array<i32>} : memref<2x32x128xf32, #tpu.memory_space<vmem>>, vector<16xf32>,
              tpu.vector_store %arg12[%swap3A_416, %swap3A_417, %swap3A_418], %gather3A_414 {strides = array<i32>} : memref<2x32x128xf32, #tpu.memory_space<vmem>>, vector<16xf32>,
            }
            %add3A_275 = arith.constant 0 : i32
            %add3A_276 = vector.broadcast %add3A_275 : i32 to vector<16xi32>
            %add3A_277 = arith.addi %iota3A, %add3A_276 : vector<16xi32>
            %lt3A_278 = vector.broadcast %while3A_243 : i32 to vector<16xi32>
            %lt3A_279 = arith.cmpi slt, %add3A_277, %lt3A_278 : vector<16xi32>
            %get3A = arith.constant 0 : index
            %get3A_280 = tpu.vector_load %arg11[%get3A] {strides = array<i32>} : memref<32xi32, #tpu.memory_space<vmem>>, vector<16xi32>,
            %broadcast_in_dim3A_281 = vector.broadcast %add3A_2 : i32 to vector<16xi32>
            %select_n3A_282 = arith.select %lt3A_279, %get3A_280, %broadcast_in_dim3A_281 : vector<16xi1>, vector<16xi32>
            %swap3A_283 = arith.constant 1 : i32
            %swap3A_284 = arith.index_cast %swap3A_283 : i32 to index
            %swap3A_285 = arith.constant 0 : index
            %swap3A_286 = tpu.vector_load %arg13[%swap3A_284, %swap3A_285] {strides = array<i32>} : memref<2x32xi32, #tpu.memory_space<vmem>>, vector<16xi32>,
            tpu.vector_store %arg13[%swap3A_284, %swap3A_285], %select_n3A_282 {strides = array<i32>} : memref<2x32xi32, #tpu.memory_space<vmem>>, vector<16xi32>,
            %add3A_287 = arith.constant 16 : i32
            %add3A_288 = vector.broadcast %add3A_287 : i32 to vector<16xi32>
            %add3A_289 = arith.addi %iota3A, %add3A_288 : vector<16xi32>
            %lt3A_290 = vector.broadcast %while3A_243 : i32 to vector<16xi32>
            %lt3A_291 = arith.cmpi slt, %add3A_289, %lt3A_290 : vector<16xi32>
            %get3A_292 = arith.constant 16 : index
            %get3A_293 = tpu.vector_load %arg11[%get3A_292] {strides = array<i32>} : memref<32xi32, #tpu.memory_space<vmem>>, vector<16xi32>,
            %broadcast_in_dim3A_294 = vector.broadcast %add3A_2 : i32 to vector<16xi32>
            %select_n3A_295 = arith.select %lt3A_291, %get3A_293, %broadcast_in_dim3A_294 : vector<16xi1>, vector<16xi32>
            %swap3A_296 = arith.constant 1 : i32
            %swap3A_297 = arith.index_cast %swap3A_296 : i32 to index
            %swap3A_298 = arith.constant 16 : index
            %swap3A_299 = tpu.vector_load %arg13[%swap3A_297, %swap3A_298] {strides = array<i32>} : memref<2x32xi32, #tpu.memory_space<vmem>>, vector<16xi32>,
            tpu.vector_store %arg13[%swap3A_297, %swap3A_298], %select_n3A_295 {strides = array<i32>} : memref<2x32xi32, #tpu.memory_space<vmem>>, vector<16xi32>,
            %dma_start3A_300 = arith.constant 1 : i32
            %dma_start3A_301 = arith.constant 1 : i32
            %dma_start3A_302 = arith.constant 1 : i32
            %dma_start3A_303 = arith.constant 0 : i32
            %dma_start3A_304 = arith.constant 0 : i32
            %dma_start3A_305 = tpu.memref_slice %arg12[%dma_start3A_300, %dma_start3A_303, %dma_start3A_304] : memref<2x32x128xf32, #tpu.memory_space<vmem>> -> memref<1x32x128xf32, #tpu.memory_space<vmem>>
            %dma_start3A_306 = tpu.memref_squeeze %dma_start3A_305 : memref<1x32x128xf32, #tpu.memory_space<vmem>> -> memref<32x128xf32, #tpu.memory_space<vmem>>
            %dma_start3A_307 = arith.constant 0 : i32
            %dma_start3A_308 = tpu.memref_slice %arg13[%dma_start3A_301, %dma_start3A_307] : memref<2x32xi32, #tpu.memory_space<vmem>> -> memref<1x32xi32, #tpu.memory_space<vmem>>
            %dma_start3A_309 = tpu.memref_squeeze %dma_start3A_308 : memref<1x32xi32, #tpu.memory_space<vmem>> -> memref<32xi32, #tpu.memory_space<vmem>>
            %dma_start3A_310 = arith.constant 0 : i32
            %dma_start3A_311 = arith.constant 0 : i32
            %dma_start3A_312 = tpu.memref_slice %arg5[%dma_start3A_310, %dma_start3A_311] : memref<16416x128xf32, #tpu.memory_space<hbm>> -> memref<16416x128xf32, #tpu.memory_space<hbm>>
            %dma_start3A_313 = tpu.memref_slice %arg17[%dma_start3A_302] : memref<2x!tpu.dma_semaphore, #tpu.memory_space<semaphore_mem>> -> memref<1x!tpu.dma_semaphore, #tpu.memory_space<semaphore_mem>>
            %dma_start3A_314 = tpu.memref_squeeze %dma_start3A_313 : memref<1x!tpu.dma_semaphore, #tpu.memory_space<semaphore_mem>> -> memref<!tpu.dma_semaphore, #tpu.memory_space<semaphore_mem>>
            tpu.enqueue_indirect_dma source(%dma_start3A_306 : memref<32x128xf32, #tpu.memory_space<vmem>>) target(%dma_start3A_312 : memref<16416x128xf32, #tpu.memory_space<hbm>>) offsets(%dma_start3A_309 : memref<32xi32, #tpu.memory_space<vmem>>) semaphore(%dma_start3A_314 : memref<!tpu.dma_semaphore, #tpu.memory_space<semaphore_mem>>)
          } else {
          }
          %ge3A = arith.constant 16 : i32
          %ge3A_249 = arith.cmpi sge, %while3A_243, %ge3A : i32
          scf.yield %ge3A_249 : i1
        }
        %add3A_225 = arith.constant 2 : i32
        %add3A_226 = arith.addi %add3A_194, %add3A_225 : i32
        %lt3A_227 = arith.cmpi slt, %add3A_226, %min3A : i32
        %convert_element_type3A_228 = arith.extui %lt3A_227 : i1 to i32
        %cond3A_229 = arith.constant 0 : i32
        %cond3A_230 = arith.cmpi ne, %convert_element_type3A_228, %cond3A_229 : i32
        scf.if %cond3A_230 {
          %add3A_231 = arith.constant 2 : i32
          %add3A_232 = arith.addi %add3A_194, %add3A_231 : i32
          %mul3A_233 = arith.constant 32768 : i32
          %mul3A_234 = arith.muli %add3A, %mul3A_233 : i32
          %mul3A_235 = arith.constant 512 : i32
          %mul3A_236 = arith.muli %add3A_232, %mul3A_235 : i32
          %add3A_237 = arith.addi %mul3A_234, %mul3A_236 : i32
          %multiple_of3A = tpu.assume_multiple %add3A_237, 128 : i32
          %dma_start3A_238 = arith.constant 1 : i32
          %dma_start3A_239 = arith.constant 1 : i32
          %dma_start3A_240 = arith.constant 0 : i32
          %dma_start3A_241 = arith.constant 0 : i32
          %dma_start3A_242 = tpu.memref_slice %arg9[%dma_start3A_238, %dma_start3A_240, %dma_start3A_241] : memref<2x64x512xf32, #tpu.memory_space<vmem>> -> memref<1x64x512xf32, #tpu.memory_space<vmem>>
          %dma_start3A_243 = tpu.memref_squeeze %dma_start3A_242 : memref<1x64x512xf32, #tpu.memory_space<vmem>> -> memref<64x512xf32, #tpu.memory_space<vmem>>
          %dma_start3A_244 = arith.constant 0 : i32
          %dma_start3A_245 = tpu.memref_slice %arg2[%dma_start3A_244, %multiple_of3A] : memref<64x1000001xf32, #tpu.memory_space<hbm>> -> memref<64x512xf32, #tpu.memory_space<hbm>>
          %dma_start3A_246 = tpu.memref_slice %arg16[%dma_start3A_239] : memref<2x!tpu.dma_semaphore, #tpu.memory_space<semaphore_mem>> -> memref<1x!tpu.dma_semaphore, #tpu.memory_space<semaphore_mem>>
          %dma_start3A_247 = tpu.memref_squeeze %dma_start3A_246 : memref<1x!tpu.dma_semaphore, #tpu.memory_space<semaphore_mem>> -> memref<!tpu.dma_semaphore, #tpu.memory_space<semaphore_mem>>
          %dma_start3A_248 = arith.constant 0 : i32
          %dma_start3A_249 = arith.constant 0 : i32
          %dma_start3A_250 = tpu.memref_slice %arg9[%dma_start3A_238, %dma_start3A_248, %dma_start3A_249] : memref<2x64x512xf32, #tpu.memory_space<vmem>> -> memref<1x64x512xf32, #tpu.memory_space<vmem>>
          %dma_start3A_251 = tpu.memref_squeeze %dma_start3A_250 : memref<1x64x512xf32, #tpu.memory_space<vmem>> -> memref<64x512xf32, #tpu.memory_space<vmem>>
          %dma_start3A_252 = arith.constant 0 : i32
          %dma_start3A_253 = tpu.memref_slice %arg2[%dma_start3A_252, %multiple_of3A] : memref<64x1000001xf32, #tpu.memory_space<hbm>> -> memref<64x512xf32, #tpu.memory_space<hbm>>
          tpu.enqueue_dma source(%dma_start3A_253 : memref<64x512xf32, #tpu.memory_space<hbm>>) target(%dma_start3A_251 : memref<64x512xf32, #tpu.memory_space<vmem>>) target_semaphore(%dma_start3A_247 : memref<!tpu.dma_semaphore, #tpu.memory_space<semaphore_mem>>)
        } else {
        }
      } else {
      }
    }
    %while3A_149 = arith.constant 1 : i32
    scf.for %while3A_183 = %while3A_147 to %while3A_143 step %while3A_149  : i32 {
      %mul3A_184 = arith.constant 2 : i32
      %mul3A_185 = arith.muli %while3A_183, %mul3A_184 : i32
      %add3A_186 = arith.constant 0 : i32
      %add3A_187 = arith.addi %mul3A_185, %add3A_186 : i32
      %lt3A = arith.cmpi slt, %add3A_187, %min3A : i32
      %convert_element_type3A_188 = arith.extui %lt3A : i1 to i32
      %cond3A_189 = arith.constant 0 : i32
      %cond3A_190 = arith.cmpi ne, %convert_element_type3A_188, %cond3A_189 : i32
      scf.if %cond3A_190 {
        %dma_wait3A_199 = arith.constant 0 : i32
        %dma_wait3A_200 = arith.constant 0 : i32
        %dma_wait3A_201 = arith.constant 0 : i32
        %dma_wait3A_202 = arith.constant 0 : i32
        %dma_wait3A_203 = tpu.memref_slice %arg9[%dma_wait3A_199, %dma_wait3A_201, %dma_wait3A_202] : memref<2x64x512xf32, #tpu.memory_space<vmem>> -> memref<1x64x512xf32, #tpu.memory_space<vmem>>
        %dma_wait3A_204 = tpu.memref_squeeze %dma_wait3A_203 : memref<1x64x512xf32, #tpu.memory_space<vmem>> -> memref<64x512xf32, #tpu.memory_space<vmem>>
        %dma_wait3A_205 = arith.constant 0 : i32
        %dma_wait3A_206 = arith.constant 0 : i32
        %dma_wait3A_207 = tpu.memref_slice %arg2[%dma_wait3A_205, %dma_wait3A_206] : memref<64x1000001xf32, #tpu.memory_space<hbm>> -> memref<64x512xf32, #tpu.memory_space<hbm>>
        %dma_wait3A_208 = tpu.memref_slice %arg16[%dma_wait3A_200] : memref<2x!tpu.dma_semaphore, #tpu.memory_space<semaphore_mem>> -> memref<1x!tpu.dma_semaphore, #tpu.memory_space<semaphore_mem>>
        %dma_wait3A_209 = tpu.memref_squeeze %dma_wait3A_208 : memref<1x!tpu.dma_semaphore, #tpu.memory_space<semaphore_mem>> -> memref<!tpu.dma_semaphore, #tpu.memory_space<semaphore_mem>>
        %dma_wait3A_210 = arith.constant 0 : i32
        %dma_wait3A_211 = arith.constant 0 : i32
        %dma_wait3A_212 = tpu.memref_slice %arg9[%dma_wait3A_199, %dma_wait3A_210, %dma_wait3A_211] : memref<2x64x512xf32, #tpu.memory_space<vmem>> -> memref<1x64x512xf32, #tpu.memory_space<vmem>>
        %dma_wait3A_213 = tpu.memref_squeeze %dma_wait3A_212 : memref<1x64x512xf32, #tpu.memory_space<vmem>> -> memref<64x512xf32, #tpu.memory_space<vmem>>
        %dma_wait3A_214 = arith.constant 0 : i32
        %dma_wait3A_215 = arith.constant 0 : i32
        %dma_wait3A_216 = tpu.memref_slice %arg2[%dma_wait3A_214, %dma_wait3A_215] : memref<64x1000001xf32, #tpu.memory_space<hbm>> -> memref<64x512xf32, #tpu.memory_space<hbm>>
        tpu.wait_dma2 semaphore(%dma_wait3A_209 : memref<!tpu.dma_semaphore, #tpu.memory_space<semaphore_mem>>) src(%dma_wait3A_216 : memref<64x512xf32, #tpu.memory_space<hbm>>) dst(%dma_wait3A_213 : memref<64x512xf32, #tpu.memory_space<vmem>>)
        %mul3A_217 = arith.constant 32768 : i32
        %mul3A_218 = arith.muli %add3A, %mul3A_217 : i32
        %mul3A_219 = arith.constant 512 : i32
        %mul3A_220 = arith.muli %add3A_187, %mul3A_219 : i32
        %add3A_221 = arith.addi %mul3A_218, %mul3A_220 : i32
        %while3A_222 = arith.constant 0 : i32
        %while3A_223 = arith.constant true
        %while3A_224 = scf.while (%while3A_231 = %while3A_223) : (i1) -> i1 {
          scf.condition(%while3A_231) %while3A_231 : i1
        } do {
        ^bb0(%while3A_231: i1):
          %while3A_232 = arith.constant 0 : i32
          %while3A_233 = arith.constant 0 : i32
          %while3A_234 = arith.subi %select_n3A, %while3A_232 : i32
          %while3A_235 = arith.addi %while3A_232, %while3A_234 : i32
          %while3A_236 = arith.constant 1 : i32
          %while3A_237 = arith.divsi %while3A_234, %while3A_236 : i32
          %while3A_238 = arith.muli %while3A_237, %while3A_236 : i32
          %while3A_239 = arith.addi %while3A_232, %while3A_238 : i32
          %while3A_240 = arith.constant 1 : i32
          %while3A_241 = scf.for %while3A_250 = %while3A_232 to %while3A_239 step %while3A_240 iter_args(%while3A_251 = %while3A_233) -> (i32)  : i32 {
            %mul3A_252 = arith.constant 16 : i32
            %mul3A_253 = arith.muli %while3A_250, %mul3A_252 : i32
            %get3A = arith.index_cast %mul3A_253 : i32 to index
            %get3A_254 = tpu.vector_load %arg7[%get3A] {strides = array<i32>} : memref<16400xi32, #tpu.memory_space<vmem>>, vector<16xi32>,
            %ge3A_255 = vector.broadcast %add3A_221 : i32 to vector<16xi32>
            %ge3A_256 = arith.cmpi sge, %get3A_254, %ge3A_255 : vector<16xi32>
            %add3A_257 = arith.constant 512 : i32
            %add3A_258 = arith.addi %add3A_221, %add3A_257 : i32
            %lt3A_259 = vector.broadcast %add3A_258 : i32 to vector<16xi32>
            %lt3A_260 = arith.cmpi slt, %get3A_254, %lt3A_259 : vector<16xi32>
            %and3A_261 = arith.andi %ge3A_256, %lt3A_260 : vector<16xi1>
            %convert_element_type3A_262 = arith.extui %and3A_261 : vector<16xi1> to vector<16xi32>
            %reduce_sum3A = arith.constant true
            %reduce_sum3A_263 = vector.broadcast %reduce_sum3A : i1 to vector<16xi1>
            %reduce_sum3A_264 = tpu.scan <sum>, %convert_element_type3A_262 masked %reduce_sum3A_263 : vector<16xi32>, vector<16xi1> -> vector<16xi32>
            %reduce_sum3A_265 = vector.extract %reduce_sum3A_264[15] : i32 from vector<16xi32>
            %gt3A_266 = arith.constant 0 : i32
            %gt3A_267 = arith.cmpi sgt, %reduce_sum3A_265, %gt3A_266 : i32
            %lt3A_268 = arith.constant 16 : i32
            %lt3A_269 = arith.cmpi slt, %while3A_251, %lt3A_268 : i32
            %and3A_270 = arith.andi %gt3A_267, %lt3A_269 : i1
            %convert_element_type3A_271 = arith.extui %and3A_270 : i1 to i32
            %cond3A_272 = arith.constant 0 : i32
            %cond3A_273 = arith.cmpi ne, %convert_element_type3A_271, %cond3A_272 : i32
            scf.if %cond3A_273 {
              %mul3A_277 = arith.constant 16 : i32
              %mul3A_278 = arith.muli %while3A_250, %mul3A_277 : i32
              %get3A_279 = arith.index_cast %mul3A_278 : i32 to index
              %get3A_280 = tpu.vector_load %arg8[%get3A_279] {strides = array<i32>} : memref<16384xi32, #tpu.memory_space<vmem>>, vector<16xi32>,
              %sub3A_281 = vector.broadcast %add3A_221 : i32 to vector<16xi32>
              %sub3A_282 = arith.subi %get3A_254, %sub3A_281 : vector<16xi32>
              %swap3A_283 = arith.constant 0 : index
              %swap3A_284 = tpu.vector_load %arg14[%swap3A_283] masked %and3A_261 {strides = array<i32>} : memref<16xi32, #tpu.memory_space<vmem>>, vector<16xi32>, vector<16xi1>
              tpu.vector_store %arg14[%swap3A_283], %sub3A_282 masked %and3A_261 {strides = array<i32>} : memref<16xi32, #tpu.memory_space<vmem>>, vector<16xi32>, vector<16xi1>
              %swap3A_285 = arith.constant 0 : index
              %swap3A_286 = tpu.vector_load %arg15[%swap3A_285] masked %and3A_261 {strides = array<i32>} : memref<16xi32, #tpu.memory_space<vmem>>, vector<16xi32>, vector<16xi1>
              tpu.vector_store %arg15[%swap3A_285], %get3A_280 masked %and3A_261 {strides = array<i32>} : memref<16xi32, #tpu.memory_space<vmem>>, vector<16xi32>, vector<16xi1>
              %get3A_287 = arith.constant 0 : index
              %get3A_288 = tpu.vector_load %arg14[%get3A_287] {strides = array<i32>} : memref<16xi32, #tpu.memory_space<vmem>>, vector<16xi32>,
              %swap3A_289 = arith.index_cast %while3A_251 : i32 to index
              %swap3A_290 = tpu.vector_load %arg10[%swap3A_289] {strides = array<i32>} : memref<32xi32, #tpu.memory_space<vmem>>, vector<16xi32>,
              tpu.vector_store %arg10[%swap3A_289], %get3A_288 {strides = array<i32>} : memref<32xi32, #tpu.memory_space<vmem>>, vector<16xi32>,
              %get3A_291 = arith.constant 0 : index
              %get3A_292 = tpu.vector_load %arg15[%get3A_291] {strides = array<i32>} : memref<16xi32, #tpu.memory_space<vmem>>, vector<16xi32>,
              %swap3A_293 = arith.index_cast %while3A_251 : i32 to index
              %swap3A_294 = tpu.vector_load %arg11[%swap3A_293] {strides = array<i32>} : memref<32xi32, #tpu.memory_space<vmem>>, vector<16xi32>,
              tpu.vector_store %arg11[%swap3A_293], %get3A_292 {strides = array<i32>} : memref<32xi32, #tpu.memory_space<vmem>>, vector<16xi32>,
              %jit3A_295 = arith.constant 2147483632 : i32
              %broadcast_in_dim3A_296 = vector.broadcast %jit3A_295 : i32 to vector<16xi32>
              %select_n3A_297 = arith.select %and3A_261, %broadcast_in_dim3A_296, %get3A_254 : vector<16xi1>, vector<16xi32>
              %mul3A_298 = arith.constant 16 : i32
              %mul3A_299 = arith.muli %while3A_250, %mul3A_298 : i32
              %swap3A_300 = arith.index_cast %mul3A_299 : i32 to index
              %swap3A_301 = tpu.vector_load %arg7[%swap3A_300] {strides = array<i32>} : memref<16400xi32, #tpu.memory_space<vmem>>, vector<16xi32>,
              tpu.vector_store %arg7[%swap3A_300], %select_n3A_297 {strides = array<i32>} : memref<16400xi32, #tpu.memory_space<vmem>>, vector<16xi32>,
            } else {
            }
            %jit3A_274 = arith.constant 0 : i32
            %select_n3A_275 = arith.select %and3A_270, %reduce_sum3A_265, %jit3A_274 : i32
            %add3A_276 = arith.addi %while3A_251, %select_n3A_275 : i32
            scf.yield %add3A_276 : i32
          }
          %while3A_242 = arith.constant 1 : i32
          %while3A_243 = scf.for %while3A_250 = %while3A_239 to %while3A_235 step %while3A_242 iter_args(%while3A_251 = %while3A_241) -> (i32)  : i32 {
            %mul3A_252 = arith.constant 16 : i32
            %mul3A_253 = arith.muli %while3A_250, %mul3A_252 : i32
            %get3A = arith.index_cast %mul3A_253 : i32 to index
            %get3A_254 = tpu.vector_load %arg7[%get3A] {strides = array<i32>} : memref<16400xi32, #tpu.memory_space<vmem>>, vector<16xi32>,
            %ge3A_255 = vector.broadcast %add3A_221 : i32 to vector<16xi32>
            %ge3A_256 = arith.cmpi sge, %get3A_254, %ge3A_255 : vector<16xi32>
            %add3A_257 = arith.constant 512 : i32
            %add3A_258 = arith.addi %add3A_221, %add3A_257 : i32
            %lt3A_259 = vector.broadcast %add3A_258 : i32 to vector<16xi32>
            %lt3A_260 = arith.cmpi slt, %get3A_254, %lt3A_259 : vector<16xi32>
            %and3A_261 = arith.andi %ge3A_256, %lt3A_260 : vector<16xi1>
            %convert_element_type3A_262 = arith.extui %and3A_261 : vector<16xi1> to vector<16xi32>
            %reduce_sum3A = arith.constant true
            %reduce_sum3A_263 = vector.broadcast %reduce_sum3A : i1 to vector<16xi1>
            %reduce_sum3A_264 = tpu.scan <sum>, %convert_element_type3A_262 masked %reduce_sum3A_263 : vector<16xi32>, vector<16xi1> -> vector<16xi32>
            %reduce_sum3A_265 = vector.extract %reduce_sum3A_264[15] : i32 from vector<16xi32>
            %gt3A_266 = arith.constant 0 : i32
            %gt3A_267 = arith.cmpi sgt, %reduce_sum3A_265, %gt3A_266 : i32
            %lt3A_268 = arith.constant 16 : i32
            %lt3A_269 = arith.cmpi slt, %while3A_251, %lt3A_268 : i32
            %and3A_270 = arith.andi %gt3A_267, %lt3A_269 : i1
            %convert_element_type3A_271 = arith.extui %and3A_270 : i1 to i32
            %cond3A_272 = arith.constant 0 : i32
            %cond3A_273 = arith.cmpi ne, %convert_element_type3A_271, %cond3A_272 : i32
            scf.if %cond3A_273 {
              %mul3A_277 = arith.constant 16 : i32
              %mul3A_278 = arith.muli %while3A_250, %mul3A_277 : i32
              %get3A_279 = arith.index_cast %mul3A_278 : i32 to index
              %get3A_280 = tpu.vector_load %arg8[%get3A_279] {strides = array<i32>} : memref<16384xi32, #tpu.memory_space<vmem>>, vector<16xi32>,
              %sub3A_281 = vector.broadcast %add3A_221 : i32 to vector<16xi32>
              %sub3A_282 = arith.subi %get3A_254, %sub3A_281 : vector<16xi32>
              %swap3A_283 = arith.constant 0 : index
              %swap3A_284 = tpu.vector_load %arg14[%swap3A_283] masked %and3A_261 {strides = array<i32>} : memref<16xi32, #tpu.memory_space<vmem>>, vector<16xi32>, vector<16xi1>
              tpu.vector_store %arg14[%swap3A_283], %sub3A_282 masked %and3A_261 {strides = array<i32>} : memref<16xi32, #tpu.memory_space<vmem>>, vector<16xi32>, vector<16xi1>
              %swap3A_285 = arith.constant 0 : index
              %swap3A_286 = tpu.vector_load %arg15[%swap3A_285] masked %and3A_261 {strides = array<i32>} : memref<16xi32, #tpu.memory_space<vmem>>, vector<16xi32>, vector<16xi1>
              tpu.vector_store %arg15[%swap3A_285], %get3A_280 masked %and3A_261 {strides = array<i32>} : memref<16xi32, #tpu.memory_space<vmem>>, vector<16xi32>, vector<16xi1>
              %get3A_287 = arith.constant 0 : index
              %get3A_288 = tpu.vector_load %arg14[%get3A_287] {strides = array<i32>} : memref<16xi32, #tpu.memory_space<vmem>>, vector<16xi32>,
              %swap3A_289 = arith.index_cast %while3A_251 : i32 to index
              %swap3A_290 = tpu.vector_load %arg10[%swap3A_289] {strides = array<i32>} : memref<32xi32, #tpu.memory_space<vmem>>, vector<16xi32>,
              tpu.vector_store %arg10[%swap3A_289], %get3A_288 {strides = array<i32>} : memref<32xi32, #tpu.memory_space<vmem>>, vector<16xi32>,
              %get3A_291 = arith.constant 0 : index
              %get3A_292 = tpu.vector_load %arg15[%get3A_291] {strides = array<i32>} : memref<16xi32, #tpu.memory_space<vmem>>, vector<16xi32>,
              %swap3A_293 = arith.index_cast %while3A_251 : i32 to index
              %swap3A_294 = tpu.vector_load %arg11[%swap3A_293] {strides = array<i32>} : memref<32xi32, #tpu.memory_space<vmem>>, vector<16xi32>,
              tpu.vector_store %arg11[%swap3A_293], %get3A_292 {strides = array<i32>} : memref<32xi32, #tpu.memory_space<vmem>>, vector<16xi32>,
              %jit3A_295 = arith.constant 2147483632 : i32
              %broadcast_in_dim3A_296 = vector.broadcast %jit3A_295 : i32 to vector<16xi32>
              %select_n3A_297 = arith.select %and3A_261, %broadcast_in_dim3A_296, %get3A_254 : vector<16xi1>, vector<16xi32>
              %mul3A_298 = arith.constant 16 : i32
              %mul3A_299 = arith.muli %while3A_250, %mul3A_298 : i32
              %swap3A_300 = arith.index_cast %mul3A_299 : i32 to index
              %swap3A_301 = tpu.vector_load %arg7[%swap3A_300] {strides = array<i32>} : memref<16400xi32, #tpu.memory_space<vmem>>, vector<16xi32>,
              tpu.vector_store %arg7[%swap3A_300], %select_n3A_297 {strides = array<i32>} : memref<16400xi32, #tpu.memory_space<vmem>>, vector<16xi32>,
            } else {
            }
            %jit3A_274 = arith.constant 0 : i32
            %select_n3A_275 = arith.select %and3A_270, %reduce_sum3A_265, %jit3A_274 : i32
            %add3A_276 = arith.addi %while3A_251, %select_n3A_275 : i32
            scf.yield %add3A_276 : i32
          }
          %gt3A_244 = arith.constant 0 : i32
          %gt3A_245 = arith.cmpi sgt, %while3A_243, %gt3A_244 : i32
          %convert_element_type3A_246 = arith.extui %gt3A_245 : i1 to i32
          %cond3A_247 = arith.constant 0 : i32
          %cond3A_248 = arith.cmpi ne, %convert_element_type3A_246, %cond3A_247 : i32
          scf.if %cond3A_248 {
            %dma_wait3A_250 = arith.constant 0 : i32
            %dma_wait3A_251 = arith.constant 0 : i32
            %dma_wait3A_252 = arith.constant 0 : i32
            %dma_wait3A_253 = arith.constant 0 : i32
            %dma_wait3A_254 = arith.constant 0 : i32
            %dma_wait3A_255 = tpu.memref_slice %arg12[%dma_wait3A_250, %dma_wait3A_253, %dma_wait3A_254] : memref<2x32x128xf32, #tpu.memory_space<vmem>> -> memref<1x32x128xf32, #tpu.memory_space<vmem>>
            %dma_wait3A_256 = tpu.memref_squeeze %dma_wait3A_255 : memref<1x32x128xf32, #tpu.memory_space<vmem>> -> memref<32x128xf32, #tpu.memory_space<vmem>>
            %dma_wait3A_257 = arith.constant 0 : i32
            %dma_wait3A_258 = tpu.memref_slice %arg13[%dma_wait3A_251, %dma_wait3A_257] : memref<2x32xi32, #tpu.memory_space<vmem>> -> memref<1x32xi32, #tpu.memory_space<vmem>>
            %dma_wait3A_259 = tpu.memref_squeeze %dma_wait3A_258 : memref<1x32xi32, #tpu.memory_space<vmem>> -> memref<32xi32, #tpu.memory_space<vmem>>
            %dma_wait3A_260 = arith.constant 0 : i32
            %dma_wait3A_261 = arith.constant 0 : i32
            %dma_wait3A_262 = tpu.memref_slice %arg5[%dma_wait3A_260, %dma_wait3A_261] : memref<16416x128xf32, #tpu.memory_space<hbm>> -> memref<16416x128xf32, #tpu.memory_space<hbm>>
            %dma_wait3A_263 = tpu.memref_slice %arg17[%dma_wait3A_252] : memref<2x!tpu.dma_semaphore, #tpu.memory_space<semaphore_mem>> -> memref<1x!tpu.dma_semaphore, #tpu.memory_space<semaphore_mem>>
            %dma_wait3A_264 = tpu.memref_squeeze %dma_wait3A_263 : memref<1x!tpu.dma_semaphore, #tpu.memory_space<semaphore_mem>> -> memref<!tpu.dma_semaphore, #tpu.memory_space<semaphore_mem>>
            tpu.wait_indirect_dma semaphore(%dma_wait3A_264 : memref<!tpu.dma_semaphore, #tpu.memory_space<semaphore_mem>>) src(%dma_wait3A_256 : memref<32x128xf32, #tpu.memory_space<vmem>>) dst(%dma_wait3A_262 : memref<16416x128xf32, #tpu.memory_space<hbm>>)
            %while3A_265 = arith.constant 0 : i32
            %while3A_266 = arith.constant 0 : i32
            %while3A_267 = arith.subi %while3A_243, %while3A_266 : i32
            %while3A_268 = arith.addi %while3A_266, %while3A_267 : i32
            %while3A_269 = arith.constant 1 : i32
            %while3A_270 = arith.divsi %while3A_267, %while3A_269 : i32
            %while3A_271 = arith.muli %while3A_270, %while3A_269 : i32
            %while3A_272 = arith.addi %while3A_266, %while3A_271 : i32
            %while3A_273 = arith.constant 1 : i32
            scf.for %while3A_315 = %while3A_266 to %while3A_272 step %while3A_273  : i32 {
              %jit3A_316 = arith.constant 16 : i32
              %div3A_317 = arith.divsi %while3A_315, %jit3A_316 : i32
              %sign3A_318 = arith.constant 0 : i32
              %sign3A_319 = arith.cmpi sgt, %while3A_315, %sign3A_318 : i32
              %sign3A_320 = arith.extui %sign3A_319 : i1 to i32
              %sign3A_321 = arith.constant 0 : i32
              %sign3A_322 = arith.cmpi slt, %while3A_315, %sign3A_321 : i32
              %sign3A_323 = arith.extui %sign3A_322 : i1 to i32
              %sign3A_324 = arith.subi %sign3A_320, %sign3A_323 : i32
              %sign3A_325 = arith.constant 0 : i32
              %sign3A_326 = arith.cmpi sgt, %jit3A_316, %sign3A_325 : i32
              %sign3A_327 = arith.extui %sign3A_326 : i1 to i32
              %sign3A_328 = arith.constant 0 : i32
              %sign3A_329 = arith.cmpi slt, %jit3A_316, %sign3A_328 : i32
              %sign3A_330 = arith.extui %sign3A_329 : i1 to i32
              %sign3A_331 = arith.subi %sign3A_327, %sign3A_330 : i32
              %ne3A_332 = arith.cmpi ne, %sign3A_324, %sign3A_331 : i32
              %rem3A_333 = arith.remsi %while3A_315, %jit3A_316 : i32
              %ne3A_334 = arith.constant 0 : i32
              %ne3A_335 = arith.cmpi ne, %rem3A_333, %ne3A_334 : i32
              %and3A_336 = arith.andi %ne3A_332, %ne3A_335 : i1
              %sub3A_337 = arith.constant 1 : i32
              %sub3A_338 = arith.subi %div3A_317, %sub3A_337 : i32
              %select_n3A_339 = arith.select %and3A_336, %sub3A_338, %div3A_317 : i32
              %mul3A_340 = arith.constant 16 : i32
              %mul3A_341 = arith.muli %select_n3A_339, %mul3A_340 : i32
              %get3A_342 = arith.index_cast %mul3A_341 : i32 to index
              %get3A_343 = tpu.vector_load %arg10[%get3A_342] {strides = array<i32>} : memref<32xi32, #tpu.memory_space<vmem>>, vector<16xi32>,
              %jit3A_344 = arith.constant 16 : i32
              %eq3A_345 = arith.constant 0 : i32
              %eq3A_346 = arith.cmpi eq, %jit3A_344, %eq3A_345 : i32
              %jit3A_347 = arith.constant 1 : i32
              %select_n3A_348 = arith.select %eq3A_346, %jit3A_347, %jit3A_344 : i32
              %rem3A_349 = arith.remsi %while3A_315, %select_n3A_348 : i32
              %ne3A_350 = arith.constant 0 : i32
              %ne3A_351 = arith.cmpi ne, %rem3A_349, %ne3A_350 : i32
              %lt3A_352 = arith.constant 0 : i32
              %lt3A_353 = arith.cmpi slt, %rem3A_349, %lt3A_352 : i32
              %lt3A_354 = arith.constant 0 : i32
              %lt3A_355 = arith.cmpi slt, %select_n3A_348, %lt3A_354 : i32
              %ne3A_356 = arith.xori %lt3A_353, %lt3A_355 : i1
              %and3A_357 = arith.andi %ne3A_356, %ne3A_351 : i1
              %add3A_358 = arith.addi %rem3A_349, %select_n3A_348 : i32
              %select_n3A_359 = arith.select %and3A_357, %add3A_358, %rem3A_349 : i32
              %eq3A_360 = vector.broadcast %select_n3A_359 : i32 to vector<16xi32>
              %eq3A_361 = arith.cmpi eq, %iota3A, %eq3A_360 : vector<16xi32>
              %jit3A_362 = arith.constant 0 : i32
              %broadcast_in_dim3A_363 = vector.broadcast %jit3A_362 : i32 to vector<16xi32>
              %select_n3A_364 = arith.select %eq3A_361, %get3A_343, %broadcast_in_dim3A_363 : vector<16xi1>, vector<16xi32>
              %reduce_sum3A = arith.constant true
              %reduce_sum3A_365 = vector.broadcast %reduce_sum3A : i1 to vector<16xi1>
              %reduce_sum3A_366 = tpu.scan <sum>, %select_n3A_364 masked %reduce_sum3A_365 : vector<16xi32>, vector<16xi1> -> vector<16xi32>
              %reduce_sum3A_367 = vector.extract %reduce_sum3A_366[15] : i32 from vector<16xi32>
              %broadcast_in_dim3A_368 = vector.broadcast %reduce_sum3A_367 : i32 to vector<16xi32>
              %add3A_369 = arith.constant 0 : i32
              %add3A_370 = vector.broadcast %add3A_369 : i32 to vector<16xi32>
              %add3A_371 = arith.addi %iota3A, %add3A_370 : vector<16xi32>
              %gather3A = arith.constant 0 : i32
              %gather3A_372 = arith.constant 0 : i32
              %gather3A_373 = tpu.memref_slice %arg9[%while3A_222, %gather3A, %gather3A_372] : memref<2x64x512xf32, #tpu.memory_space<vmem>> -> memref<1x64x512xf32, #tpu.memory_space<vmem>>
              %gather3A_374 = tpu.memref_squeeze %gather3A_373 : memref<1x64x512xf32, #tpu.memory_space<vmem>> -> memref<64x512xf32, #tpu.memory_space<vmem>>
              %gather3A_375 = tpu.vector_load_idx %gather3A_374[%add3A_371, %broadcast_in_dim3A_368] : memref<64x512xf32, #tpu.memory_space<vmem>>[vector<16xi32>, vector<16xi32>], vector<16xf32>,
              %swap3A_376 = arith.constant 0 : i32
              %swap3A_377 = arith.index_cast %swap3A_376 : i32 to index
              %swap3A_378 = arith.index_cast %while3A_315 : i32 to index
              %swap3A_379 = arith.constant 0 : index
              %swap3A_380 = tpu.vector_load %arg12[%swap3A_377, %swap3A_378, %swap3A_379] {strides = array<i32>} : memref<2x32x128xf32, #tpu.memory_space<vmem>>, vector<16xf32>,
              tpu.vector_store %arg12[%swap3A_377, %swap3A_378, %swap3A_379], %gather3A_375 {strides = array<i32>} : memref<2x32x128xf32, #tpu.memory_space<vmem>>, vector<16xf32>,
              %add3A_381 = arith.constant 16 : i32
              %add3A_382 = vector.broadcast %add3A_381 : i32 to vector<16xi32>
              %add3A_383 = arith.addi %iota3A, %add3A_382 : vector<16xi32>
              %gather3A_384 = arith.constant 0 : i32
              %gather3A_385 = arith.constant 0 : i32
              %gather3A_386 = tpu.memref_slice %arg9[%while3A_222, %gather3A_384, %gather3A_385] : memref<2x64x512xf32, #tpu.memory_space<vmem>> -> memref<1x64x512xf32, #tpu.memory_space<vmem>>
              %gather3A_387 = tpu.memref_squeeze %gather3A_386 : memref<1x64x512xf32, #tpu.memory_space<vmem>> -> memref<64x512xf32, #tpu.memory_space<vmem>>
              %gather3A_388 = tpu.vector_load_idx %gather3A_387[%add3A_383, %broadcast_in_dim3A_368] : memref<64x512xf32, #tpu.memory_space<vmem>>[vector<16xi32>, vector<16xi32>], vector<16xf32>,
              %swap3A_389 = arith.constant 0 : i32
              %swap3A_390 = arith.index_cast %swap3A_389 : i32 to index
              %swap3A_391 = arith.index_cast %while3A_315 : i32 to index
              %swap3A_392 = arith.constant 16 : index
              %swap3A_393 = tpu.vector_load %arg12[%swap3A_390, %swap3A_391, %swap3A_392] {strides = array<i32>} : memref<2x32x128xf32, #tpu.memory_space<vmem>>, vector<16xf32>,
              tpu.vector_store %arg12[%swap3A_390, %swap3A_391, %swap3A_392], %gather3A_388 {strides = array<i32>} : memref<2x32x128xf32, #tpu.memory_space<vmem>>, vector<16xf32>,
              %add3A_394 = arith.constant 32 : i32
              %add3A_395 = vector.broadcast %add3A_394 : i32 to vector<16xi32>
              %add3A_396 = arith.addi %iota3A, %add3A_395 : vector<16xi32>
              %gather3A_397 = arith.constant 0 : i32
              %gather3A_398 = arith.constant 0 : i32
              %gather3A_399 = tpu.memref_slice %arg9[%while3A_222, %gather3A_397, %gather3A_398] : memref<2x64x512xf32, #tpu.memory_space<vmem>> -> memref<1x64x512xf32, #tpu.memory_space<vmem>>
              %gather3A_400 = tpu.memref_squeeze %gather3A_399 : memref<1x64x512xf32, #tpu.memory_space<vmem>> -> memref<64x512xf32, #tpu.memory_space<vmem>>
              %gather3A_401 = tpu.vector_load_idx %gather3A_400[%add3A_396, %broadcast_in_dim3A_368] : memref<64x512xf32, #tpu.memory_space<vmem>>[vector<16xi32>, vector<16xi32>], vector<16xf32>,
              %swap3A_402 = arith.constant 0 : i32
              %swap3A_403 = arith.index_cast %swap3A_402 : i32 to index
              %swap3A_404 = arith.index_cast %while3A_315 : i32 to index
              %swap3A_405 = arith.constant 32 : index
              %swap3A_406 = tpu.vector_load %arg12[%swap3A_403, %swap3A_404, %swap3A_405] {strides = array<i32>} : memref<2x32x128xf32, #tpu.memory_space<vmem>>, vector<16xf32>,
              tpu.vector_store %arg12[%swap3A_403, %swap3A_404, %swap3A_405], %gather3A_401 {strides = array<i32>} : memref<2x32x128xf32, #tpu.memory_space<vmem>>, vector<16xf32>,
              %add3A_407 = arith.constant 48 : i32
              %add3A_408 = vector.broadcast %add3A_407 : i32 to vector<16xi32>
              %add3A_409 = arith.addi %iota3A, %add3A_408 : vector<16xi32>
              %gather3A_410 = arith.constant 0 : i32
              %gather3A_411 = arith.constant 0 : i32
              %gather3A_412 = tpu.memref_slice %arg9[%while3A_222, %gather3A_410, %gather3A_411] : memref<2x64x512xf32, #tpu.memory_space<vmem>> -> memref<1x64x512xf32, #tpu.memory_space<vmem>>
              %gather3A_413 = tpu.memref_squeeze %gather3A_412 : memref<1x64x512xf32, #tpu.memory_space<vmem>> -> memref<64x512xf32, #tpu.memory_space<vmem>>
              %gather3A_414 = tpu.vector_load_idx %gather3A_413[%add3A_409, %broadcast_in_dim3A_368] : memref<64x512xf32, #tpu.memory_space<vmem>>[vector<16xi32>, vector<16xi32>], vector<16xf32>,
              %swap3A_415 = arith.constant 0 : i32
              %swap3A_416 = arith.index_cast %swap3A_415 : i32 to index
              %swap3A_417 = arith.index_cast %while3A_315 : i32 to index
              %swap3A_418 = arith.constant 48 : index
              %swap3A_419 = tpu.vector_load %arg12[%swap3A_416, %swap3A_417, %swap3A_418] {strides = array<i32>} : memref<2x32x128xf32, #tpu.memory_space<vmem>>, vector<16xf32>,
              tpu.vector_store %arg12[%swap3A_416, %swap3A_417, %swap3A_418], %gather3A_414 {strides = array<i32>} : memref<2x32x128xf32, #tpu.memory_space<vmem>>, vector<16xf32>,
            }
            %while3A_274 = arith.constant 1 : i32
            scf.for %while3A_315 = %while3A_272 to %while3A_268 step %while3A_274  : i32 {
              %jit3A_316 = arith.constant 16 : i32
              %div3A_317 = arith.divsi %while3A_315, %jit3A_316 : i32
              %sign3A_318 = arith.constant 0 : i32
              %sign3A_319 = arith.cmpi sgt, %while3A_315, %sign3A_318 : i32
              %sign3A_320 = arith.extui %sign3A_319 : i1 to i32
              %sign3A_321 = arith.constant 0 : i32
              %sign3A_322 = arith.cmpi slt, %while3A_315, %sign3A_321 : i32
              %sign3A_323 = arith.extui %sign3A_322 : i1 to i32
              %sign3A_324 = arith.subi %sign3A_320, %sign3A_323 : i32
              %sign3A_325 = arith.constant 0 : i32
              %sign3A_326 = arith.cmpi sgt, %jit3A_316, %sign3A_325 : i32
              %sign3A_327 = arith.extui %sign3A_326 : i1 to i32
              %sign3A_328 = arith.constant 0 : i32
              %sign3A_329 = arith.cmpi slt, %jit3A_316, %sign3A_328 : i32
              %sign3A_330 = arith.extui %sign3A_329 : i1 to i32
              %sign3A_331 = arith.subi %sign3A_327, %sign3A_330 : i32
              %ne3A_332 = arith.cmpi ne, %sign3A_324, %sign3A_331 : i32
              %rem3A_333 = arith.remsi %while3A_315, %jit3A_316 : i32
              %ne3A_334 = arith.constant 0 : i32
              %ne3A_335 = arith.cmpi ne, %rem3A_333, %ne3A_334 : i32
              %and3A_336 = arith.andi %ne3A_332, %ne3A_335 : i1
              %sub3A_337 = arith.constant 1 : i32
              %sub3A_338 = arith.subi %div3A_317, %sub3A_337 : i32
              %select_n3A_339 = arith.select %and3A_336, %sub3A_338, %div3A_317 : i32
              %mul3A_340 = arith.constant 16 : i32
              %mul3A_341 = arith.muli %select_n3A_339, %mul3A_340 : i32
              %get3A_342 = arith.index_cast %mul3A_341 : i32 to index
              %get3A_343 = tpu.vector_load %arg10[%get3A_342] {strides = array<i32>} : memref<32xi32, #tpu.memory_space<vmem>>, vector<16xi32>,
              %jit3A_344 = arith.constant 16 : i32
              %eq3A_345 = arith.constant 0 : i32
              %eq3A_346 = arith.cmpi eq, %jit3A_344, %eq3A_345 : i32
              %jit3A_347 = arith.constant 1 : i32
              %select_n3A_348 = arith.select %eq3A_346, %jit3A_347, %jit3A_344 : i32
              %rem3A_349 = arith.remsi %while3A_315, %select_n3A_348 : i32
              %ne3A_350 = arith.constant 0 : i32
              %ne3A_351 = arith.cmpi ne, %rem3A_349, %ne3A_350 : i32
              %lt3A_352 = arith.constant 0 : i32
              %lt3A_353 = arith.cmpi slt, %rem3A_349, %lt3A_352 : i32
              %lt3A_354 = arith.constant 0 : i32
              %lt3A_355 = arith.cmpi slt, %select_n3A_348, %lt3A_354 : i32
              %ne3A_356 = arith.xori %lt3A_353, %lt3A_355 : i1
              %and3A_357 = arith.andi %ne3A_356, %ne3A_351 : i1
              %add3A_358 = arith.addi %rem3A_349, %select_n3A_348 : i32
              %select_n3A_359 = arith.select %and3A_357, %add3A_358, %rem3A_349 : i32
              %eq3A_360 = vector.broadcast %select_n3A_359 : i32 to vector<16xi32>
              %eq3A_361 = arith.cmpi eq, %iota3A, %eq3A_360 : vector<16xi32>
              %jit3A_362 = arith.constant 0 : i32
              %broadcast_in_dim3A_363 = vector.broadcast %jit3A_362 : i32 to vector<16xi32>
              %select_n3A_364 = arith.select %eq3A_361, %get3A_343, %broadcast_in_dim3A_363 : vector<16xi1>, vector<16xi32>
              %reduce_sum3A = arith.constant true
              %reduce_sum3A_365 = vector.broadcast %reduce_sum3A : i1 to vector<16xi1>
              %reduce_sum3A_366 = tpu.scan <sum>, %select_n3A_364 masked %reduce_sum3A_365 : vector<16xi32>, vector<16xi1> -> vector<16xi32>
              %reduce_sum3A_367 = vector.extract %reduce_sum3A_366[15] : i32 from vector<16xi32>
              %broadcast_in_dim3A_368 = vector.broadcast %reduce_sum3A_367 : i32 to vector<16xi32>
              %add3A_369 = arith.constant 0 : i32
              %add3A_370 = vector.broadcast %add3A_369 : i32 to vector<16xi32>
              %add3A_371 = arith.addi %iota3A, %add3A_370 : vector<16xi32>
              %gather3A = arith.constant 0 : i32
              %gather3A_372 = arith.constant 0 : i32
              %gather3A_373 = tpu.memref_slice %arg9[%while3A_222, %gather3A, %gather3A_372] : memref<2x64x512xf32, #tpu.memory_space<vmem>> -> memref<1x64x512xf32, #tpu.memory_space<vmem>>
              %gather3A_374 = tpu.memref_squeeze %gather3A_373 : memref<1x64x512xf32, #tpu.memory_space<vmem>> -> memref<64x512xf32, #tpu.memory_space<vmem>>
              %gather3A_375 = tpu.vector_load_idx %gather3A_374[%add3A_371, %broadcast_in_dim3A_368] : memref<64x512xf32, #tpu.memory_space<vmem>>[vector<16xi32>, vector<16xi32>], vector<16xf32>,
              %swap3A_376 = arith.constant 0 : i32
              %swap3A_377 = arith.index_cast %swap3A_376 : i32 to index
              %swap3A_378 = arith.index_cast %while3A_315 : i32 to index
              %swap3A_379 = arith.constant 0 : index
              %swap3A_380 = tpu.vector_load %arg12[%swap3A_377, %swap3A_378, %swap3A_379] {strides = array<i32>} : memref<2x32x128xf32, #tpu.memory_space<vmem>>, vector<16xf32>,
              tpu.vector_store %arg12[%swap3A_377, %swap3A_378, %swap3A_379], %gather3A_375 {strides = array<i32>} : memref<2x32x128xf32, #tpu.memory_space<vmem>>, vector<16xf32>,
              %add3A_381 = arith.constant 16 : i32
              %add3A_382 = vector.broadcast %add3A_381 : i32 to vector<16xi32>
              %add3A_383 = arith.addi %iota3A, %add3A_382 : vector<16xi32>
              %gather3A_384 = arith.constant 0 : i32
              %gather3A_385 = arith.constant 0 : i32
              %gather3A_386 = tpu.memref_slice %arg9[%while3A_222, %gather3A_384, %gather3A_385] : memref<2x64x512xf32, #tpu.memory_space<vmem>> -> memref<1x64x512xf32, #tpu.memory_space<vmem>>
              %gather3A_387 = tpu.memref_squeeze %gather3A_386 : memref<1x64x512xf32, #tpu.memory_space<vmem>> -> memref<64x512xf32, #tpu.memory_space<vmem>>
              %gather3A_388 = tpu.vector_load_idx %gather3A_387[%add3A_383, %broadcast_in_dim3A_368] : memref<64x512xf32, #tpu.memory_space<vmem>>[vector<16xi32>, vector<16xi32>], vector<16xf32>,
              %swap3A_389 = arith.constant 0 : i32
              %swap3A_390 = arith.index_cast %swap3A_389 : i32 to index
              %swap3A_391 = arith.index_cast %while3A_315 : i32 to index
              %swap3A_392 = arith.constant 16 : index
              %swap3A_393 = tpu.vector_load %arg12[%swap3A_390, %swap3A_391, %swap3A_392] {strides = array<i32>} : memref<2x32x128xf32, #tpu.memory_space<vmem>>, vector<16xf32>,
              tpu.vector_store %arg12[%swap3A_390, %swap3A_391, %swap3A_392], %gather3A_388 {strides = array<i32>} : memref<2x32x128xf32, #tpu.memory_space<vmem>>, vector<16xf32>,
              %add3A_394 = arith.constant 32 : i32
              %add3A_395 = vector.broadcast %add3A_394 : i32 to vector<16xi32>
              %add3A_396 = arith.addi %iota3A, %add3A_395 : vector<16xi32>
              %gather3A_397 = arith.constant 0 : i32
              %gather3A_398 = arith.constant 0 : i32
              %gather3A_399 = tpu.memref_slice %arg9[%while3A_222, %gather3A_397, %gather3A_398] : memref<2x64x512xf32, #tpu.memory_space<vmem>> -> memref<1x64x512xf32, #tpu.memory_space<vmem>>
              %gather3A_400 = tpu.memref_squeeze %gather3A_399 : memref<1x64x512xf32, #tpu.memory_space<vmem>> -> memref<64x512xf32, #tpu.memory_space<vmem>>
              %gather3A_401 = tpu.vector_load_idx %gather3A_400[%add3A_396, %broadcast_in_dim3A_368] : memref<64x512xf32, #tpu.memory_space<vmem>>[vector<16xi32>, vector<16xi32>], vector<16xf32>,
              %swap3A_402 = arith.constant 0 : i32
              %swap3A_403 = arith.index_cast %swap3A_402 : i32 to index
              %swap3A_404 = arith.index_cast %while3A_315 : i32 to index
              %swap3A_405 = arith.constant 32 : index
              %swap3A_406 = tpu.vector_load %arg12[%swap3A_403, %swap3A_404, %swap3A_405] {strides = array<i32>} : memref<2x32x128xf32, #tpu.memory_space<vmem>>, vector<16xf32>,
              tpu.vector_store %arg12[%swap3A_403, %swap3A_404, %swap3A_405], %gather3A_401 {strides = array<i32>} : memref<2x32x128xf32, #tpu.memory_space<vmem>>, vector<16xf32>,
              %add3A_407 = arith.constant 48 : i32
              %add3A_408 = vector.broadcast %add3A_407 : i32 to vector<16xi32>
              %add3A_409 = arith.addi %iota3A, %add3A_408 : vector<16xi32>
              %gather3A_410 = arith.constant 0 : i32
              %gather3A_411 = arith.constant 0 : i32
              %gather3A_412 = tpu.memref_slice %arg9[%while3A_222, %gather3A_410, %gather3A_411] : memref<2x64x512xf32, #tpu.memory_space<vmem>> -> memref<1x64x512xf32, #tpu.memory_space<vmem>>
              %gather3A_413 = tpu.memref_squeeze %gather3A_412 : memref<1x64x512xf32, #tpu.memory_space<vmem>> -> memref<64x512xf32, #tpu.memory_space<vmem>>
              %gather3A_414 = tpu.vector_load_idx %gather3A_413[%add3A_409, %broadcast_in_dim3A_368] : memref<64x512xf32, #tpu.memory_space<vmem>>[vector<16xi32>, vector<16xi32>], vector<16xf32>,
              %swap3A_415 = arith.constant 0 : i32
              %swap3A_416 = arith.index_cast %swap3A_415 : i32 to index
              %swap3A_417 = arith.index_cast %while3A_315 : i32 to index
              %swap3A_418 = arith.constant 48 : index
              %swap3A_419 = tpu.vector_load %arg12[%swap3A_416, %swap3A_417, %swap3A_418] {strides = array<i32>} : memref<2x32x128xf32, #tpu.memory_space<vmem>>, vector<16xf32>,
              tpu.vector_store %arg12[%swap3A_416, %swap3A_417, %swap3A_418], %gather3A_414 {strides = array<i32>} : memref<2x32x128xf32, #tpu.memory_space<vmem>>, vector<16xf32>,
            }
            %add3A_275 = arith.constant 0 : i32
            %add3A_276 = vector.broadcast %add3A_275 : i32 to vector<16xi32>
            %add3A_277 = arith.addi %iota3A, %add3A_276 : vector<16xi32>
            %lt3A_278 = vector.broadcast %while3A_243 : i32 to vector<16xi32>
            %lt3A_279 = arith.cmpi slt, %add3A_277, %lt3A_278 : vector<16xi32>
            %get3A = arith.constant 0 : index
            %get3A_280 = tpu.vector_load %arg11[%get3A] {strides = array<i32>} : memref<32xi32, #tpu.memory_space<vmem>>, vector<16xi32>,
            %broadcast_in_dim3A_281 = vector.broadcast %add3A_2 : i32 to vector<16xi32>
            %select_n3A_282 = arith.select %lt3A_279, %get3A_280, %broadcast_in_dim3A_281 : vector<16xi1>, vector<16xi32>
            %swap3A_283 = arith.constant 0 : i32
            %swap3A_284 = arith.index_cast %swap3A_283 : i32 to index
            %swap3A_285 = arith.constant 0 : index
            %swap3A_286 = tpu.vector_load %arg13[%swap3A_284, %swap3A_285] {strides = array<i32>} : memref<2x32xi32, #tpu.memory_space<vmem>>, vector<16xi32>,
            tpu.vector_store %arg13[%swap3A_284, %swap3A_285], %select_n3A_282 {strides = array<i32>} : memref<2x32xi32, #tpu.memory_space<vmem>>, vector<16xi32>,
            %add3A_287 = arith.constant 16 : i32
            %add3A_288 = vector.broadcast %add3A_287 : i32 to vector<16xi32>
            %add3A_289 = arith.addi %iota3A, %add3A_288 : vector<16xi32>
            %lt3A_290 = vector.broadcast %while3A_243 : i32 to vector<16xi32>
            %lt3A_291 = arith.cmpi slt, %add3A_289, %lt3A_290 : vector<16xi32>
            %get3A_292 = arith.constant 16 : index
            %get3A_293 = tpu.vector_load %arg11[%get3A_292] {strides = array<i32>} : memref<32xi32, #tpu.memory_space<vmem>>, vector<16xi32>,
            %broadcast_in_dim3A_294 = vector.broadcast %add3A_2 : i32 to vector<16xi32>
            %select_n3A_295 = arith.select %lt3A_291, %get3A_293, %broadcast_in_dim3A_294 : vector<16xi1>, vector<16xi32>
            %swap3A_296 = arith.constant 0 : i32
            %swap3A_297 = arith.index_cast %swap3A_296 : i32 to index
            %swap3A_298 = arith.constant 16 : index
            %swap3A_299 = tpu.vector_load %arg13[%swap3A_297, %swap3A_298] {strides = array<i32>} : memref<2x32xi32, #tpu.memory_space<vmem>>, vector<16xi32>,
            tpu.vector_store %arg13[%swap3A_297, %swap3A_298], %select_n3A_295 {strides = array<i32>} : memref<2x32xi32, #tpu.memory_space<vmem>>, vector<16xi32>,
            %dma_start3A_300 = arith.constant 0 : i32
            %dma_start3A_301 = arith.constant 0 : i32
            %dma_start3A_302 = arith.constant 0 : i32
            %dma_start3A_303 = arith.constant 0 : i32
            %dma_start3A_304 = arith.constant 0 : i32
            %dma_start3A_305 = tpu.memref_slice %arg12[%dma_start3A_300, %dma_start3A_303, %dma_start3A_304] : memref<2x32x128xf32, #tpu.memory_space<vmem>> -> memref<1x32x128xf32, #tpu.memory_space<vmem>>
            %dma_start3A_306 = tpu.memref_squeeze %dma_start3A_305 : memref<1x32x128xf32, #tpu.memory_space<vmem>> -> memref<32x128xf32, #tpu.memory_space<vmem>>
            %dma_start3A_307 = arith.constant 0 : i32
            %dma_start3A_308 = tpu.memref_slice %arg13[%dma_start3A_301, %dma_start3A_307] : memref<2x32xi32, #tpu.memory_space<vmem>> -> memref<1x32xi32, #tpu.memory_space<vmem>>
            %dma_start3A_309 = tpu.memref_squeeze %dma_start3A_308 : memref<1x32xi32, #tpu.memory_space<vmem>> -> memref<32xi32, #tpu.memory_space<vmem>>
            %dma_start3A_310 = arith.constant 0 : i32
            %dma_start3A_311 = arith.constant 0 : i32
            %dma_start3A_312 = tpu.memref_slice %arg5[%dma_start3A_310, %dma_start3A_311] : memref<16416x128xf32, #tpu.memory_space<hbm>> -> memref<16416x128xf32, #tpu.memory_space<hbm>>
            %dma_start3A_313 = tpu.memref_slice %arg17[%dma_start3A_302] : memref<2x!tpu.dma_semaphore, #tpu.memory_space<semaphore_mem>> -> memref<1x!tpu.dma_semaphore, #tpu.memory_space<semaphore_mem>>
            %dma_start3A_314 = tpu.memref_squeeze %dma_start3A_313 : memref<1x!tpu.dma_semaphore, #tpu.memory_space<semaphore_mem>> -> memref<!tpu.dma_semaphore, #tpu.memory_space<semaphore_mem>>
            tpu.enqueue_indirect_dma source(%dma_start3A_306 : memref<32x128xf32, #tpu.memory_space<vmem>>) target(%dma_start3A_312 : memref<16416x128xf32, #tpu.memory_space<hbm>>) offsets(%dma_start3A_309 : memref<32xi32, #tpu.memory_space<vmem>>) semaphore(%dma_start3A_314 : memref<!tpu.dma_semaphore, #tpu.memory_space<semaphore_mem>>)
          } else {
          }
          %ge3A = arith.constant 16 : i32
          %ge3A_249 = arith.cmpi sge, %while3A_243, %ge3A : i32
          scf.yield %ge3A_249 : i1
        }
        %add3A_225 = arith.constant 2 : i32
        %add3A_226 = arith.addi %add3A_187, %add3A_225 : i32
        %lt3A_227 = arith.cmpi slt, %add3A_226, %min3A : i32
        %convert_element_type3A_228 = arith.extui %lt3A_227 : i1 to i32
        %cond3A_229 = arith.constant 0 : i32
        %cond3A_230 = arith.cmpi ne, %convert_element_type3A_228, %cond3A_229 : i32
        scf.if %cond3A_230 {
          %add3A_231 = arith.constant 2 : i32
          %add3A_232 = arith.addi %add3A_187, %add3A_231 : i32
          %mul3A_233 = arith.constant 32768 : i32
          %mul3A_234 = arith.muli %add3A, %mul3A_233 : i32
          %mul3A_235 = arith.constant 512 : i32
          %mul3A_236 = arith.muli %add3A_232, %mul3A_235 : i32
          %add3A_237 = arith.addi %mul3A_234, %mul3A_236 : i32
          %multiple_of3A = tpu.assume_multiple %add3A_237, 128 : i32
          %dma_start3A_238 = arith.constant 0 : i32
          %dma_start3A_239 = arith.constant 0 : i32
          %dma_start3A_240 = arith.constant 0 : i32
          %dma_start3A_241 = arith.constant 0 : i32
          %dma_start3A_242 = tpu.memref_slice %arg9[%dma_start3A_238, %dma_start3A_240, %dma_start3A_241] : memref<2x64x512xf32, #tpu.memory_space<vmem>> -> memref<1x64x512xf32, #tpu.memory_space<vmem>>
          %dma_start3A_243 = tpu.memref_squeeze %dma_start3A_242 : memref<1x64x512xf32, #tpu.memory_space<vmem>> -> memref<64x512xf32, #tpu.memory_space<vmem>>
          %dma_start3A_244 = arith.constant 0 : i32
          %dma_start3A_245 = tpu.memref_slice %arg2[%dma_start3A_244, %multiple_of3A] : memref<64x1000001xf32, #tpu.memory_space<hbm>> -> memref<64x512xf32, #tpu.memory_space<hbm>>
          %dma_start3A_246 = tpu.memref_slice %arg16[%dma_start3A_239] : memref<2x!tpu.dma_semaphore, #tpu.memory_space<semaphore_mem>> -> memref<1x!tpu.dma_semaphore, #tpu.memory_space<semaphore_mem>>
          %dma_start3A_247 = tpu.memref_squeeze %dma_start3A_246 : memref<1x!tpu.dma_semaphore, #tpu.memory_space<semaphore_mem>> -> memref<!tpu.dma_semaphore, #tpu.memory_space<semaphore_mem>>
          %dma_start3A_248 = arith.constant 0 : i32
          %dma_start3A_249 = arith.constant 0 : i32
          %dma_start3A_250 = tpu.memref_slice %arg9[%dma_start3A_238, %dma_start3A_248, %dma_start3A_249] : memref<2x64x512xf32, #tpu.memory_space<vmem>> -> memref<1x64x512xf32, #tpu.memory_space<vmem>>
          %dma_start3A_251 = tpu.memref_squeeze %dma_start3A_250 : memref<1x64x512xf32, #tpu.memory_space<vmem>> -> memref<64x512xf32, #tpu.memory_space<vmem>>
          %dma_start3A_252 = arith.constant 0 : i32
          %dma_start3A_253 = tpu.memref_slice %arg2[%dma_start3A_252, %multiple_of3A] : memref<64x1000001xf32, #tpu.memory_space<hbm>> -> memref<64x512xf32, #tpu.memory_space<hbm>>
          tpu.enqueue_dma source(%dma_start3A_253 : memref<64x512xf32, #tpu.memory_space<hbm>>) target(%dma_start3A_251 : memref<64x512xf32, #tpu.memory_space<vmem>>) target_semaphore(%dma_start3A_247 : memref<!tpu.dma_semaphore, #tpu.memory_space<semaphore_mem>>)
        } else {
        }
      } else {
      }
      %mul3A_191 = arith.constant 2 : i32
      %mul3A_192 = arith.muli %while3A_183, %mul3A_191 : i32
      %add3A_193 = arith.constant 1 : i32
      %add3A_194 = arith.addi %mul3A_192, %add3A_193 : i32
      %lt3A_195 = arith.cmpi slt, %add3A_194, %min3A : i32
      %convert_element_type3A_196 = arith.extui %lt3A_195 : i1 to i32
      %cond3A_197 = arith.constant 0 : i32
      %cond3A_198 = arith.cmpi ne, %convert_element_type3A_196, %cond3A_197 : i32
      scf.if %cond3A_198 {
        %dma_wait3A_199 = arith.constant 1 : i32
        %dma_wait3A_200 = arith.constant 1 : i32
        %dma_wait3A_201 = arith.constant 0 : i32
        %dma_wait3A_202 = arith.constant 0 : i32
        %dma_wait3A_203 = tpu.memref_slice %arg9[%dma_wait3A_199, %dma_wait3A_201, %dma_wait3A_202] : memref<2x64x512xf32, #tpu.memory_space<vmem>> -> memref<1x64x512xf32, #tpu.memory_space<vmem>>
        %dma_wait3A_204 = tpu.memref_squeeze %dma_wait3A_203 : memref<1x64x512xf32, #tpu.memory_space<vmem>> -> memref<64x512xf32, #tpu.memory_space<vmem>>
        %dma_wait3A_205 = arith.constant 0 : i32
        %dma_wait3A_206 = arith.constant 0 : i32
        %dma_wait3A_207 = tpu.memref_slice %arg2[%dma_wait3A_205, %dma_wait3A_206] : memref<64x1000001xf32, #tpu.memory_space<hbm>> -> memref<64x512xf32, #tpu.memory_space<hbm>>
        %dma_wait3A_208 = tpu.memref_slice %arg16[%dma_wait3A_200] : memref<2x!tpu.dma_semaphore, #tpu.memory_space<semaphore_mem>> -> memref<1x!tpu.dma_semaphore, #tpu.memory_space<semaphore_mem>>
        %dma_wait3A_209 = tpu.memref_squeeze %dma_wait3A_208 : memref<1x!tpu.dma_semaphore, #tpu.memory_space<semaphore_mem>> -> memref<!tpu.dma_semaphore, #tpu.memory_space<semaphore_mem>>
        %dma_wait3A_210 = arith.constant 0 : i32
        %dma_wait3A_211 = arith.constant 0 : i32
        %dma_wait3A_212 = tpu.memref_slice %arg9[%dma_wait3A_199, %dma_wait3A_210, %dma_wait3A_211] : memref<2x64x512xf32, #tpu.memory_space<vmem>> -> memref<1x64x512xf32, #tpu.memory_space<vmem>>
        %dma_wait3A_213 = tpu.memref_squeeze %dma_wait3A_212 : memref<1x64x512xf32, #tpu.memory_space<vmem>> -> memref<64x512xf32, #tpu.memory_space<vmem>>
        %dma_wait3A_214 = arith.constant 0 : i32
        %dma_wait3A_215 = arith.constant 0 : i32
        %dma_wait3A_216 = tpu.memref_slice %arg2[%dma_wait3A_214, %dma_wait3A_215] : memref<64x1000001xf32, #tpu.memory_space<hbm>> -> memref<64x512xf32, #tpu.memory_space<hbm>>
        tpu.wait_dma2 semaphore(%dma_wait3A_209 : memref<!tpu.dma_semaphore, #tpu.memory_space<semaphore_mem>>) src(%dma_wait3A_216 : memref<64x512xf32, #tpu.memory_space<hbm>>) dst(%dma_wait3A_213 : memref<64x512xf32, #tpu.memory_space<vmem>>)
        %mul3A_217 = arith.constant 32768 : i32
        %mul3A_218 = arith.muli %add3A, %mul3A_217 : i32
        %mul3A_219 = arith.constant 512 : i32
        %mul3A_220 = arith.muli %add3A_194, %mul3A_219 : i32
        %add3A_221 = arith.addi %mul3A_218, %mul3A_220 : i32
        %while3A_222 = arith.constant 1 : i32
        %while3A_223 = arith.constant true
        %while3A_224 = scf.while (%while3A_231 = %while3A_223) : (i1) -> i1 {
          scf.condition(%while3A_231) %while3A_231 : i1
        } do {
        ^bb0(%while3A_231: i1):
          %while3A_232 = arith.constant 0 : i32
          %while3A_233 = arith.constant 0 : i32
          %while3A_234 = arith.subi %select_n3A, %while3A_232 : i32
          %while3A_235 = arith.addi %while3A_232, %while3A_234 : i32
          %while3A_236 = arith.constant 1 : i32
          %while3A_237 = arith.divsi %while3A_234, %while3A_236 : i32
          %while3A_238 = arith.muli %while3A_237, %while3A_236 : i32
          %while3A_239 = arith.addi %while3A_232, %while3A_238 : i32
          %while3A_240 = arith.constant 1 : i32
          %while3A_241 = scf.for %while3A_250 = %while3A_232 to %while3A_239 step %while3A_240 iter_args(%while3A_251 = %while3A_233) -> (i32)  : i32 {
            %mul3A_252 = arith.constant 16 : i32
            %mul3A_253 = arith.muli %while3A_250, %mul3A_252 : i32
            %get3A = arith.index_cast %mul3A_253 : i32 to index
            %get3A_254 = tpu.vector_load %arg7[%get3A] {strides = array<i32>} : memref<16400xi32, #tpu.memory_space<vmem>>, vector<16xi32>,
            %ge3A_255 = vector.broadcast %add3A_221 : i32 to vector<16xi32>
            %ge3A_256 = arith.cmpi sge, %get3A_254, %ge3A_255 : vector<16xi32>
            %add3A_257 = arith.constant 512 : i32
            %add3A_258 = arith.addi %add3A_221, %add3A_257 : i32
            %lt3A_259 = vector.broadcast %add3A_258 : i32 to vector<16xi32>
            %lt3A_260 = arith.cmpi slt, %get3A_254, %lt3A_259 : vector<16xi32>
            %and3A_261 = arith.andi %ge3A_256, %lt3A_260 : vector<16xi1>
            %convert_element_type3A_262 = arith.extui %and3A_261 : vector<16xi1> to vector<16xi32>
            %reduce_sum3A = arith.constant true
            %reduce_sum3A_263 = vector.broadcast %reduce_sum3A : i1 to vector<16xi1>
            %reduce_sum3A_264 = tpu.scan <sum>, %convert_element_type3A_262 masked %reduce_sum3A_263 : vector<16xi32>, vector<16xi1> -> vector<16xi32>
            %reduce_sum3A_265 = vector.extract %reduce_sum3A_264[15] : i32 from vector<16xi32>
            %gt3A_266 = arith.constant 0 : i32
            %gt3A_267 = arith.cmpi sgt, %reduce_sum3A_265, %gt3A_266 : i32
            %lt3A_268 = arith.constant 16 : i32
            %lt3A_269 = arith.cmpi slt, %while3A_251, %lt3A_268 : i32
            %and3A_270 = arith.andi %gt3A_267, %lt3A_269 : i1
            %convert_element_type3A_271 = arith.extui %and3A_270 : i1 to i32
            %cond3A_272 = arith.constant 0 : i32
            %cond3A_273 = arith.cmpi ne, %convert_element_type3A_271, %cond3A_272 : i32
            scf.if %cond3A_273 {
              %mul3A_277 = arith.constant 16 : i32
              %mul3A_278 = arith.muli %while3A_250, %mul3A_277 : i32
              %get3A_279 = arith.index_cast %mul3A_278 : i32 to index
              %get3A_280 = tpu.vector_load %arg8[%get3A_279] {strides = array<i32>} : memref<16384xi32, #tpu.memory_space<vmem>>, vector<16xi32>,
              %sub3A_281 = vector.broadcast %add3A_221 : i32 to vector<16xi32>
              %sub3A_282 = arith.subi %get3A_254, %sub3A_281 : vector<16xi32>
              %swap3A_283 = arith.constant 0 : index
              %swap3A_284 = tpu.vector_load %arg14[%swap3A_283] masked %and3A_261 {strides = array<i32>} : memref<16xi32, #tpu.memory_space<vmem>>, vector<16xi32>, vector<16xi1>
              tpu.vector_store %arg14[%swap3A_283], %sub3A_282 masked %and3A_261 {strides = array<i32>} : memref<16xi32, #tpu.memory_space<vmem>>, vector<16xi32>, vector<16xi1>
              %swap3A_285 = arith.constant 0 : index
              %swap3A_286 = tpu.vector_load %arg15[%swap3A_285] masked %and3A_261 {strides = array<i32>} : memref<16xi32, #tpu.memory_space<vmem>>, vector<16xi32>, vector<16xi1>
              tpu.vector_store %arg15[%swap3A_285], %get3A_280 masked %and3A_261 {strides = array<i32>} : memref<16xi32, #tpu.memory_space<vmem>>, vector<16xi32>, vector<16xi1>
              %get3A_287 = arith.constant 0 : index
              %get3A_288 = tpu.vector_load %arg14[%get3A_287] {strides = array<i32>} : memref<16xi32, #tpu.memory_space<vmem>>, vector<16xi32>,
              %swap3A_289 = arith.index_cast %while3A_251 : i32 to index
              %swap3A_290 = tpu.vector_load %arg10[%swap3A_289] {strides = array<i32>} : memref<32xi32, #tpu.memory_space<vmem>>, vector<16xi32>,
              tpu.vector_store %arg10[%swap3A_289], %get3A_288 {strides = array<i32>} : memref<32xi32, #tpu.memory_space<vmem>>, vector<16xi32>,
              %get3A_291 = arith.constant 0 : index
              %get3A_292 = tpu.vector_load %arg15[%get3A_291] {strides = array<i32>} : memref<16xi32, #tpu.memory_space<vmem>>, vector<16xi32>,
              %swap3A_293 = arith.index_cast %while3A_251 : i32 to index
              %swap3A_294 = tpu.vector_load %arg11[%swap3A_293] {strides = array<i32>} : memref<32xi32, #tpu.memory_space<vmem>>, vector<16xi32>,
              tpu.vector_store %arg11[%swap3A_293], %get3A_292 {strides = array<i32>} : memref<32xi32, #tpu.memory_space<vmem>>, vector<16xi32>,
              %jit3A_295 = arith.constant 2147483632 : i32
              %broadcast_in_dim3A_296 = vector.broadcast %jit3A_295 : i32 to vector<16xi32>
              %select_n3A_297 = arith.select %and3A_261, %broadcast_in_dim3A_296, %get3A_254 : vector<16xi1>, vector<16xi32>
              %mul3A_298 = arith.constant 16 : i32
              %mul3A_299 = arith.muli %while3A_250, %mul3A_298 : i32
              %swap3A_300 = arith.index_cast %mul3A_299 : i32 to index
              %swap3A_301 = tpu.vector_load %arg7[%swap3A_300] {strides = array<i32>} : memref<16400xi32, #tpu.memory_space<vmem>>, vector<16xi32>,
              tpu.vector_store %arg7[%swap3A_300], %select_n3A_297 {strides = array<i32>} : memref<16400xi32, #tpu.memory_space<vmem>>, vector<16xi32>,
            } else {
            }
            %jit3A_274 = arith.constant 0 : i32
            %select_n3A_275 = arith.select %and3A_270, %reduce_sum3A_265, %jit3A_274 : i32
            %add3A_276 = arith.addi %while3A_251, %select_n3A_275 : i32
            scf.yield %add3A_276 : i32
          }
          %while3A_242 = arith.constant 1 : i32
          %while3A_243 = scf.for %while3A_250 = %while3A_239 to %while3A_235 step %while3A_242 iter_args(%while3A_251 = %while3A_241) -> (i32)  : i32 {
            %mul3A_252 = arith.constant 16 : i32
            %mul3A_253 = arith.muli %while3A_250, %mul3A_252 : i32
            %get3A = arith.index_cast %mul3A_253 : i32 to index
            %get3A_254 = tpu.vector_load %arg7[%get3A] {strides = array<i32>} : memref<16400xi32, #tpu.memory_space<vmem>>, vector<16xi32>,
            %ge3A_255 = vector.broadcast %add3A_221 : i32 to vector<16xi32>
            %ge3A_256 = arith.cmpi sge, %get3A_254, %ge3A_255 : vector<16xi32>
            %add3A_257 = arith.constant 512 : i32
            %add3A_258 = arith.addi %add3A_221, %add3A_257 : i32
            %lt3A_259 = vector.broadcast %add3A_258 : i32 to vector<16xi32>
            %lt3A_260 = arith.cmpi slt, %get3A_254, %lt3A_259 : vector<16xi32>
            %and3A_261 = arith.andi %ge3A_256, %lt3A_260 : vector<16xi1>
            %convert_element_type3A_262 = arith.extui %and3A_261 : vector<16xi1> to vector<16xi32>
            %reduce_sum3A = arith.constant true
            %reduce_sum3A_263 = vector.broadcast %reduce_sum3A : i1 to vector<16xi1>
            %reduce_sum3A_264 = tpu.scan <sum>, %convert_element_type3A_262 masked %reduce_sum3A_263 : vector<16xi32>, vector<16xi1> -> vector<16xi32>
            %reduce_sum3A_265 = vector.extract %reduce_sum3A_264[15] : i32 from vector<16xi32>
            %gt3A_266 = arith.constant 0 : i32
            %gt3A_267 = arith.cmpi sgt, %reduce_sum3A_265, %gt3A_266 : i32
            %lt3A_268 = arith.constant 16 : i32
            %lt3A_269 = arith.cmpi slt, %while3A_251, %lt3A_268 : i32
            %and3A_270 = arith.andi %gt3A_267, %lt3A_269 : i1
            %convert_element_type3A_271 = arith.extui %and3A_270 : i1 to i32
            %cond3A_272 = arith.constant 0 : i32
            %cond3A_273 = arith.cmpi ne, %convert_element_type3A_271, %cond3A_272 : i32
            scf.if %cond3A_273 {
              %mul3A_277 = arith.constant 16 : i32
              %mul3A_278 = arith.muli %while3A_250, %mul3A_277 : i32
              %get3A_279 = arith.index_cast %mul3A_278 : i32 to index
              %get3A_280 = tpu.vector_load %arg8[%get3A_279] {strides = array<i32>} : memref<16384xi32, #tpu.memory_space<vmem>>, vector<16xi32>,
              %sub3A_281 = vector.broadcast %add3A_221 : i32 to vector<16xi32>
              %sub3A_282 = arith.subi %get3A_254, %sub3A_281 : vector<16xi32>
              %swap3A_283 = arith.constant 0 : index
              %swap3A_284 = tpu.vector_load %arg14[%swap3A_283] masked %and3A_261 {strides = array<i32>} : memref<16xi32, #tpu.memory_space<vmem>>, vector<16xi32>, vector<16xi1>
              tpu.vector_store %arg14[%swap3A_283], %sub3A_282 masked %and3A_261 {strides = array<i32>} : memref<16xi32, #tpu.memory_space<vmem>>, vector<16xi32>, vector<16xi1>
              %swap3A_285 = arith.constant 0 : index
              %swap3A_286 = tpu.vector_load %arg15[%swap3A_285] masked %and3A_261 {strides = array<i32>} : memref<16xi32, #tpu.memory_space<vmem>>, vector<16xi32>, vector<16xi1>
              tpu.vector_store %arg15[%swap3A_285], %get3A_280 masked %and3A_261 {strides = array<i32>} : memref<16xi32, #tpu.memory_space<vmem>>, vector<16xi32>, vector<16xi1>
              %get3A_287 = arith.constant 0 : index
              %get3A_288 = tpu.vector_load %arg14[%get3A_287] {strides = array<i32>} : memref<16xi32, #tpu.memory_space<vmem>>, vector<16xi32>,
              %swap3A_289 = arith.index_cast %while3A_251 : i32 to index
              %swap3A_290 = tpu.vector_load %arg10[%swap3A_289] {strides = array<i32>} : memref<32xi32, #tpu.memory_space<vmem>>, vector<16xi32>,
              tpu.vector_store %arg10[%swap3A_289], %get3A_288 {strides = array<i32>} : memref<32xi32, #tpu.memory_space<vmem>>, vector<16xi32>,
              %get3A_291 = arith.constant 0 : index
              %get3A_292 = tpu.vector_load %arg15[%get3A_291] {strides = array<i32>} : memref<16xi32, #tpu.memory_space<vmem>>, vector<16xi32>,
              %swap3A_293 = arith.index_cast %while3A_251 : i32 to index
              %swap3A_294 = tpu.vector_load %arg11[%swap3A_293] {strides = array<i32>} : memref<32xi32, #tpu.memory_space<vmem>>, vector<16xi32>,
              tpu.vector_store %arg11[%swap3A_293], %get3A_292 {strides = array<i32>} : memref<32xi32, #tpu.memory_space<vmem>>, vector<16xi32>,
              %jit3A_295 = arith.constant 2147483632 : i32
              %broadcast_in_dim3A_296 = vector.broadcast %jit3A_295 : i32 to vector<16xi32>
              %select_n3A_297 = arith.select %and3A_261, %broadcast_in_dim3A_296, %get3A_254 : vector<16xi1>, vector<16xi32>
              %mul3A_298 = arith.constant 16 : i32
              %mul3A_299 = arith.muli %while3A_250, %mul3A_298 : i32
              %swap3A_300 = arith.index_cast %mul3A_299 : i32 to index
              %swap3A_301 = tpu.vector_load %arg7[%swap3A_300] {strides = array<i32>} : memref<16400xi32, #tpu.memory_space<vmem>>, vector<16xi32>,
              tpu.vector_store %arg7[%swap3A_300], %select_n3A_297 {strides = array<i32>} : memref<16400xi32, #tpu.memory_space<vmem>>, vector<16xi32>,
            } else {
            }
            %jit3A_274 = arith.constant 0 : i32
            %select_n3A_275 = arith.select %and3A_270, %reduce_sum3A_265, %jit3A_274 : i32
            %add3A_276 = arith.addi %while3A_251, %select_n3A_275 : i32
            scf.yield %add3A_276 : i32
          }
          %gt3A_244 = arith.constant 0 : i32
          %gt3A_245 = arith.cmpi sgt, %while3A_243, %gt3A_244 : i32
          %convert_element_type3A_246 = arith.extui %gt3A_245 : i1 to i32
          %cond3A_247 = arith.constant 0 : i32
          %cond3A_248 = arith.cmpi ne, %convert_element_type3A_246, %cond3A_247 : i32
          scf.if %cond3A_248 {
            %dma_wait3A_250 = arith.constant 1 : i32
            %dma_wait3A_251 = arith.constant 1 : i32
            %dma_wait3A_252 = arith.constant 1 : i32
            %dma_wait3A_253 = arith.constant 0 : i32
            %dma_wait3A_254 = arith.constant 0 : i32
            %dma_wait3A_255 = tpu.memref_slice %arg12[%dma_wait3A_250, %dma_wait3A_253, %dma_wait3A_254] : memref<2x32x128xf32, #tpu.memory_space<vmem>> -> memref<1x32x128xf32, #tpu.memory_space<vmem>>
            %dma_wait3A_256 = tpu.memref_squeeze %dma_wait3A_255 : memref<1x32x128xf32, #tpu.memory_space<vmem>> -> memref<32x128xf32, #tpu.memory_space<vmem>>
            %dma_wait3A_257 = arith.constant 0 : i32
            %dma_wait3A_258 = tpu.memref_slice %arg13[%dma_wait3A_251, %dma_wait3A_257] : memref<2x32xi32, #tpu.memory_space<vmem>> -> memref<1x32xi32, #tpu.memory_space<vmem>>
            %dma_wait3A_259 = tpu.memref_squeeze %dma_wait3A_258 : memref<1x32xi32, #tpu.memory_space<vmem>> -> memref<32xi32, #tpu.memory_space<vmem>>
            %dma_wait3A_260 = arith.constant 0 : i32
            %dma_wait3A_261 = arith.constant 0 : i32
            %dma_wait3A_262 = tpu.memref_slice %arg5[%dma_wait3A_260, %dma_wait3A_261] : memref<16416x128xf32, #tpu.memory_space<hbm>> -> memref<16416x128xf32, #tpu.memory_space<hbm>>
            %dma_wait3A_263 = tpu.memref_slice %arg17[%dma_wait3A_252] : memref<2x!tpu.dma_semaphore, #tpu.memory_space<semaphore_mem>> -> memref<1x!tpu.dma_semaphore, #tpu.memory_space<semaphore_mem>>
            %dma_wait3A_264 = tpu.memref_squeeze %dma_wait3A_263 : memref<1x!tpu.dma_semaphore, #tpu.memory_space<semaphore_mem>> -> memref<!tpu.dma_semaphore, #tpu.memory_space<semaphore_mem>>
            tpu.wait_indirect_dma semaphore(%dma_wait3A_264 : memref<!tpu.dma_semaphore, #tpu.memory_space<semaphore_mem>>) src(%dma_wait3A_256 : memref<32x128xf32, #tpu.memory_space<vmem>>) dst(%dma_wait3A_262 : memref<16416x128xf32, #tpu.memory_space<hbm>>)
            %while3A_265 = arith.constant 0 : i32
            %while3A_266 = arith.constant 0 : i32
            %while3A_267 = arith.subi %while3A_243, %while3A_266 : i32
            %while3A_268 = arith.addi %while3A_266, %while3A_267 : i32
            %while3A_269 = arith.constant 1 : i32
            %while3A_270 = arith.divsi %while3A_267, %while3A_269 : i32
            %while3A_271 = arith.muli %while3A_270, %while3A_269 : i32
            %while3A_272 = arith.addi %while3A_266, %while3A_271 : i32
            %while3A_273 = arith.constant 1 : i32
            scf.for %while3A_315 = %while3A_266 to %while3A_272 step %while3A_273  : i32 {
              %jit3A_316 = arith.constant 16 : i32
              %div3A_317 = arith.divsi %while3A_315, %jit3A_316 : i32
              %sign3A_318 = arith.constant 0 : i32
              %sign3A_319 = arith.cmpi sgt, %while3A_315, %sign3A_318 : i32
              %sign3A_320 = arith.extui %sign3A_319 : i1 to i32
              %sign3A_321 = arith.constant 0 : i32
              %sign3A_322 = arith.cmpi slt, %while3A_315, %sign3A_321 : i32
              %sign3A_323 = arith.extui %sign3A_322 : i1 to i32
              %sign3A_324 = arith.subi %sign3A_320, %sign3A_323 : i32
              %sign3A_325 = arith.constant 0 : i32
              %sign3A_326 = arith.cmpi sgt, %jit3A_316, %sign3A_325 : i32
              %sign3A_327 = arith.extui %sign3A_326 : i1 to i32
              %sign3A_328 = arith.constant 0 : i32
              %sign3A_329 = arith.cmpi slt, %jit3A_316, %sign3A_328 : i32
              %sign3A_330 = arith.extui %sign3A_329 : i1 to i32
              %sign3A_331 = arith.subi %sign3A_327, %sign3A_330 : i32
              %ne3A_332 = arith.cmpi ne, %sign3A_324, %sign3A_331 : i32
              %rem3A_333 = arith.remsi %while3A_315, %jit3A_316 : i32
              %ne3A_334 = arith.constant 0 : i32
              %ne3A_335 = arith.cmpi ne, %rem3A_333, %ne3A_334 : i32
              %and3A_336 = arith.andi %ne3A_332, %ne3A_335 : i1
              %sub3A_337 = arith.constant 1 : i32
              %sub3A_338 = arith.subi %div3A_317, %sub3A_337 : i32
              %select_n3A_339 = arith.select %and3A_336, %sub3A_338, %div3A_317 : i32
              %mul3A_340 = arith.constant 16 : i32
              %mul3A_341 = arith.muli %select_n3A_339, %mul3A_340 : i32
              %get3A_342 = arith.index_cast %mul3A_341 : i32 to index
              %get3A_343 = tpu.vector_load %arg10[%get3A_342] {strides = array<i32>} : memref<32xi32, #tpu.memory_space<vmem>>, vector<16xi32>,
              %jit3A_344 = arith.constant 16 : i32
              %eq3A_345 = arith.constant 0 : i32
              %eq3A_346 = arith.cmpi eq, %jit3A_344, %eq3A_345 : i32
              %jit3A_347 = arith.constant 1 : i32
              %select_n3A_348 = arith.select %eq3A_346, %jit3A_347, %jit3A_344 : i32
              %rem3A_349 = arith.remsi %while3A_315, %select_n3A_348 : i32
              %ne3A_350 = arith.constant 0 : i32
              %ne3A_351 = arith.cmpi ne, %rem3A_349, %ne3A_350 : i32
              %lt3A_352 = arith.constant 0 : i32
              %lt3A_353 = arith.cmpi slt, %rem3A_349, %lt3A_352 : i32
              %lt3A_354 = arith.constant 0 : i32
              %lt3A_355 = arith.cmpi slt, %select_n3A_348, %lt3A_354 : i32
              %ne3A_356 = arith.xori %lt3A_353, %lt3A_355 : i1
              %and3A_357 = arith.andi %ne3A_356, %ne3A_351 : i1
              %add3A_358 = arith.addi %rem3A_349, %select_n3A_348 : i32
              %select_n3A_359 = arith.select %and3A_357, %add3A_358, %rem3A_349 : i32
              %eq3A_360 = vector.broadcast %select_n3A_359 : i32 to vector<16xi32>
              %eq3A_361 = arith.cmpi eq, %iota3A, %eq3A_360 : vector<16xi32>
              %jit3A_362 = arith.constant 0 : i32
              %broadcast_in_dim3A_363 = vector.broadcast %jit3A_362 : i32 to vector<16xi32>
              %select_n3A_364 = arith.select %eq3A_361, %get3A_343, %broadcast_in_dim3A_363 : vector<16xi1>, vector<16xi32>
              %reduce_sum3A = arith.constant true
              %reduce_sum3A_365 = vector.broadcast %reduce_sum3A : i1 to vector<16xi1>
              %reduce_sum3A_366 = tpu.scan <sum>, %select_n3A_364 masked %reduce_sum3A_365 : vector<16xi32>, vector<16xi1> -> vector<16xi32>
              %reduce_sum3A_367 = vector.extract %reduce_sum3A_366[15] : i32 from vector<16xi32>
              %broadcast_in_dim3A_368 = vector.broadcast %reduce_sum3A_367 : i32 to vector<16xi32>
              %add3A_369 = arith.constant 0 : i32
              %add3A_370 = vector.broadcast %add3A_369 : i32 to vector<16xi32>
              %add3A_371 = arith.addi %iota3A, %add3A_370 : vector<16xi32>
              %gather3A = arith.constant 0 : i32
              %gather3A_372 = arith.constant 0 : i32
              %gather3A_373 = tpu.memref_slice %arg9[%while3A_222, %gather3A, %gather3A_372] : memref<2x64x512xf32, #tpu.memory_space<vmem>> -> memref<1x64x512xf32, #tpu.memory_space<vmem>>
              %gather3A_374 = tpu.memref_squeeze %gather3A_373 : memref<1x64x512xf32, #tpu.memory_space<vmem>> -> memref<64x512xf32, #tpu.memory_space<vmem>>
              %gather3A_375 = tpu.vector_load_idx %gather3A_374[%add3A_371, %broadcast_in_dim3A_368] : memref<64x512xf32, #tpu.memory_space<vmem>>[vector<16xi32>, vector<16xi32>], vector<16xf32>,
              %swap3A_376 = arith.constant 1 : i32
              %swap3A_377 = arith.index_cast %swap3A_376 : i32 to index
              %swap3A_378 = arith.index_cast %while3A_315 : i32 to index
              %swap3A_379 = arith.constant 0 : index
              %swap3A_380 = tpu.vector_load %arg12[%swap3A_377, %swap3A_378, %swap3A_379] {strides = array<i32>} : memref<2x32x128xf32, #tpu.memory_space<vmem>>, vector<16xf32>,
              tpu.vector_store %arg12[%swap3A_377, %swap3A_378, %swap3A_379], %gather3A_375 {strides = array<i32>} : memref<2x32x128xf32, #tpu.memory_space<vmem>>, vector<16xf32>,
              %add3A_381 = arith.constant 16 : i32
              %add3A_382 = vector.broadcast %add3A_381 : i32 to vector<16xi32>
              %add3A_383 = arith.addi %iota3A, %add3A_382 : vector<16xi32>
              %gather3A_384 = arith.constant 0 : i32
              %gather3A_385 = arith.constant 0 : i32
              %gather3A_386 = tpu.memref_slice %arg9[%while3A_222, %gather3A_384, %gather3A_385] : memref<2x64x512xf32, #tpu.memory_space<vmem>> -> memref<1x64x512xf32, #tpu.memory_space<vmem>>
              %gather3A_387 = tpu.memref_squeeze %gather3A_386 : memref<1x64x512xf32, #tpu.memory_space<vmem>> -> memref<64x512xf32, #tpu.memory_space<vmem>>
              %gather3A_388 = tpu.vector_load_idx %gather3A_387[%add3A_383, %broadcast_in_dim3A_368] : memref<64x512xf32, #tpu.memory_space<vmem>>[vector<16xi32>, vector<16xi32>], vector<16xf32>,
              %swap3A_389 = arith.constant 1 : i32
              %swap3A_390 = arith.index_cast %swap3A_389 : i32 to index
              %swap3A_391 = arith.index_cast %while3A_315 : i32 to index
              %swap3A_392 = arith.constant 16 : index
              %swap3A_393 = tpu.vector_load %arg12[%swap3A_390, %swap3A_391, %swap3A_392] {strides = array<i32>} : memref<2x32x128xf32, #tpu.memory_space<vmem>>, vector<16xf32>,
              tpu.vector_store %arg12[%swap3A_390, %swap3A_391, %swap3A_392], %gather3A_388 {strides = array<i32>} : memref<2x32x128xf32, #tpu.memory_space<vmem>>, vector<16xf32>,
              %add3A_394 = arith.constant 32 : i32
              %add3A_395 = vector.broadcast %add3A_394 : i32 to vector<16xi32>
              %add3A_396 = arith.addi %iota3A, %add3A_395 : vector<16xi32>
              %gather3A_397 = arith.constant 0 : i32
              %gather3A_398 = arith.constant 0 : i32
              %gather3A_399 = tpu.memref_slice %arg9[%while3A_222, %gather3A_397, %gather3A_398] : memref<2x64x512xf32, #tpu.memory_space<vmem>> -> memref<1x64x512xf32, #tpu.memory_space<vmem>>
              %gather3A_400 = tpu.memref_squeeze %gather3A_399 : memref<1x64x512xf32, #tpu.memory_space<vmem>> -> memref<64x512xf32, #tpu.memory_space<vmem>>
              %gather3A_401 = tpu.vector_load_idx %gather3A_400[%add3A_396, %broadcast_in_dim3A_368] : memref<64x512xf32, #tpu.memory_space<vmem>>[vector<16xi32>, vector<16xi32>], vector<16xf32>,
              %swap3A_402 = arith.constant 1 : i32
              %swap3A_403 = arith.index_cast %swap3A_402 : i32 to index
              %swap3A_404 = arith.index_cast %while3A_315 : i32 to index
              %swap3A_405 = arith.constant 32 : index
              %swap3A_406 = tpu.vector_load %arg12[%swap3A_403, %swap3A_404, %swap3A_405] {strides = array<i32>} : memref<2x32x128xf32, #tpu.memory_space<vmem>>, vector<16xf32>,
              tpu.vector_store %arg12[%swap3A_403, %swap3A_404, %swap3A_405], %gather3A_401 {strides = array<i32>} : memref<2x32x128xf32, #tpu.memory_space<vmem>>, vector<16xf32>,
              %add3A_407 = arith.constant 48 : i32
              %add3A_408 = vector.broadcast %add3A_407 : i32 to vector<16xi32>
              %add3A_409 = arith.addi %iota3A, %add3A_408 : vector<16xi32>
              %gather3A_410 = arith.constant 0 : i32
              %gather3A_411 = arith.constant 0 : i32
              %gather3A_412 = tpu.memref_slice %arg9[%while3A_222, %gather3A_410, %gather3A_411] : memref<2x64x512xf32, #tpu.memory_space<vmem>> -> memref<1x64x512xf32, #tpu.memory_space<vmem>>
              %gather3A_413 = tpu.memref_squeeze %gather3A_412 : memref<1x64x512xf32, #tpu.memory_space<vmem>> -> memref<64x512xf32, #tpu.memory_space<vmem>>
              %gather3A_414 = tpu.vector_load_idx %gather3A_413[%add3A_409, %broadcast_in_dim3A_368] : memref<64x512xf32, #tpu.memory_space<vmem>>[vector<16xi32>, vector<16xi32>], vector<16xf32>,
              %swap3A_415 = arith.constant 1 : i32
              %swap3A_416 = arith.index_cast %swap3A_415 : i32 to index
              %swap3A_417 = arith.index_cast %while3A_315 : i32 to index
              %swap3A_418 = arith.constant 48 : index
              %swap3A_419 = tpu.vector_load %arg12[%swap3A_416, %swap3A_417, %swap3A_418] {strides = array<i32>} : memref<2x32x128xf32, #tpu.memory_space<vmem>>, vector<16xf32>,
              tpu.vector_store %arg12[%swap3A_416, %swap3A_417, %swap3A_418], %gather3A_414 {strides = array<i32>} : memref<2x32x128xf32, #tpu.memory_space<vmem>>, vector<16xf32>,
            }
            %while3A_274 = arith.constant 1 : i32
            scf.for %while3A_315 = %while3A_272 to %while3A_268 step %while3A_274  : i32 {
              %jit3A_316 = arith.constant 16 : i32
              %div3A_317 = arith.divsi %while3A_315, %jit3A_316 : i32
              %sign3A_318 = arith.constant 0 : i32
              %sign3A_319 = arith.cmpi sgt, %while3A_315, %sign3A_318 : i32
              %sign3A_320 = arith.extui %sign3A_319 : i1 to i32
              %sign3A_321 = arith.constant 0 : i32
              %sign3A_322 = arith.cmpi slt, %while3A_315, %sign3A_321 : i32
              %sign3A_323 = arith.extui %sign3A_322 : i1 to i32
              %sign3A_324 = arith.subi %sign3A_320, %sign3A_323 : i32
              %sign3A_325 = arith.constant 0 : i32
              %sign3A_326 = arith.cmpi sgt, %jit3A_316, %sign3A_325 : i32
              %sign3A_327 = arith.extui %sign3A_326 : i1 to i32
              %sign3A_328 = arith.constant 0 : i32
              %sign3A_329 = arith.cmpi slt, %jit3A_316, %sign3A_328 : i32
              %sign3A_330 = arith.extui %sign3A_329 : i1 to i32
              %sign3A_331 = arith.subi %sign3A_327, %sign3A_330 : i32
              %ne3A_332 = arith.cmpi ne, %sign3A_324, %sign3A_331 : i32
              %rem3A_333 = arith.remsi %while3A_315, %jit3A_316 : i32
              %ne3A_334 = arith.constant 0 : i32
              %ne3A_335 = arith.cmpi ne, %rem3A_333, %ne3A_334 : i32
              %and3A_336 = arith.andi %ne3A_332, %ne3A_335 : i1
              %sub3A_337 = arith.constant 1 : i32
              %sub3A_338 = arith.subi %div3A_317, %sub3A_337 : i32
              %select_n3A_339 = arith.select %and3A_336, %sub3A_338, %div3A_317 : i32
              %mul3A_340 = arith.constant 16 : i32
              %mul3A_341 = arith.muli %select_n3A_339, %mul3A_340 : i32
              %get3A_342 = arith.index_cast %mul3A_341 : i32 to index
              %get3A_343 = tpu.vector_load %arg10[%get3A_342] {strides = array<i32>} : memref<32xi32, #tpu.memory_space<vmem>>, vector<16xi32>,
              %jit3A_344 = arith.constant 16 : i32
              %eq3A_345 = arith.constant 0 : i32
              %eq3A_346 = arith.cmpi eq, %jit3A_344, %eq3A_345 : i32
              %jit3A_347 = arith.constant 1 : i32
              %select_n3A_348 = arith.select %eq3A_346, %jit3A_347, %jit3A_344 : i32
              %rem3A_349 = arith.remsi %while3A_315, %select_n3A_348 : i32
              %ne3A_350 = arith.constant 0 : i32
              %ne3A_351 = arith.cmpi ne, %rem3A_349, %ne3A_350 : i32
              %lt3A_352 = arith.constant 0 : i32
              %lt3A_353 = arith.cmpi slt, %rem3A_349, %lt3A_352 : i32
              %lt3A_354 = arith.constant 0 : i32
              %lt3A_355 = arith.cmpi slt, %select_n3A_348, %lt3A_354 : i32
              %ne3A_356 = arith.xori %lt3A_353, %lt3A_355 : i1
              %and3A_357 = arith.andi %ne3A_356, %ne3A_351 : i1
              %add3A_358 = arith.addi %rem3A_349, %select_n3A_348 : i32
              %select_n3A_359 = arith.select %and3A_357, %add3A_358, %rem3A_349 : i32
              %eq3A_360 = vector.broadcast %select_n3A_359 : i32 to vector<16xi32>
              %eq3A_361 = arith.cmpi eq, %iota3A, %eq3A_360 : vector<16xi32>
              %jit3A_362 = arith.constant 0 : i32
              %broadcast_in_dim3A_363 = vector.broadcast %jit3A_362 : i32 to vector<16xi32>
              %select_n3A_364 = arith.select %eq3A_361, %get3A_343, %broadcast_in_dim3A_363 : vector<16xi1>, vector<16xi32>
              %reduce_sum3A = arith.constant true
              %reduce_sum3A_365 = vector.broadcast %reduce_sum3A : i1 to vector<16xi1>
              %reduce_sum3A_366 = tpu.scan <sum>, %select_n3A_364 masked %reduce_sum3A_365 : vector<16xi32>, vector<16xi1> -> vector<16xi32>
              %reduce_sum3A_367 = vector.extract %reduce_sum3A_366[15] : i32 from vector<16xi32>
              %broadcast_in_dim3A_368 = vector.broadcast %reduce_sum3A_367 : i32 to vector<16xi32>
              %add3A_369 = arith.constant 0 : i32
              %add3A_370 = vector.broadcast %add3A_369 : i32 to vector<16xi32>
              %add3A_371 = arith.addi %iota3A, %add3A_370 : vector<16xi32>
              %gather3A = arith.constant 0 : i32
              %gather3A_372 = arith.constant 0 : i32
              %gather3A_373 = tpu.memref_slice %arg9[%while3A_222, %gather3A, %gather3A_372] : memref<2x64x512xf32, #tpu.memory_space<vmem>> -> memref<1x64x512xf32, #tpu.memory_space<vmem>>
              %gather3A_374 = tpu.memref_squeeze %gather3A_373 : memref<1x64x512xf32, #tpu.memory_space<vmem>> -> memref<64x512xf32, #tpu.memory_space<vmem>>
              %gather3A_375 = tpu.vector_load_idx %gather3A_374[%add3A_371, %broadcast_in_dim3A_368] : memref<64x512xf32, #tpu.memory_space<vmem>>[vector<16xi32>, vector<16xi32>], vector<16xf32>,
              %swap3A_376 = arith.constant 1 : i32
              %swap3A_377 = arith.index_cast %swap3A_376 : i32 to index
              %swap3A_378 = arith.index_cast %while3A_315 : i32 to index
              %swap3A_379 = arith.constant 0 : index
              %swap3A_380 = tpu.vector_load %arg12[%swap3A_377, %swap3A_378, %swap3A_379] {strides = array<i32>} : memref<2x32x128xf32, #tpu.memory_space<vmem>>, vector<16xf32>,
              tpu.vector_store %arg12[%swap3A_377, %swap3A_378, %swap3A_379], %gather3A_375 {strides = array<i32>} : memref<2x32x128xf32, #tpu.memory_space<vmem>>, vector<16xf32>,
              %add3A_381 = arith.constant 16 : i32
              %add3A_382 = vector.broadcast %add3A_381 : i32 to vector<16xi32>
              %add3A_383 = arith.addi %iota3A, %add3A_382 : vector<16xi32>
              %gather3A_384 = arith.constant 0 : i32
              %gather3A_385 = arith.constant 0 : i32
              %gather3A_386 = tpu.memref_slice %arg9[%while3A_222, %gather3A_384, %gather3A_385] : memref<2x64x512xf32, #tpu.memory_space<vmem>> -> memref<1x64x512xf32, #tpu.memory_space<vmem>>
              %gather3A_387 = tpu.memref_squeeze %gather3A_386 : memref<1x64x512xf32, #tpu.memory_space<vmem>> -> memref<64x512xf32, #tpu.memory_space<vmem>>
              %gather3A_388 = tpu.vector_load_idx %gather3A_387[%add3A_383, %broadcast_in_dim3A_368] : memref<64x512xf32, #tpu.memory_space<vmem>>[vector<16xi32>, vector<16xi32>], vector<16xf32>,
              %swap3A_389 = arith.constant 1 : i32
              %swap3A_390 = arith.index_cast %swap3A_389 : i32 to index
              %swap3A_391 = arith.index_cast %while3A_315 : i32 to index
              %swap3A_392 = arith.constant 16 : index
              %swap3A_393 = tpu.vector_load %arg12[%swap3A_390, %swap3A_391, %swap3A_392] {strides = array<i32>} : memref<2x32x128xf32, #tpu.memory_space<vmem>>, vector<16xf32>,
              tpu.vector_store %arg12[%swap3A_390, %swap3A_391, %swap3A_392], %gather3A_388 {strides = array<i32>} : memref<2x32x128xf32, #tpu.memory_space<vmem>>, vector<16xf32>,
              %add3A_394 = arith.constant 32 : i32
              %add3A_395 = vector.broadcast %add3A_394 : i32 to vector<16xi32>
              %add3A_396 = arith.addi %iota3A, %add3A_395 : vector<16xi32>
              %gather3A_397 = arith.constant 0 : i32
              %gather3A_398 = arith.constant 0 : i32
              %gather3A_399 = tpu.memref_slice %arg9[%while3A_222, %gather3A_397, %gather3A_398] : memref<2x64x512xf32, #tpu.memory_space<vmem>> -> memref<1x64x512xf32, #tpu.memory_space<vmem>>
              %gather3A_400 = tpu.memref_squeeze %gather3A_399 : memref<1x64x512xf32, #tpu.memory_space<vmem>> -> memref<64x512xf32, #tpu.memory_space<vmem>>
              %gather3A_401 = tpu.vector_load_idx %gather3A_400[%add3A_396, %broadcast_in_dim3A_368] : memref<64x512xf32, #tpu.memory_space<vmem>>[vector<16xi32>, vector<16xi32>], vector<16xf32>,
              %swap3A_402 = arith.constant 1 : i32
              %swap3A_403 = arith.index_cast %swap3A_402 : i32 to index
              %swap3A_404 = arith.index_cast %while3A_315 : i32 to index
              %swap3A_405 = arith.constant 32 : index
              %swap3A_406 = tpu.vector_load %arg12[%swap3A_403, %swap3A_404, %swap3A_405] {strides = array<i32>} : memref<2x32x128xf32, #tpu.memory_space<vmem>>, vector<16xf32>,
              tpu.vector_store %arg12[%swap3A_403, %swap3A_404, %swap3A_405], %gather3A_401 {strides = array<i32>} : memref<2x32x128xf32, #tpu.memory_space<vmem>>, vector<16xf32>,
              %add3A_407 = arith.constant 48 : i32
              %add3A_408 = vector.broadcast %add3A_407 : i32 to vector<16xi32>
              %add3A_409 = arith.addi %iota3A, %add3A_408 : vector<16xi32>
              %gather3A_410 = arith.constant 0 : i32
              %gather3A_411 = arith.constant 0 : i32
              %gather3A_412 = tpu.memref_slice %arg9[%while3A_222, %gather3A_410, %gather3A_411] : memref<2x64x512xf32, #tpu.memory_space<vmem>> -> memref<1x64x512xf32, #tpu.memory_space<vmem>>
              %gather3A_413 = tpu.memref_squeeze %gather3A_412 : memref<1x64x512xf32, #tpu.memory_space<vmem>> -> memref<64x512xf32, #tpu.memory_space<vmem>>
              %gather3A_414 = tpu.vector_load_idx %gather3A_413[%add3A_409, %broadcast_in_dim3A_368] : memref<64x512xf32, #tpu.memory_space<vmem>>[vector<16xi32>, vector<16xi32>], vector<16xf32>,
              %swap3A_415 = arith.constant 1 : i32
              %swap3A_416 = arith.index_cast %swap3A_415 : i32 to index
              %swap3A_417 = arith.index_cast %while3A_315 : i32 to index
              %swap3A_418 = arith.constant 48 : index
              %swap3A_419 = tpu.vector_load %arg12[%swap3A_416, %swap3A_417, %swap3A_418] {strides = array<i32>} : memref<2x32x128xf32, #tpu.memory_space<vmem>>, vector<16xf32>,
              tpu.vector_store %arg12[%swap3A_416, %swap3A_417, %swap3A_418], %gather3A_414 {strides = array<i32>} : memref<2x32x128xf32, #tpu.memory_space<vmem>>, vector<16xf32>,
            }
            %add3A_275 = arith.constant 0 : i32
            %add3A_276 = vector.broadcast %add3A_275 : i32 to vector<16xi32>
            %add3A_277 = arith.addi %iota3A, %add3A_276 : vector<16xi32>
            %lt3A_278 = vector.broadcast %while3A_243 : i32 to vector<16xi32>
            %lt3A_279 = arith.cmpi slt, %add3A_277, %lt3A_278 : vector<16xi32>
            %get3A = arith.constant 0 : index
            %get3A_280 = tpu.vector_load %arg11[%get3A] {strides = array<i32>} : memref<32xi32, #tpu.memory_space<vmem>>, vector<16xi32>,
            %broadcast_in_dim3A_281 = vector.broadcast %add3A_2 : i32 to vector<16xi32>
            %select_n3A_282 = arith.select %lt3A_279, %get3A_280, %broadcast_in_dim3A_281 : vector<16xi1>, vector<16xi32>
            %swap3A_283 = arith.constant 1 : i32
            %swap3A_284 = arith.index_cast %swap3A_283 : i32 to index
            %swap3A_285 = arith.constant 0 : index
            %swap3A_286 = tpu.vector_load %arg13[%swap3A_284, %swap3A_285] {strides = array<i32>} : memref<2x32xi32, #tpu.memory_space<vmem>>, vector<16xi32>,
            tpu.vector_store %arg13[%swap3A_284, %swap3A_285], %select_n3A_282 {strides = array<i32>} : memref<2x32xi32, #tpu.memory_space<vmem>>, vector<16xi32>,
            %add3A_287 = arith.constant 16 : i32
            %add3A_288 = vector.broadcast %add3A_287 : i32 to vector<16xi32>
            %add3A_289 = arith.addi %iota3A, %add3A_288 : vector<16xi32>
            %lt3A_290 = vector.broadcast %while3A_243 : i32 to vector<16xi32>
            %lt3A_291 = arith.cmpi slt, %add3A_289, %lt3A_290 : vector<16xi32>
            %get3A_292 = arith.constant 16 : index
            %get3A_293 = tpu.vector_load %arg11[%get3A_292] {strides = array<i32>} : memref<32xi32, #tpu.memory_space<vmem>>, vector<16xi32>,
            %broadcast_in_dim3A_294 = vector.broadcast %add3A_2 : i32 to vector<16xi32>
            %select_n3A_295 = arith.select %lt3A_291, %get3A_293, %broadcast_in_dim3A_294 : vector<16xi1>, vector<16xi32>
            %swap3A_296 = arith.constant 1 : i32
            %swap3A_297 = arith.index_cast %swap3A_296 : i32 to index
            %swap3A_298 = arith.constant 16 : index
            %swap3A_299 = tpu.vector_load %arg13[%swap3A_297, %swap3A_298] {strides = array<i32>} : memref<2x32xi32, #tpu.memory_space<vmem>>, vector<16xi32>,
            tpu.vector_store %arg13[%swap3A_297, %swap3A_298], %select_n3A_295 {strides = array<i32>} : memref<2x32xi32, #tpu.memory_space<vmem>>, vector<16xi32>,
            %dma_start3A_300 = arith.constant 1 : i32
            %dma_start3A_301 = arith.constant 1 : i32
            %dma_start3A_302 = arith.constant 1 : i32
            %dma_start3A_303 = arith.constant 0 : i32
            %dma_start3A_304 = arith.constant 0 : i32
            %dma_start3A_305 = tpu.memref_slice %arg12[%dma_start3A_300, %dma_start3A_303, %dma_start3A_304] : memref<2x32x128xf32, #tpu.memory_space<vmem>> -> memref<1x32x128xf32, #tpu.memory_space<vmem>>
            %dma_start3A_306 = tpu.memref_squeeze %dma_start3A_305 : memref<1x32x128xf32, #tpu.memory_space<vmem>> -> memref<32x128xf32, #tpu.memory_space<vmem>>
            %dma_start3A_307 = arith.constant 0 : i32
            %dma_start3A_308 = tpu.memref_slice %arg13[%dma_start3A_301, %dma_start3A_307] : memref<2x32xi32, #tpu.memory_space<vmem>> -> memref<1x32xi32, #tpu.memory_space<vmem>>
            %dma_start3A_309 = tpu.memref_squeeze %dma_start3A_308 : memref<1x32xi32, #tpu.memory_space<vmem>> -> memref<32xi32, #tpu.memory_space<vmem>>
            %dma_start3A_310 = arith.constant 0 : i32
            %dma_start3A_311 = arith.constant 0 : i32
            %dma_start3A_312 = tpu.memref_slice %arg5[%dma_start3A_310, %dma_start3A_311] : memref<16416x128xf32, #tpu.memory_space<hbm>> -> memref<16416x128xf32, #tpu.memory_space<hbm>>
            %dma_start3A_313 = tpu.memref_slice %arg17[%dma_start3A_302] : memref<2x!tpu.dma_semaphore, #tpu.memory_space<semaphore_mem>> -> memref<1x!tpu.dma_semaphore, #tpu.memory_space<semaphore_mem>>
            %dma_start3A_314 = tpu.memref_squeeze %dma_start3A_313 : memref<1x!tpu.dma_semaphore, #tpu.memory_space<semaphore_mem>> -> memref<!tpu.dma_semaphore, #tpu.memory_space<semaphore_mem>>
            tpu.enqueue_indirect_dma source(%dma_start3A_306 : memref<32x128xf32, #tpu.memory_space<vmem>>) target(%dma_start3A_312 : memref<16416x128xf32, #tpu.memory_space<hbm>>) offsets(%dma_start3A_309 : memref<32xi32, #tpu.memory_space<vmem>>) semaphore(%dma_start3A_314 : memref<!tpu.dma_semaphore, #tpu.memory_space<semaphore_mem>>)
          } else {
          }
          %ge3A = arith.constant 16 : i32
          %ge3A_249 = arith.cmpi sge, %while3A_243, %ge3A : i32
          scf.yield %ge3A_249 : i1
        }
        %add3A_225 = arith.constant 2 : i32
        %add3A_226 = arith.addi %add3A_194, %add3A_225 : i32
        %lt3A_227 = arith.cmpi slt, %add3A_226, %min3A : i32
        %convert_element_type3A_228 = arith.extui %lt3A_227 : i1 to i32
        %cond3A_229 = arith.constant 0 : i32
        %cond3A_230 = arith.cmpi ne, %convert_element_type3A_228, %cond3A_229 : i32
        scf.if %cond3A_230 {
          %add3A_231 = arith.constant 2 : i32
          %add3A_232 = arith.addi %add3A_194, %add3A_231 : i32
          %mul3A_233 = arith.constant 32768 : i32
          %mul3A_234 = arith.muli %add3A, %mul3A_233 : i32
          %mul3A_235 = arith.constant 512 : i32
          %mul3A_236 = arith.muli %add3A_232, %mul3A_235 : i32
          %add3A_237 = arith.addi %mul3A_234, %mul3A_236 : i32
          %multiple_of3A = tpu.assume_multiple %add3A_237, 128 : i32
          %dma_start3A_238 = arith.constant 1 : i32
          %dma_start3A_239 = arith.constant 1 : i32
          %dma_start3A_240 = arith.constant 0 : i32
          %dma_start3A_241 = arith.constant 0 : i32
          %dma_start3A_242 = tpu.memref_slice %arg9[%dma_start3A_238, %dma_start3A_240, %dma_start3A_241] : memref<2x64x512xf32, #tpu.memory_space<vmem>> -> memref<1x64x512xf32, #tpu.memory_space<vmem>>
          %dma_start3A_243 = tpu.memref_squeeze %dma_start3A_242 : memref<1x64x512xf32, #tpu.memory_space<vmem>> -> memref<64x512xf32, #tpu.memory_space<vmem>>
          %dma_start3A_244 = arith.constant 0 : i32
          %dma_start3A_245 = tpu.memref_slice %arg2[%dma_start3A_244, %multiple_of3A] : memref<64x1000001xf32, #tpu.memory_space<hbm>> -> memref<64x512xf32, #tpu.memory_space<hbm>>
          %dma_start3A_246 = tpu.memref_slice %arg16[%dma_start3A_239] : memref<2x!tpu.dma_semaphore, #tpu.memory_space<semaphore_mem>> -> memref<1x!tpu.dma_semaphore, #tpu.memory_space<semaphore_mem>>
          %dma_start3A_247 = tpu.memref_squeeze %dma_start3A_246 : memref<1x!tpu.dma_semaphore, #tpu.memory_space<semaphore_mem>> -> memref<!tpu.dma_semaphore, #tpu.memory_space<semaphore_mem>>
          %dma_start3A_248 = arith.constant 0 : i32
          %dma_start3A_249 = arith.constant 0 : i32
          %dma_start3A_250 = tpu.memref_slice %arg9[%dma_start3A_238, %dma_start3A_248, %dma_start3A_249] : memref<2x64x512xf32, #tpu.memory_space<vmem>> -> memref<1x64x512xf32, #tpu.memory_space<vmem>>
          %dma_start3A_251 = tpu.memref_squeeze %dma_start3A_250 : memref<1x64x512xf32, #tpu.memory_space<vmem>> -> memref<64x512xf32, #tpu.memory_space<vmem>>
          %dma_start3A_252 = arith.constant 0 : i32
          %dma_start3A_253 = tpu.memref_slice %arg2[%dma_start3A_252, %multiple_of3A] : memref<64x1000001xf32, #tpu.memory_space<hbm>> -> memref<64x512xf32, #tpu.memory_space<hbm>>
          tpu.enqueue_dma source(%dma_start3A_253 : memref<64x512xf32, #tpu.memory_space<hbm>>) target(%dma_start3A_251 : memref<64x512xf32, #tpu.memory_space<vmem>>) target_semaphore(%dma_start3A_247 : memref<!tpu.dma_semaphore, #tpu.memory_space<semaphore_mem>>)
        } else {
        }
      } else {
      }
    }
    %eq3A = arith.constant 30 : i32
    %eq3A_150 = arith.cmpi eq, %add3A, %eq3A : i32
    %convert_element_type3A_151 = arith.extui %eq3A_150 : i1 to i32
    %cond3A_152 = arith.constant 0 : i32
    %cond3A_153 = arith.cmpi ne, %convert_element_type3A_151, %cond3A_152 : i32
    scf.if %cond3A_153 {
      %run_scoped3A = arith.constant 1 : i32
      "tpu.region"() ({
        %run_scoped3A_187 = tpu.sem_alloc : memref<!tpu.dma_semaphore, #tpu.memory_space<semaphore_mem>>
        %dma_start3A_188 = arith.constant 0 : i32
        %dma_start3A_189 = arith.constant 0 : i32
        %dma_start3A_190 = tpu.memref_slice %arg9[%run_scoped3A, %dma_start3A_188, %dma_start3A_189] : memref<2x64x512xf32, #tpu.memory_space<vmem>> -> memref<1x64x512xf32, #tpu.memory_space<vmem>>
        %dma_start3A_191 = tpu.memref_squeeze %dma_start3A_190 : memref<1x64x512xf32, #tpu.memory_space<vmem>> -> memref<64x512xf32, #tpu.memory_space<vmem>>
        %dma_start3A_192 = arith.constant 0 : i32
        %dma_start3A_193 = arith.constant 0 : i32
        %dma_start3A_194 = tpu.memref_slice %arg9[%run_scoped3A, %dma_start3A_192, %dma_start3A_193] : memref<2x64x512xf32, #tpu.memory_space<vmem>> -> memref<1x64x512xf32, #tpu.memory_space<vmem>>
        %dma_start3A_195 = tpu.memref_squeeze %dma_start3A_194 : memref<1x64x512xf32, #tpu.memory_space<vmem>> -> memref<64x512xf32, #tpu.memory_space<vmem>>
        tpu.enqueue_dma source(%arg3 : memref<64x512xf32, #tpu.memory_space<hbm>>) target(%dma_start3A_195 : memref<64x512xf32, #tpu.memory_space<vmem>>) target_semaphore(%run_scoped3A_187 : memref<!tpu.dma_semaphore, #tpu.memory_space<semaphore_mem>>)
        %dma_wait3A_196 = arith.constant 0 : i32
        %dma_wait3A_197 = arith.constant 0 : i32
        %dma_wait3A_198 = tpu.memref_slice %arg9[%run_scoped3A, %dma_wait3A_196, %dma_wait3A_197] : memref<2x64x512xf32, #tpu.memory_space<vmem>> -> memref<1x64x512xf32, #tpu.memory_space<vmem>>
        %dma_wait3A_199 = tpu.memref_squeeze %dma_wait3A_198 : memref<1x64x512xf32, #tpu.memory_space<vmem>> -> memref<64x512xf32, #tpu.memory_space<vmem>>
        %dma_wait3A_200 = arith.constant 0 : i32
        %dma_wait3A_201 = arith.constant 0 : i32
        %dma_wait3A_202 = tpu.memref_slice %arg9[%run_scoped3A, %dma_wait3A_200, %dma_wait3A_201] : memref<2x64x512xf32, #tpu.memory_space<vmem>> -> memref<1x64x512xf32, #tpu.memory_space<vmem>>
        %dma_wait3A_203 = tpu.memref_squeeze %dma_wait3A_202 : memref<1x64x512xf32, #tpu.memory_space<vmem>> -> memref<64x512xf32, #tpu.memory_space<vmem>>
        tpu.wait_dma2 semaphore(%run_scoped3A_187 : memref<!tpu.dma_semaphore, #tpu.memory_space<semaphore_mem>>) src(%arg3 : memref<64x512xf32, #tpu.memory_space<hbm>>) dst(%dma_wait3A_203 : memref<64x512xf32, #tpu.memory_space<vmem>>)
        tpu.yield
      }) : () -> ()
      %while3A_183 = arith.constant 999936 : i32
      %while3A_184 = arith.constant 1 : i32
      %while3A_185 = arith.constant true
      %while3A_186 = scf.while (%while3A_187 = %while3A_185) : (i1) -> i1 {
        scf.condition(%while3A_187) %while3A_187 : i1
      } do {
      ^bb0(%while3A_187: i1):
        %while3A_188 = arith.constant 0 : i32
        %while3A_189 = arith.constant 0 : i32
        %while3A_190 = arith.subi %select_n3A, %while3A_188 : i32
        %while3A_191 = arith.addi %while3A_188, %while3A_190 : i32
        %while3A_192 = arith.constant 1 : i32
        %while3A_193 = arith.divsi %while3A_190, %while3A_192 : i32
        %while3A_194 = arith.muli %while3A_193, %while3A_192 : i32
        %while3A_195 = arith.addi %while3A_188, %while3A_194 : i32
        %while3A_196 = arith.constant 1 : i32
        %while3A_197 = scf.for %while3A_206 = %while3A_188 to %while3A_195 step %while3A_196 iter_args(%while3A_207 = %while3A_189) -> (i32)  : i32 {
          %mul3A_208 = arith.constant 16 : i32
          %mul3A_209 = arith.muli %while3A_206, %mul3A_208 : i32
          %get3A = arith.index_cast %mul3A_209 : i32 to index
          %get3A_210 = tpu.vector_load %arg7[%get3A] {strides = array<i32>} : memref<16400xi32, #tpu.memory_space<vmem>>, vector<16xi32>,
          %ge3A_211 = vector.broadcast %while3A_183 : i32 to vector<16xi32>
          %ge3A_212 = arith.cmpi sge, %get3A_210, %ge3A_211 : vector<16xi32>
          %add3A_213 = arith.constant 64 : i32
          %add3A_214 = arith.addi %while3A_183, %add3A_213 : i32
          %lt3A = vector.broadcast %add3A_214 : i32 to vector<16xi32>
          %lt3A_215 = arith.cmpi slt, %get3A_210, %lt3A : vector<16xi32>
          %and3A_216 = arith.andi %ge3A_212, %lt3A_215 : vector<16xi1>
          %convert_element_type3A_217 = arith.extui %and3A_216 : vector<16xi1> to vector<16xi32>
          %reduce_sum3A = arith.constant true
          %reduce_sum3A_218 = vector.broadcast %reduce_sum3A : i1 to vector<16xi1>
          %reduce_sum3A_219 = tpu.scan <sum>, %convert_element_type3A_217 masked %reduce_sum3A_218 : vector<16xi32>, vector<16xi1> -> vector<16xi32>
          %reduce_sum3A_220 = vector.extract %reduce_sum3A_219[15] : i32 from vector<16xi32>
          %gt3A_221 = arith.constant 0 : i32
          %gt3A_222 = arith.cmpi sgt, %reduce_sum3A_220, %gt3A_221 : i32
          %lt3A_223 = arith.constant 16 : i32
          %lt3A_224 = arith.cmpi slt, %while3A_207, %lt3A_223 : i32
          %and3A_225 = arith.andi %gt3A_222, %lt3A_224 : i1
          %convert_element_type3A_226 = arith.extui %and3A_225 : i1 to i32
          %cond3A_227 = arith.constant 0 : i32
          %cond3A_228 = arith.cmpi ne, %convert_element_type3A_226, %cond3A_227 : i32
          scf.if %cond3A_228 {
            %mul3A_232 = arith.constant 16 : i32
            %mul3A_233 = arith.muli %while3A_206, %mul3A_232 : i32
            %get3A_234 = arith.index_cast %mul3A_233 : i32 to index
            %get3A_235 = tpu.vector_load %arg8[%get3A_234] {strides = array<i32>} : memref<16384xi32, #tpu.memory_space<vmem>>, vector<16xi32>,
            %sub3A_236 = vector.broadcast %while3A_183 : i32 to vector<16xi32>
            %sub3A_237 = arith.subi %get3A_210, %sub3A_236 : vector<16xi32>
            %swap3A_238 = arith.constant 0 : index
            %swap3A_239 = tpu.vector_load %arg14[%swap3A_238] masked %and3A_216 {strides = array<i32>} : memref<16xi32, #tpu.memory_space<vmem>>, vector<16xi32>, vector<16xi1>
            tpu.vector_store %arg14[%swap3A_238], %sub3A_237 masked %and3A_216 {strides = array<i32>} : memref<16xi32, #tpu.memory_space<vmem>>, vector<16xi32>, vector<16xi1>
            %swap3A_240 = arith.constant 0 : index
            %swap3A_241 = tpu.vector_load %arg15[%swap3A_240] masked %and3A_216 {strides = array<i32>} : memref<16xi32, #tpu.memory_space<vmem>>, vector<16xi32>, vector<16xi1>
            tpu.vector_store %arg15[%swap3A_240], %get3A_235 masked %and3A_216 {strides = array<i32>} : memref<16xi32, #tpu.memory_space<vmem>>, vector<16xi32>, vector<16xi1>
            %get3A_242 = arith.constant 0 : index
            %get3A_243 = tpu.vector_load %arg14[%get3A_242] {strides = array<i32>} : memref<16xi32, #tpu.memory_space<vmem>>, vector<16xi32>,
            %swap3A_244 = arith.index_cast %while3A_207 : i32 to index
            %swap3A_245 = tpu.vector_load %arg10[%swap3A_244] {strides = array<i32>} : memref<32xi32, #tpu.memory_space<vmem>>, vector<16xi32>,
            tpu.vector_store %arg10[%swap3A_244], %get3A_243 {strides = array<i32>} : memref<32xi32, #tpu.memory_space<vmem>>, vector<16xi32>,
            %get3A_246 = arith.constant 0 : index
            %get3A_247 = tpu.vector_load %arg15[%get3A_246] {strides = array<i32>} : memref<16xi32, #tpu.memory_space<vmem>>, vector<16xi32>,
            %swap3A_248 = arith.index_cast %while3A_207 : i32 to index
            %swap3A_249 = tpu.vector_load %arg11[%swap3A_248] {strides = array<i32>} : memref<32xi32, #tpu.memory_space<vmem>>, vector<16xi32>,
            tpu.vector_store %arg11[%swap3A_248], %get3A_247 {strides = array<i32>} : memref<32xi32, #tpu.memory_space<vmem>>, vector<16xi32>,
            %jit3A_250 = arith.constant 2147483632 : i32
            %broadcast_in_dim3A_251 = vector.broadcast %jit3A_250 : i32 to vector<16xi32>
            %select_n3A_252 = arith.select %and3A_216, %broadcast_in_dim3A_251, %get3A_210 : vector<16xi1>, vector<16xi32>
            %mul3A_253 = arith.constant 16 : i32
            %mul3A_254 = arith.muli %while3A_206, %mul3A_253 : i32
            %swap3A_255 = arith.index_cast %mul3A_254 : i32 to index
            %swap3A_256 = tpu.vector_load %arg7[%swap3A_255] {strides = array<i32>} : memref<16400xi32, #tpu.memory_space<vmem>>, vector<16xi32>,
            tpu.vector_store %arg7[%swap3A_255], %select_n3A_252 {strides = array<i32>} : memref<16400xi32, #tpu.memory_space<vmem>>, vector<16xi32>,
          } else {
          }
          %jit3A_229 = arith.constant 0 : i32
          %select_n3A_230 = arith.select %and3A_225, %reduce_sum3A_220, %jit3A_229 : i32
          %add3A_231 = arith.addi %while3A_207, %select_n3A_230 : i32
          scf.yield %add3A_231 : i32
        }
        %while3A_198 = arith.constant 1 : i32
        %while3A_199 = scf.for %while3A_206 = %while3A_195 to %while3A_191 step %while3A_198 iter_args(%while3A_207 = %while3A_197) -> (i32)  : i32 {
          %mul3A_208 = arith.constant 16 : i32
          %mul3A_209 = arith.muli %while3A_206, %mul3A_208 : i32
          %get3A = arith.index_cast %mul3A_209 : i32 to index
          %get3A_210 = tpu.vector_load %arg7[%get3A] {strides = array<i32>} : memref<16400xi32, #tpu.memory_space<vmem>>, vector<16xi32>,
          %ge3A_211 = vector.broadcast %while3A_183 : i32 to vector<16xi32>
          %ge3A_212 = arith.cmpi sge, %get3A_210, %ge3A_211 : vector<16xi32>
          %add3A_213 = arith.constant 64 : i32
          %add3A_214 = arith.addi %while3A_183, %add3A_213 : i32
          %lt3A = vector.broadcast %add3A_214 : i32 to vector<16xi32>
          %lt3A_215 = arith.cmpi slt, %get3A_210, %lt3A : vector<16xi32>
          %and3A_216 = arith.andi %ge3A_212, %lt3A_215 : vector<16xi1>
          %convert_element_type3A_217 = arith.extui %and3A_216 : vector<16xi1> to vector<16xi32>
          %reduce_sum3A = arith.constant true
          %reduce_sum3A_218 = vector.broadcast %reduce_sum3A : i1 to vector<16xi1>
          %reduce_sum3A_219 = tpu.scan <sum>, %convert_element_type3A_217 masked %reduce_sum3A_218 : vector<16xi32>, vector<16xi1> -> vector<16xi32>
          %reduce_sum3A_220 = vector.extract %reduce_sum3A_219[15] : i32 from vector<16xi32>
          %gt3A_221 = arith.constant 0 : i32
          %gt3A_222 = arith.cmpi sgt, %reduce_sum3A_220, %gt3A_221 : i32
          %lt3A_223 = arith.constant 16 : i32
          %lt3A_224 = arith.cmpi slt, %while3A_207, %lt3A_223 : i32
          %and3A_225 = arith.andi %gt3A_222, %lt3A_224 : i1
          %convert_element_type3A_226 = arith.extui %and3A_225 : i1 to i32
          %cond3A_227 = arith.constant 0 : i32
          %cond3A_228 = arith.cmpi ne, %convert_element_type3A_226, %cond3A_227 : i32
          scf.if %cond3A_228 {
            %mul3A_232 = arith.constant 16 : i32
            %mul3A_233 = arith.muli %while3A_206, %mul3A_232 : i32
            %get3A_234 = arith.index_cast %mul3A_233 : i32 to index
            %get3A_235 = tpu.vector_load %arg8[%get3A_234] {strides = array<i32>} : memref<16384xi32, #tpu.memory_space<vmem>>, vector<16xi32>,
            %sub3A_236 = vector.broadcast %while3A_183 : i32 to vector<16xi32>
            %sub3A_237 = arith.subi %get3A_210, %sub3A_236 : vector<16xi32>
            %swap3A_238 = arith.constant 0 : index
            %swap3A_239 = tpu.vector_load %arg14[%swap3A_238] masked %and3A_216 {strides = array<i32>} : memref<16xi32, #tpu.memory_space<vmem>>, vector<16xi32>, vector<16xi1>
            tpu.vector_store %arg14[%swap3A_238], %sub3A_237 masked %and3A_216 {strides = array<i32>} : memref<16xi32, #tpu.memory_space<vmem>>, vector<16xi32>, vector<16xi1>
            %swap3A_240 = arith.constant 0 : index
            %swap3A_241 = tpu.vector_load %arg15[%swap3A_240] masked %and3A_216 {strides = array<i32>} : memref<16xi32, #tpu.memory_space<vmem>>, vector<16xi32>, vector<16xi1>
            tpu.vector_store %arg15[%swap3A_240], %get3A_235 masked %and3A_216 {strides = array<i32>} : memref<16xi32, #tpu.memory_space<vmem>>, vector<16xi32>, vector<16xi1>
            %get3A_242 = arith.constant 0 : index
            %get3A_243 = tpu.vector_load %arg14[%get3A_242] {strides = array<i32>} : memref<16xi32, #tpu.memory_space<vmem>>, vector<16xi32>,
            %swap3A_244 = arith.index_cast %while3A_207 : i32 to index
            %swap3A_245 = tpu.vector_load %arg10[%swap3A_244] {strides = array<i32>} : memref<32xi32, #tpu.memory_space<vmem>>, vector<16xi32>,
            tpu.vector_store %arg10[%swap3A_244], %get3A_243 {strides = array<i32>} : memref<32xi32, #tpu.memory_space<vmem>>, vector<16xi32>,
            %get3A_246 = arith.constant 0 : index
            %get3A_247 = tpu.vector_load %arg15[%get3A_246] {strides = array<i32>} : memref<16xi32, #tpu.memory_space<vmem>>, vector<16xi32>,
            %swap3A_248 = arith.index_cast %while3A_207 : i32 to index
            %swap3A_249 = tpu.vector_load %arg11[%swap3A_248] {strides = array<i32>} : memref<32xi32, #tpu.memory_space<vmem>>, vector<16xi32>,
            tpu.vector_store %arg11[%swap3A_248], %get3A_247 {strides = array<i32>} : memref<32xi32, #tpu.memory_space<vmem>>, vector<16xi32>,
            %jit3A_250 = arith.constant 2147483632 : i32
            %broadcast_in_dim3A_251 = vector.broadcast %jit3A_250 : i32 to vector<16xi32>
            %select_n3A_252 = arith.select %and3A_216, %broadcast_in_dim3A_251, %get3A_210 : vector<16xi1>, vector<16xi32>
            %mul3A_253 = arith.constant 16 : i32
            %mul3A_254 = arith.muli %while3A_206, %mul3A_253 : i32
            %swap3A_255 = arith.index_cast %mul3A_254 : i32 to index
            %swap3A_256 = tpu.vector_load %arg7[%swap3A_255] {strides = array<i32>} : memref<16400xi32, #tpu.memory_space<vmem>>, vector<16xi32>,
            tpu.vector_store %arg7[%swap3A_255], %select_n3A_252 {strides = array<i32>} : memref<16400xi32, #tpu.memory_space<vmem>>, vector<16xi32>,
          } else {
          }
          %jit3A_229 = arith.constant 0 : i32
          %select_n3A_230 = arith.select %and3A_225, %reduce_sum3A_220, %jit3A_229 : i32
          %add3A_231 = arith.addi %while3A_207, %select_n3A_230 : i32
          scf.yield %add3A_231 : i32
        }
        %gt3A_200 = arith.constant 0 : i32
        %gt3A_201 = arith.cmpi sgt, %while3A_199, %gt3A_200 : i32
        %convert_element_type3A_202 = arith.extui %gt3A_201 : i1 to i32
        %cond3A_203 = arith.constant 0 : i32
        %cond3A_204 = arith.cmpi ne, %convert_element_type3A_202, %cond3A_203 : i32
        scf.if %cond3A_204 {
          %dma_wait3A_206 = arith.constant 1 : i32
          %dma_wait3A_207 = arith.constant 1 : i32
          %dma_wait3A_208 = arith.constant 1 : i32
          %dma_wait3A_209 = arith.constant 0 : i32
          %dma_wait3A_210 = arith.constant 0 : i32
          %dma_wait3A_211 = tpu.memref_slice %arg12[%dma_wait3A_206, %dma_wait3A_209, %dma_wait3A_210] : memref<2x32x128xf32, #tpu.memory_space<vmem>> -> memref<1x32x128xf32, #tpu.memory_space<vmem>>
          %dma_wait3A_212 = tpu.memref_squeeze %dma_wait3A_211 : memref<1x32x128xf32, #tpu.memory_space<vmem>> -> memref<32x128xf32, #tpu.memory_space<vmem>>
          %dma_wait3A_213 = arith.constant 0 : i32
          %dma_wait3A_214 = tpu.memref_slice %arg13[%dma_wait3A_207, %dma_wait3A_213] : memref<2x32xi32, #tpu.memory_space<vmem>> -> memref<1x32xi32, #tpu.memory_space<vmem>>
          %dma_wait3A_215 = tpu.memref_squeeze %dma_wait3A_214 : memref<1x32xi32, #tpu.memory_space<vmem>> -> memref<32xi32, #tpu.memory_space<vmem>>
          %dma_wait3A_216 = arith.constant 0 : i32
          %dma_wait3A_217 = arith.constant 0 : i32
          %dma_wait3A_218 = tpu.memref_slice %arg5[%dma_wait3A_216, %dma_wait3A_217] : memref<16416x128xf32, #tpu.memory_space<hbm>> -> memref<16416x128xf32, #tpu.memory_space<hbm>>
          %dma_wait3A_219 = tpu.memref_slice %arg17[%dma_wait3A_208] : memref<2x!tpu.dma_semaphore, #tpu.memory_space<semaphore_mem>> -> memref<1x!tpu.dma_semaphore, #tpu.memory_space<semaphore_mem>>
          %dma_wait3A_220 = tpu.memref_squeeze %dma_wait3A_219 : memref<1x!tpu.dma_semaphore, #tpu.memory_space<semaphore_mem>> -> memref<!tpu.dma_semaphore, #tpu.memory_space<semaphore_mem>>
          tpu.wait_indirect_dma semaphore(%dma_wait3A_220 : memref<!tpu.dma_semaphore, #tpu.memory_space<semaphore_mem>>) src(%dma_wait3A_212 : memref<32x128xf32, #tpu.memory_space<vmem>>) dst(%dma_wait3A_218 : memref<16416x128xf32, #tpu.memory_space<hbm>>)
          %while3A_221 = arith.constant 0 : i32
          %while3A_222 = arith.constant 0 : i32
          %while3A_223 = arith.subi %while3A_199, %while3A_222 : i32
          %while3A_224 = arith.addi %while3A_222, %while3A_223 : i32
          %while3A_225 = arith.constant 1 : i32
          %while3A_226 = arith.divsi %while3A_223, %while3A_225 : i32
          %while3A_227 = arith.muli %while3A_226, %while3A_225 : i32
          %while3A_228 = arith.addi %while3A_222, %while3A_227 : i32
          %while3A_229 = arith.constant 1 : i32
          scf.for %while3A_270 = %while3A_222 to %while3A_228 step %while3A_229  : i32 {
            %jit3A_271 = arith.constant 16 : i32
            %div3A_272 = arith.divsi %while3A_270, %jit3A_271 : i32
            %sign3A_273 = arith.constant 0 : i32
            %sign3A_274 = arith.cmpi sgt, %while3A_270, %sign3A_273 : i32
            %sign3A_275 = arith.extui %sign3A_274 : i1 to i32
            %sign3A_276 = arith.constant 0 : i32
            %sign3A_277 = arith.cmpi slt, %while3A_270, %sign3A_276 : i32
            %sign3A_278 = arith.extui %sign3A_277 : i1 to i32
            %sign3A_279 = arith.subi %sign3A_275, %sign3A_278 : i32
            %sign3A_280 = arith.constant 0 : i32
            %sign3A_281 = arith.cmpi sgt, %jit3A_271, %sign3A_280 : i32
            %sign3A_282 = arith.extui %sign3A_281 : i1 to i32
            %sign3A_283 = arith.constant 0 : i32
            %sign3A_284 = arith.cmpi slt, %jit3A_271, %sign3A_283 : i32
            %sign3A_285 = arith.extui %sign3A_284 : i1 to i32
            %sign3A_286 = arith.subi %sign3A_282, %sign3A_285 : i32
            %ne3A_287 = arith.cmpi ne, %sign3A_279, %sign3A_286 : i32
            %rem3A_288 = arith.remsi %while3A_270, %jit3A_271 : i32
            %ne3A_289 = arith.constant 0 : i32
            %ne3A_290 = arith.cmpi ne, %rem3A_288, %ne3A_289 : i32
            %and3A_291 = arith.andi %ne3A_287, %ne3A_290 : i1
            %sub3A_292 = arith.constant 1 : i32
            %sub3A_293 = arith.subi %div3A_272, %sub3A_292 : i32
            %select_n3A_294 = arith.select %and3A_291, %sub3A_293, %div3A_272 : i32
            %mul3A_295 = arith.constant 16 : i32
            %mul3A_296 = arith.muli %select_n3A_294, %mul3A_295 : i32
            %get3A_297 = arith.index_cast %mul3A_296 : i32 to index
            %get3A_298 = tpu.vector_load %arg10[%get3A_297] {strides = array<i32>} : memref<32xi32, #tpu.memory_space<vmem>>, vector<16xi32>,
            %jit3A_299 = arith.constant 16 : i32
            %eq3A_300 = arith.constant 0 : i32
            %eq3A_301 = arith.cmpi eq, %jit3A_299, %eq3A_300 : i32
            %jit3A_302 = arith.constant 1 : i32
            %select_n3A_303 = arith.select %eq3A_301, %jit3A_302, %jit3A_299 : i32
            %rem3A_304 = arith.remsi %while3A_270, %select_n3A_303 : i32
            %ne3A_305 = arith.constant 0 : i32
            %ne3A_306 = arith.cmpi ne, %rem3A_304, %ne3A_305 : i32
            %lt3A_307 = arith.constant 0 : i32
            %lt3A_308 = arith.cmpi slt, %rem3A_304, %lt3A_307 : i32
            %lt3A_309 = arith.constant 0 : i32
            %lt3A_310 = arith.cmpi slt, %select_n3A_303, %lt3A_309 : i32
            %ne3A_311 = arith.xori %lt3A_308, %lt3A_310 : i1
            %and3A_312 = arith.andi %ne3A_311, %ne3A_306 : i1
            %add3A_313 = arith.addi %rem3A_304, %select_n3A_303 : i32
            %select_n3A_314 = arith.select %and3A_312, %add3A_313, %rem3A_304 : i32
            %eq3A_315 = vector.broadcast %select_n3A_314 : i32 to vector<16xi32>
            %eq3A_316 = arith.cmpi eq, %iota3A, %eq3A_315 : vector<16xi32>
            %jit3A_317 = arith.constant 0 : i32
            %broadcast_in_dim3A_318 = vector.broadcast %jit3A_317 : i32 to vector<16xi32>
            %select_n3A_319 = arith.select %eq3A_316, %get3A_298, %broadcast_in_dim3A_318 : vector<16xi1>, vector<16xi32>
            %reduce_sum3A = arith.constant true
            %reduce_sum3A_320 = vector.broadcast %reduce_sum3A : i1 to vector<16xi1>
            %reduce_sum3A_321 = tpu.scan <sum>, %select_n3A_319 masked %reduce_sum3A_320 : vector<16xi32>, vector<16xi1> -> vector<16xi32>
            %reduce_sum3A_322 = vector.extract %reduce_sum3A_321[15] : i32 from vector<16xi32>
            %broadcast_in_dim3A_323 = vector.broadcast %reduce_sum3A_322 : i32 to vector<16xi32>
            %add3A_324 = arith.constant 0 : i32
            %add3A_325 = vector.broadcast %add3A_324 : i32 to vector<16xi32>
            %add3A_326 = arith.addi %iota3A, %add3A_325 : vector<16xi32>
            %gather3A = arith.constant 0 : i32
            %gather3A_327 = arith.constant 0 : i32
            %gather3A_328 = tpu.memref_slice %arg9[%while3A_184, %gather3A, %gather3A_327] : memref<2x64x512xf32, #tpu.memory_space<vmem>> -> memref<1x64x512xf32, #tpu.memory_space<vmem>>
            %gather3A_329 = tpu.memref_squeeze %gather3A_328 : memref<1x64x512xf32, #tpu.memory_space<vmem>> -> memref<64x512xf32, #tpu.memory_space<vmem>>
            %gather3A_330 = tpu.vector_load_idx %gather3A_329[%add3A_326, %broadcast_in_dim3A_323] : memref<64x512xf32, #tpu.memory_space<vmem>>[vector<16xi32>, vector<16xi32>], vector<16xf32>,
            %swap3A_331 = arith.constant 1 : i32
            %swap3A_332 = arith.index_cast %swap3A_331 : i32 to index
            %swap3A_333 = arith.index_cast %while3A_270 : i32 to index
            %swap3A_334 = arith.constant 0 : index
            %swap3A_335 = tpu.vector_load %arg12[%swap3A_332, %swap3A_333, %swap3A_334] {strides = array<i32>} : memref<2x32x128xf32, #tpu.memory_space<vmem>>, vector<16xf32>,
            tpu.vector_store %arg12[%swap3A_332, %swap3A_333, %swap3A_334], %gather3A_330 {strides = array<i32>} : memref<2x32x128xf32, #tpu.memory_space<vmem>>, vector<16xf32>,
            %add3A_336 = arith.constant 16 : i32
            %add3A_337 = vector.broadcast %add3A_336 : i32 to vector<16xi32>
            %add3A_338 = arith.addi %iota3A, %add3A_337 : vector<16xi32>
            %gather3A_339 = arith.constant 0 : i32
            %gather3A_340 = arith.constant 0 : i32
            %gather3A_341 = tpu.memref_slice %arg9[%while3A_184, %gather3A_339, %gather3A_340] : memref<2x64x512xf32, #tpu.memory_space<vmem>> -> memref<1x64x512xf32, #tpu.memory_space<vmem>>
            %gather3A_342 = tpu.memref_squeeze %gather3A_341 : memref<1x64x512xf32, #tpu.memory_space<vmem>> -> memref<64x512xf32, #tpu.memory_space<vmem>>
            %gather3A_343 = tpu.vector_load_idx %gather3A_342[%add3A_338, %broadcast_in_dim3A_323] : memref<64x512xf32, #tpu.memory_space<vmem>>[vector<16xi32>, vector<16xi32>], vector<16xf32>,
            %swap3A_344 = arith.constant 1 : i32
            %swap3A_345 = arith.index_cast %swap3A_344 : i32 to index
            %swap3A_346 = arith.index_cast %while3A_270 : i32 to index
            %swap3A_347 = arith.constant 16 : index
            %swap3A_348 = tpu.vector_load %arg12[%swap3A_345, %swap3A_346, %swap3A_347] {strides = array<i32>} : memref<2x32x128xf32, #tpu.memory_space<vmem>>, vector<16xf32>,
            tpu.vector_store %arg12[%swap3A_345, %swap3A_346, %swap3A_347], %gather3A_343 {strides = array<i32>} : memref<2x32x128xf32, #tpu.memory_space<vmem>>, vector<16xf32>,
            %add3A_349 = arith.constant 32 : i32
            %add3A_350 = vector.broadcast %add3A_349 : i32 to vector<16xi32>
            %add3A_351 = arith.addi %iota3A, %add3A_350 : vector<16xi32>
            %gather3A_352 = arith.constant 0 : i32
            %gather3A_353 = arith.constant 0 : i32
            %gather3A_354 = tpu.memref_slice %arg9[%while3A_184, %gather3A_352, %gather3A_353] : memref<2x64x512xf32, #tpu.memory_space<vmem>> -> memref<1x64x512xf32, #tpu.memory_space<vmem>>
            %gather3A_355 = tpu.memref_squeeze %gather3A_354 : memref<1x64x512xf32, #tpu.memory_space<vmem>> -> memref<64x512xf32, #tpu.memory_space<vmem>>
            %gather3A_356 = tpu.vector_load_idx %gather3A_355[%add3A_351, %broadcast_in_dim3A_323] : memref<64x512xf32, #tpu.memory_space<vmem>>[vector<16xi32>, vector<16xi32>], vector<16xf32>,
            %swap3A_357 = arith.constant 1 : i32
            %swap3A_358 = arith.index_cast %swap3A_357 : i32 to index
            %swap3A_359 = arith.index_cast %while3A_270 : i32 to index
            %swap3A_360 = arith.constant 32 : index
            %swap3A_361 = tpu.vector_load %arg12[%swap3A_358, %swap3A_359, %swap3A_360] {strides = array<i32>} : memref<2x32x128xf32, #tpu.memory_space<vmem>>, vector<16xf32>,
            tpu.vector_store %arg12[%swap3A_358, %swap3A_359, %swap3A_360], %gather3A_356 {strides = array<i32>} : memref<2x32x128xf32, #tpu.memory_space<vmem>>, vector<16xf32>,
            %add3A_362 = arith.constant 48 : i32
            %add3A_363 = vector.broadcast %add3A_362 : i32 to vector<16xi32>
            %add3A_364 = arith.addi %iota3A, %add3A_363 : vector<16xi32>
            %gather3A_365 = arith.constant 0 : i32
            %gather3A_366 = arith.constant 0 : i32
            %gather3A_367 = tpu.memref_slice %arg9[%while3A_184, %gather3A_365, %gather3A_366] : memref<2x64x512xf32, #tpu.memory_space<vmem>> -> memref<1x64x512xf32, #tpu.memory_space<vmem>>
            %gather3A_368 = tpu.memref_squeeze %gather3A_367 : memref<1x64x512xf32, #tpu.memory_space<vmem>> -> memref<64x512xf32, #tpu.memory_space<vmem>>
            %gather3A_369 = tpu.vector_load_idx %gather3A_368[%add3A_364, %broadcast_in_dim3A_323] : memref<64x512xf32, #tpu.memory_space<vmem>>[vector<16xi32>, vector<16xi32>], vector<16xf32>,
            %swap3A_370 = arith.constant 1 : i32
            %swap3A_371 = arith.index_cast %swap3A_370 : i32 to index
            %swap3A_372 = arith.index_cast %while3A_270 : i32 to index
            %swap3A_373 = arith.constant 48 : index
            %swap3A_374 = tpu.vector_load %arg12[%swap3A_371, %swap3A_372, %swap3A_373] {strides = array<i32>} : memref<2x32x128xf32, #tpu.memory_space<vmem>>, vector<16xf32>,
            tpu.vector_store %arg12[%swap3A_371, %swap3A_372, %swap3A_373], %gather3A_369 {strides = array<i32>} : memref<2x32x128xf32, #tpu.memory_space<vmem>>, vector<16xf32>,
          }
          %while3A_230 = arith.constant 1 : i32
          scf.for %while3A_270 = %while3A_228 to %while3A_224 step %while3A_230  : i32 {
            %jit3A_271 = arith.constant 16 : i32
            %div3A_272 = arith.divsi %while3A_270, %jit3A_271 : i32
            %sign3A_273 = arith.constant 0 : i32
            %sign3A_274 = arith.cmpi sgt, %while3A_270, %sign3A_273 : i32
            %sign3A_275 = arith.extui %sign3A_274 : i1 to i32
            %sign3A_276 = arith.constant 0 : i32
            %sign3A_277 = arith.cmpi slt, %while3A_270, %sign3A_276 : i32
            %sign3A_278 = arith.extui %sign3A_277 : i1 to i32
            %sign3A_279 = arith.subi %sign3A_275, %sign3A_278 : i32
            %sign3A_280 = arith.constant 0 : i32
            %sign3A_281 = arith.cmpi sgt, %jit3A_271, %sign3A_280 : i32
            %sign3A_282 = arith.extui %sign3A_281 : i1 to i32
            %sign3A_283 = arith.constant 0 : i32
            %sign3A_284 = arith.cmpi slt, %jit3A_271, %sign3A_283 : i32
            %sign3A_285 = arith.extui %sign3A_284 : i1 to i32
            %sign3A_286 = arith.subi %sign3A_282, %sign3A_285 : i32
            %ne3A_287 = arith.cmpi ne, %sign3A_279, %sign3A_286 : i32
            %rem3A_288 = arith.remsi %while3A_270, %jit3A_271 : i32
            %ne3A_289 = arith.constant 0 : i32
            %ne3A_290 = arith.cmpi ne, %rem3A_288, %ne3A_289 : i32
            %and3A_291 = arith.andi %ne3A_287, %ne3A_290 : i1
            %sub3A_292 = arith.constant 1 : i32
            %sub3A_293 = arith.subi %div3A_272, %sub3A_292 : i32
            %select_n3A_294 = arith.select %and3A_291, %sub3A_293, %div3A_272 : i32
            %mul3A_295 = arith.constant 16 : i32
            %mul3A_296 = arith.muli %select_n3A_294, %mul3A_295 : i32
            %get3A_297 = arith.index_cast %mul3A_296 : i32 to index
            %get3A_298 = tpu.vector_load %arg10[%get3A_297] {strides = array<i32>} : memref<32xi32, #tpu.memory_space<vmem>>, vector<16xi32>,
            %jit3A_299 = arith.constant 16 : i32
            %eq3A_300 = arith.constant 0 : i32
            %eq3A_301 = arith.cmpi eq, %jit3A_299, %eq3A_300 : i32
            %jit3A_302 = arith.constant 1 : i32
            %select_n3A_303 = arith.select %eq3A_301, %jit3A_302, %jit3A_299 : i32
            %rem3A_304 = arith.remsi %while3A_270, %select_n3A_303 : i32
            %ne3A_305 = arith.constant 0 : i32
            %ne3A_306 = arith.cmpi ne, %rem3A_304, %ne3A_305 : i32
            %lt3A_307 = arith.constant 0 : i32
            %lt3A_308 = arith.cmpi slt, %rem3A_304, %lt3A_307 : i32
            %lt3A_309 = arith.constant 0 : i32
            %lt3A_310 = arith.cmpi slt, %select_n3A_303, %lt3A_309 : i32
            %ne3A_311 = arith.xori %lt3A_308, %lt3A_310 : i1
            %and3A_312 = arith.andi %ne3A_311, %ne3A_306 : i1
            %add3A_313 = arith.addi %rem3A_304, %select_n3A_303 : i32
            %select_n3A_314 = arith.select %and3A_312, %add3A_313, %rem3A_304 : i32
            %eq3A_315 = vector.broadcast %select_n3A_314 : i32 to vector<16xi32>
            %eq3A_316 = arith.cmpi eq, %iota3A, %eq3A_315 : vector<16xi32>
            %jit3A_317 = arith.constant 0 : i32
            %broadcast_in_dim3A_318 = vector.broadcast %jit3A_317 : i32 to vector<16xi32>
            %select_n3A_319 = arith.select %eq3A_316, %get3A_298, %broadcast_in_dim3A_318 : vector<16xi1>, vector<16xi32>
            %reduce_sum3A = arith.constant true
            %reduce_sum3A_320 = vector.broadcast %reduce_sum3A : i1 to vector<16xi1>
            %reduce_sum3A_321 = tpu.scan <sum>, %select_n3A_319 masked %reduce_sum3A_320 : vector<16xi32>, vector<16xi1> -> vector<16xi32>
            %reduce_sum3A_322 = vector.extract %reduce_sum3A_321[15] : i32 from vector<16xi32>
            %broadcast_in_dim3A_323 = vector.broadcast %reduce_sum3A_322 : i32 to vector<16xi32>
            %add3A_324 = arith.constant 0 : i32
            %add3A_325 = vector.broadcast %add3A_324 : i32 to vector<16xi32>
            %add3A_326 = arith.addi %iota3A, %add3A_325 : vector<16xi32>
            %gather3A = arith.constant 0 : i32
            %gather3A_327 = arith.constant 0 : i32
            %gather3A_328 = tpu.memref_slice %arg9[%while3A_184, %gather3A, %gather3A_327] : memref<2x64x512xf32, #tpu.memory_space<vmem>> -> memref<1x64x512xf32, #tpu.memory_space<vmem>>
            %gather3A_329 = tpu.memref_squeeze %gather3A_328 : memref<1x64x512xf32, #tpu.memory_space<vmem>> -> memref<64x512xf32, #tpu.memory_space<vmem>>
            %gather3A_330 = tpu.vector_load_idx %gather3A_329[%add3A_326, %broadcast_in_dim3A_323] : memref<64x512xf32, #tpu.memory_space<vmem>>[vector<16xi32>, vector<16xi32>], vector<16xf32>,
            %swap3A_331 = arith.constant 1 : i32
            %swap3A_332 = arith.index_cast %swap3A_331 : i32 to index
            %swap3A_333 = arith.index_cast %while3A_270 : i32 to index
            %swap3A_334 = arith.constant 0 : index
            %swap3A_335 = tpu.vector_load %arg12[%swap3A_332, %swap3A_333, %swap3A_334] {strides = array<i32>} : memref<2x32x128xf32, #tpu.memory_space<vmem>>, vector<16xf32>,
            tpu.vector_store %arg12[%swap3A_332, %swap3A_333, %swap3A_334], %gather3A_330 {strides = array<i32>} : memref<2x32x128xf32, #tpu.memory_space<vmem>>, vector<16xf32>,
            %add3A_336 = arith.constant 16 : i32
            %add3A_337 = vector.broadcast %add3A_336 : i32 to vector<16xi32>
            %add3A_338 = arith.addi %iota3A, %add3A_337 : vector<16xi32>
            %gather3A_339 = arith.constant 0 : i32
            %gather3A_340 = arith.constant 0 : i32
            %gather3A_341 = tpu.memref_slice %arg9[%while3A_184, %gather3A_339, %gather3A_340] : memref<2x64x512xf32, #tpu.memory_space<vmem>> -> memref<1x64x512xf32, #tpu.memory_space<vmem>>
            %gather3A_342 = tpu.memref_squeeze %gather3A_341 : memref<1x64x512xf32, #tpu.memory_space<vmem>> -> memref<64x512xf32, #tpu.memory_space<vmem>>
            %gather3A_343 = tpu.vector_load_idx %gather3A_342[%add3A_338, %broadcast_in_dim3A_323] : memref<64x512xf32, #tpu.memory_space<vmem>>[vector<16xi32>, vector<16xi32>], vector<16xf32>,
            %swap3A_344 = arith.constant 1 : i32
            %swap3A_345 = arith.index_cast %swap3A_344 : i32 to index
            %swap3A_346 = arith.index_cast %while3A_270 : i32 to index
            %swap3A_347 = arith.constant 16 : index
            %swap3A_348 = tpu.vector_load %arg12[%swap3A_345, %swap3A_346, %swap3A_347] {strides = array<i32>} : memref<2x32x128xf32, #tpu.memory_space<vmem>>, vector<16xf32>,
            tpu.vector_store %arg12[%swap3A_345, %swap3A_346, %swap3A_347], %gather3A_343 {strides = array<i32>} : memref<2x32x128xf32, #tpu.memory_space<vmem>>, vector<16xf32>,
            %add3A_349 = arith.constant 32 : i32
            %add3A_350 = vector.broadcast %add3A_349 : i32 to vector<16xi32>
            %add3A_351 = arith.addi %iota3A, %add3A_350 : vector<16xi32>
            %gather3A_352 = arith.constant 0 : i32
            %gather3A_353 = arith.constant 0 : i32
            %gather3A_354 = tpu.memref_slice %arg9[%while3A_184, %gather3A_352, %gather3A_353] : memref<2x64x512xf32, #tpu.memory_space<vmem>> -> memref<1x64x512xf32, #tpu.memory_space<vmem>>
            %gather3A_355 = tpu.memref_squeeze %gather3A_354 : memref<1x64x512xf32, #tpu.memory_space<vmem>> -> memref<64x512xf32, #tpu.memory_space<vmem>>
            %gather3A_356 = tpu.vector_load_idx %gather3A_355[%add3A_351, %broadcast_in_dim3A_323] : memref<64x512xf32, #tpu.memory_space<vmem>>[vector<16xi32>, vector<16xi32>], vector<16xf32>,
            %swap3A_357 = arith.constant 1 : i32
            %swap3A_358 = arith.index_cast %swap3A_357 : i32 to index
            %swap3A_359 = arith.index_cast %while3A_270 : i32 to index
            %swap3A_360 = arith.constant 32 : index
            %swap3A_361 = tpu.vector_load %arg12[%swap3A_358, %swap3A_359, %swap3A_360] {strides = array<i32>} : memref<2x32x128xf32, #tpu.memory_space<vmem>>, vector<16xf32>,
            tpu.vector_store %arg12[%swap3A_358, %swap3A_359, %swap3A_360], %gather3A_356 {strides = array<i32>} : memref<2x32x128xf32, #tpu.memory_space<vmem>>, vector<16xf32>,
            %add3A_362 = arith.constant 48 : i32
            %add3A_363 = vector.broadcast %add3A_362 : i32 to vector<16xi32>
            %add3A_364 = arith.addi %iota3A, %add3A_363 : vector<16xi32>
            %gather3A_365 = arith.constant 0 : i32
            %gather3A_366 = arith.constant 0 : i32
            %gather3A_367 = tpu.memref_slice %arg9[%while3A_184, %gather3A_365, %gather3A_366] : memref<2x64x512xf32, #tpu.memory_space<vmem>> -> memref<1x64x512xf32, #tpu.memory_space<vmem>>
            %gather3A_368 = tpu.memref_squeeze %gather3A_367 : memref<1x64x512xf32, #tpu.memory_space<vmem>> -> memref<64x512xf32, #tpu.memory_space<vmem>>
            %gather3A_369 = tpu.vector_load_idx %gather3A_368[%add3A_364, %broadcast_in_dim3A_323] : memref<64x512xf32, #tpu.memory_space<vmem>>[vector<16xi32>, vector<16xi32>], vector<16xf32>,
            %swap3A_370 = arith.constant 1 : i32
            %swap3A_371 = arith.index_cast %swap3A_370 : i32 to index
            %swap3A_372 = arith.index_cast %while3A_270 : i32 to index
            %swap3A_373 = arith.constant 48 : index
            %swap3A_374 = tpu.vector_load %arg12[%swap3A_371, %swap3A_372, %swap3A_373] {strides = array<i32>} : memref<2x32x128xf32, #tpu.memory_space<vmem>>, vector<16xf32>,
            tpu.vector_store %arg12[%swap3A_371, %swap3A_372, %swap3A_373], %gather3A_369 {strides = array<i32>} : memref<2x32x128xf32, #tpu.memory_space<vmem>>, vector<16xf32>,
          }
          %add3A_231 = arith.constant 0 : i32
          %add3A_232 = vector.broadcast %add3A_231 : i32 to vector<16xi32>
          %add3A_233 = arith.addi %iota3A, %add3A_232 : vector<16xi32>
          %lt3A = vector.broadcast %while3A_199 : i32 to vector<16xi32>
          %lt3A_234 = arith.cmpi slt, %add3A_233, %lt3A : vector<16xi32>
          %get3A = arith.constant 0 : index
          %get3A_235 = tpu.vector_load %arg11[%get3A] {strides = array<i32>} : memref<32xi32, #tpu.memory_space<vmem>>, vector<16xi32>,
          %broadcast_in_dim3A_236 = vector.broadcast %add3A_2 : i32 to vector<16xi32>
          %select_n3A_237 = arith.select %lt3A_234, %get3A_235, %broadcast_in_dim3A_236 : vector<16xi1>, vector<16xi32>
          %swap3A_238 = arith.constant 1 : i32
          %swap3A_239 = arith.index_cast %swap3A_238 : i32 to index
          %swap3A_240 = arith.constant 0 : index
          %swap3A_241 = tpu.vector_load %arg13[%swap3A_239, %swap3A_240] {strides = array<i32>} : memref<2x32xi32, #tpu.memory_space<vmem>>, vector<16xi32>,
          tpu.vector_store %arg13[%swap3A_239, %swap3A_240], %select_n3A_237 {strides = array<i32>} : memref<2x32xi32, #tpu.memory_space<vmem>>, vector<16xi32>,
          %add3A_242 = arith.constant 16 : i32
          %add3A_243 = vector.broadcast %add3A_242 : i32 to vector<16xi32>
          %add3A_244 = arith.addi %iota3A, %add3A_243 : vector<16xi32>
          %lt3A_245 = vector.broadcast %while3A_199 : i32 to vector<16xi32>
          %lt3A_246 = arith.cmpi slt, %add3A_244, %lt3A_245 : vector<16xi32>
          %get3A_247 = arith.constant 16 : index
          %get3A_248 = tpu.vector_load %arg11[%get3A_247] {strides = array<i32>} : memref<32xi32, #tpu.memory_space<vmem>>, vector<16xi32>,
          %broadcast_in_dim3A_249 = vector.broadcast %add3A_2 : i32 to vector<16xi32>
          %select_n3A_250 = arith.select %lt3A_246, %get3A_248, %broadcast_in_dim3A_249 : vector<16xi1>, vector<16xi32>
          %swap3A_251 = arith.constant 1 : i32
          %swap3A_252 = arith.index_cast %swap3A_251 : i32 to index
          %swap3A_253 = arith.constant 16 : index
          %swap3A_254 = tpu.vector_load %arg13[%swap3A_252, %swap3A_253] {strides = array<i32>} : memref<2x32xi32, #tpu.memory_space<vmem>>, vector<16xi32>,
          tpu.vector_store %arg13[%swap3A_252, %swap3A_253], %select_n3A_250 {strides = array<i32>} : memref<2x32xi32, #tpu.memory_space<vmem>>, vector<16xi32>,
          %dma_start3A_255 = arith.constant 1 : i32
          %dma_start3A_256 = arith.constant 1 : i32
          %dma_start3A_257 = arith.constant 1 : i32
          %dma_start3A_258 = arith.constant 0 : i32
          %dma_start3A_259 = arith.constant 0 : i32
          %dma_start3A_260 = tpu.memref_slice %arg12[%dma_start3A_255, %dma_start3A_258, %dma_start3A_259] : memref<2x32x128xf32, #tpu.memory_space<vmem>> -> memref<1x32x128xf32, #tpu.memory_space<vmem>>
          %dma_start3A_261 = tpu.memref_squeeze %dma_start3A_260 : memref<1x32x128xf32, #tpu.memory_space<vmem>> -> memref<32x128xf32, #tpu.memory_space<vmem>>
          %dma_start3A_262 = arith.constant 0 : i32
          %dma_start3A_263 = tpu.memref_slice %arg13[%dma_start3A_256, %dma_start3A_262] : memref<2x32xi32, #tpu.memory_space<vmem>> -> memref<1x32xi32, #tpu.memory_space<vmem>>
          %dma_start3A_264 = tpu.memref_squeeze %dma_start3A_263 : memref<1x32xi32, #tpu.memory_space<vmem>> -> memref<32xi32, #tpu.memory_space<vmem>>
          %dma_start3A_265 = arith.constant 0 : i32
          %dma_start3A_266 = arith.constant 0 : i32
          %dma_start3A_267 = tpu.memref_slice %arg5[%dma_start3A_265, %dma_start3A_266] : memref<16416x128xf32, #tpu.memory_space<hbm>> -> memref<16416x128xf32, #tpu.memory_space<hbm>>
          %dma_start3A_268 = tpu.memref_slice %arg17[%dma_start3A_257] : memref<2x!tpu.dma_semaphore, #tpu.memory_space<semaphore_mem>> -> memref<1x!tpu.dma_semaphore, #tpu.memory_space<semaphore_mem>>
          %dma_start3A_269 = tpu.memref_squeeze %dma_start3A_268 : memref<1x!tpu.dma_semaphore, #tpu.memory_space<semaphore_mem>> -> memref<!tpu.dma_semaphore, #tpu.memory_space<semaphore_mem>>
          tpu.enqueue_indirect_dma source(%dma_start3A_261 : memref<32x128xf32, #tpu.memory_space<vmem>>) target(%dma_start3A_267 : memref<16416x128xf32, #tpu.memory_space<hbm>>) offsets(%dma_start3A_264 : memref<32xi32, #tpu.memory_space<vmem>>) semaphore(%dma_start3A_269 : memref<!tpu.dma_semaphore, #tpu.memory_space<semaphore_mem>>)
        } else {
        }
        %ge3A = arith.constant 16 : i32
        %ge3A_205 = arith.cmpi sge, %while3A_199, %ge3A : i32
        scf.yield %ge3A_205 : i1
      }
    } else {
    }
    %dma_wait3A = arith.constant 0 : i32
    %dma_wait3A_154 = arith.constant 0 : i32
    %dma_wait3A_155 = arith.constant 0 : i32
    %dma_wait3A_156 = arith.constant 0 : i32
    %dma_wait3A_157 = arith.constant 0 : i32
    %dma_wait3A_158 = tpu.memref_slice %arg12[%dma_wait3A, %dma_wait3A_156, %dma_wait3A_157] : memref<2x32x128xf32, #tpu.memory_space<vmem>> -> memref<1x32x128xf32, #tpu.memory_space<vmem>>
    %dma_wait3A_159 = tpu.memref_squeeze %dma_wait3A_158 : memref<1x32x128xf32, #tpu.memory_space<vmem>> -> memref<32x128xf32, #tpu.memory_space<vmem>>
    %dma_wait3A_160 = arith.constant 0 : i32
    %dma_wait3A_161 = tpu.memref_slice %arg13[%dma_wait3A_154, %dma_wait3A_160] : memref<2x32xi32, #tpu.memory_space<vmem>> -> memref<1x32xi32, #tpu.memory_space<vmem>>
    %dma_wait3A_162 = tpu.memref_squeeze %dma_wait3A_161 : memref<1x32xi32, #tpu.memory_space<vmem>> -> memref<32xi32, #tpu.memory_space<vmem>>
    %dma_wait3A_163 = arith.constant 0 : i32
    %dma_wait3A_164 = arith.constant 0 : i32
    %dma_wait3A_165 = tpu.memref_slice %arg5[%dma_wait3A_163, %dma_wait3A_164] : memref<16416x128xf32, #tpu.memory_space<hbm>> -> memref<16416x128xf32, #tpu.memory_space<hbm>>
    %dma_wait3A_166 = tpu.memref_slice %arg17[%dma_wait3A_155] : memref<2x!tpu.dma_semaphore, #tpu.memory_space<semaphore_mem>> -> memref<1x!tpu.dma_semaphore, #tpu.memory_space<semaphore_mem>>
    %dma_wait3A_167 = tpu.memref_squeeze %dma_wait3A_166 : memref<1x!tpu.dma_semaphore, #tpu.memory_space<semaphore_mem>> -> memref<!tpu.dma_semaphore, #tpu.memory_space<semaphore_mem>>
    tpu.wait_indirect_dma semaphore(%dma_wait3A_167 : memref<!tpu.dma_semaphore, #tpu.memory_space<semaphore_mem>>) src(%dma_wait3A_159 : memref<32x128xf32, #tpu.memory_space<vmem>>) dst(%dma_wait3A_165 : memref<16416x128xf32, #tpu.memory_space<hbm>>)
    %dma_wait3A_168 = arith.constant 1 : i32
    %dma_wait3A_169 = arith.constant 1 : i32
    %dma_wait3A_170 = arith.constant 1 : i32
    %dma_wait3A_171 = arith.constant 0 : i32
    %dma_wait3A_172 = arith.constant 0 : i32
    %dma_wait3A_173 = tpu.memref_slice %arg12[%dma_wait3A_168, %dma_wait3A_171, %dma_wait3A_172] : memref<2x32x128xf32, #tpu.memory_space<vmem>> -> memref<1x32x128xf32, #tpu.memory_space<vmem>>
    %dma_wait3A_174 = tpu.memref_squeeze %dma_wait3A_173 : memref<1x32x128xf32, #tpu.memory_space<vmem>> -> memref<32x128xf32, #tpu.memory_space<vmem>>
    %dma_wait3A_175 = arith.constant 0 : i32
    %dma_wait3A_176 = tpu.memref_slice %arg13[%dma_wait3A_169, %dma_wait3A_175] : memref<2x32xi32, #tpu.memory_space<vmem>> -> memref<1x32xi32, #tpu.memory_space<vmem>>
    %dma_wait3A_177 = tpu.memref_squeeze %dma_wait3A_176 : memref<1x32xi32, #tpu.memory_space<vmem>> -> memref<32xi32, #tpu.memory_space<vmem>>
    %dma_wait3A_178 = arith.constant 0 : i32
    %dma_wait3A_179 = arith.constant 0 : i32
    %dma_wait3A_180 = tpu.memref_slice %arg5[%dma_wait3A_178, %dma_wait3A_179] : memref<16416x128xf32, #tpu.memory_space<hbm>> -> memref<16416x128xf32, #tpu.memory_space<hbm>>
    %dma_wait3A_181 = tpu.memref_slice %arg17[%dma_wait3A_170] : memref<2x!tpu.dma_semaphore, #tpu.memory_space<semaphore_mem>> -> memref<1x!tpu.dma_semaphore, #tpu.memory_space<semaphore_mem>>
    %dma_wait3A_182 = tpu.memref_squeeze %dma_wait3A_181 : memref<1x!tpu.dma_semaphore, #tpu.memory_space<semaphore_mem>> -> memref<!tpu.dma_semaphore, #tpu.memory_space<semaphore_mem>>
    tpu.wait_indirect_dma semaphore(%dma_wait3A_182 : memref<!tpu.dma_semaphore, #tpu.memory_space<semaphore_mem>>) src(%dma_wait3A_174 : memref<32x128xf32, #tpu.memory_space<vmem>>) dst(%dma_wait3A_180 : memref<16416x128xf32, #tpu.memory_space<hbm>>)
    return
  }
}

</mosaic_0001>

<sc_bundles>
// kernel: kernel.3.cloned.1.call-start
scs
__scs_entry_jumppad:
0x0: {  	(pc) =	sbr.rel $0x88, $3  }
0x1: {  	(tag) =	ssettag $0x0;
	lr =	simm.s32 $0x1  }
0x2: {  	[smem:$0x3F9F] =	sst lr;
	_ =	strace $0xD0000000  }
0x3: {  	_ = 	snop  }
0x4: {  	_ = 	snop  }
0x5: {  	_ = 	snop  }
0x6: {  	_ = 	snop  }
0x7: {  	_ = 	snop  }
__scs_overlays_trampoline_lowered:
0x8: {  	[smem:$0x3FAE] =	sst s0  }
0x9: {  	[smem:$0x3FAF] =	sst s1  }
0xa: {  	[smem:$0x3FB0] =	sst s2  }
0xb: {  	[smem:$0x3FB1] =	sst s3  }
0xc: {  	[smem:$0x3FB2] =	sst s4  }
0xd: {  	[smem:$0x3FB3] =	sst s5  }
0xe: {  	[smem:$0x3FB4] =	sst s6  }
0xf: {  	[smem:$0x3FB5] =	sst s7  }
0x10: {  	[smem:$0x3FB6] =	sst s8  }
0x11: {  	[smem:$0x3FB7] =	sst s9;
	s0 =	simm.s32 @!p0 $0x0  }
0x12: {  	s1 =	sld [smem:$0x3F9D];
	s0 =	simm.s32 @p0 $0x1  }
0x13: {  	[smem:$0x3FB8] =	sst s0;
	s0 =	simm.s32 @!p1 $0x0  }
0x14: {  	s2 =	sld [smem:$0x3F9C];
	s0 =	simm.s32 @p1 $0x1  }
0x15: {  	[smem:$0x3FB9] =	sst s0;
	s0 =	simm.s32 @!p2 $0x0  }
0x16: {  	s3 =	sld [smem:$0x3FDB];
	s0 =	simm.s32 @p2 $0x1  }
0x17: {  	s4 =	simm.s32 $0x1BF5;
	[smem:$0x3FBB] =	sst s0  }
0x18: {  	s0 =	sld [smem:$0x3F9E];
	_ =	swait.ge [sflag:s4], $0x0  }
0x19: {  	s7 =	sld [smem:$0x3F9F]  }
0x1a: {  	s8 =	sadd.s32 $0xFFFFE003, lr  }
0x1b: {  	s9 =	sadd.s32 $0xFFFFFEF7, lr;
	s5 =	simm.s32 $0xFFFFFFFF;
	p2 =	slt.u32 s8, $0xFFFFF086  }
0x1c: {  	p1 =	slt.u32 s9, $0xF7A;
	s5 =	simm.s32 @!p2 $0x0  }
0x1d: {  	s5 =	simm.s32 @p1 $0x1;
	p0 =	seq.s32 s7, s2  }
0x1e: {  	s7 =	smul.u32 @!p0 $0xF7A, s2;
	p2 =	seq.s32 @!p0 s5, $0x0  }
0x1f: {  	s9 =	smul.u32 $0xF7A, s1;
	s8 =	simm.s32 @!p0 $0x1BF5;
	p2 =	por !p2, p0  }
0x20: {  	[sflag:s8] =	ssyncset.s32 @!p0 $0xFFFFF086;
	s6 =	sadd.s32 @!p0 s3, s7;
	s7 =	simm.s32 @!p0 $0x108  }
0x21: {  	s3 =	sadd.s32 s3, s9;
	s6 =	sadd.s32 @!p0 $0x88, s6;
	s7 =	simm.s32 @p2 $0x1082  }
0x22: {  	[simem:s7], [sflag:s8] =	dma.local @!p0 [hbm:s6], $0xF7A  }
0x23: {  	s9 =	sor.u32 $0xD0000000, s2;
	s6 =	simm.s32 $0x108;
	_ =	swait.ge @!p0 [sflag:s8], $0x0  }
0x24: {  	s3 =	sadd.s32 $0x88, s3;
	s6 =	simm.s32 @!p1 $0x1082;
	[sflag:s4] =	ssyncset.s32 $0xFFFFF086  }
0x25: {  	[simem:s6], [sflag:s4] =	dma.local [hbm:s3], $0xF7A  }
0x26: {  	[smem:$0x3F9F] =	sst s1;
	(tag) =	ssettag s2;
	_ =	strace s9  }
0x27: {  	s1 =	sld [smem:$0x3FAF]  }
0x28: {  	s2 =	sld [smem:$0x3FB0]  }
0x29: {  	s4 =	sld [smem:$0x3FB2]  }
0x2a: {  	p0 =	seq.s32 s5, $0x0;
	s5 =	sld [smem:$0x3FB3]  }
0x2b: {  	s6 =	sld [smem:$0x3FB4]  }
0x2c: {  	s7 =	sld [smem:$0x3FB5]  }
0x2d: {  	s3 =	simm.s32 $0x108;
	s8 =	sld [smem:$0x3FB6]  }
0x2e: {  	s3 =	simm.s32 @!p0 $0x1082;
	s9 =	sld [smem:$0x3FB7]  }
0x2f: {  	lr =	sadd.s32 s0, s3;
	s0 =	sld [smem:$0x3FAE]  }
0x30: {  	s3 =	sld [smem:$0x3FB1]  }
0x31: {  	[smem:$0x3FBA] =	sst s10  }
0x32: {  	s10 =	sld [smem:$0x3FB8];
	_ =	sdelay $0x3  }
0x33: {  	p0 =	seq.s32 s10, $0x1;
	s10 =	sld [smem:$0x3FBA];
	_ =	sdelay $0x3  }
0x34: {  	[smem:$0x3FBA] =	sst s10  }
0x35: {  	s10 =	sld [smem:$0x3FB9];
	_ =	sdelay $0x3  }
0x36: {  	p1 =	seq.s32 s10, $0x1;
	s10 =	sld [smem:$0x3FBA];
	_ =	sdelay $0x3  }
0x37: {  	[smem:$0x3FBA] =	sst s10  }
0x38: {  	s10 =	sld [smem:$0x3FBB]  }
0x39: {  	_ = 	snop;
	(pc) =	sbr.ind lr, $3  }
0x3a: {  	_ = 	snop  }
0x3b: {  	_ = 	snop  }
0x3c: {  	p2 =	seq.s32 s10, $0x1;
	s10 =	sld [smem:$0x3FBA]  }
0x3d: {  	_ =	shalt  }
0x3e: {  	_ =	shalt  }
0x3f: {  	_ =	shalt  }
0x40: {  	_ =	shalt  }
0x41: {  	_ =	shalt  }
0x42: {  	_ =	shalt  }
0x43: {  	_ =	shalt  }
0x44: {  	_ =	shalt  }
0x45: {  	_ =	shalt  }
0x46: {  	_ =	shalt  }
0x47: {  	_ =	shalt  }
0x48: {  	_ =	shalt  }
0x49: {  	_ =	shalt  }
0x4a: {  	_ =	shalt  }
0x4b: {  	_ =	shalt  }
0x4c: {  	_ =	shalt  }
0x4d: {  	_ =	shalt  }
0x4e: {  	_ =	shalt  }
0x4f: {  	_ =	shalt  }
0x50: {  	_ =	shalt  }
0x51: {  	_ =	shalt  }
0x52: {  	_ =	shalt  }
0x53: {  	_ =	shalt  }
0x54: {  	_ =	shalt  }
0x55: {  	_ =	shalt  }
0x56: {  	_ =	shalt  }
0x57: {  	_ =	shalt  }
0x58: {  	_ =	shalt  }
0x59: {  	_ =	shalt  }
0x5a: {  	_ =	shalt  }
0x5b: {  	_ =	shalt  }
0x5c: {  	_ =	shalt  }
0x5d: {  	_ =	shalt  }
0x5e: {  	_ =	shalt  }
0x5f: {  	_ =	shalt  }
0x60: {  	_ =	shalt  }
0x61: {  	_ =	shalt  }
0x62: {  	_ =	shalt  }
0x63: {  	_ =	shalt  }
0x64: {  	_ =	shalt  }
0x65: {  	_ =	shalt  }
0x66: {  	_ =	shalt  }
0x67: {  	_ =	shalt  }
0x68: {  	_ =	shalt  }
0x69: {  	_ =	shalt  }
0x6a: {  	_ =	shalt  }
0x6b: {  	_ =	shalt  }
0x6c: {  	_ =	shalt  }
0x6d: {  	_ =	shalt  }
0x6e: {  	_ =	shalt  }
0x6f: {  	_ =	shalt  }
0x70: {  	_ =	shalt  }
0x71: {  	_ =	shalt  }
0x72: {  	_ =	shalt  }
0x73: {  	_ =	shalt  }
0x74: {  	_ =	shalt  }
0x75: {  	_ =	shalt  }
0x76: {  	_ =	shalt  }
0x77: {  	_ =	shalt  }
0x78: {  	_ =	shalt  }
0x79: {  	_ =	shalt  }
0x7a: {  	_ =	shalt  }
0x7b: {  	_ =	shalt  }
0x7c: {  	_ =	shalt  }
0x7d: {  	_ =	shalt  }
0x7e: {  	_ =	shalt  }
0x7f: {  	_ =	shalt  }
0x80: {  	_ =	shalt  }
0x81: {  	_ =	shalt  }
0x82: {  	_ =	shalt  }
0x83: {  	_ =	shalt  }
0x84: {  	_ =	shalt  }
0x85: {  	_ =	shalt  }
0x86: {  	_ =	shalt  }
0x87: {  	_ =	shalt  }
.Lfunc_end0:
.L_simem_size_0:
called_computation_lowered:
.L_overlay_start_0:
0x88: {  	s2 =	sld [smem:$0x3FD9]  }
0x89: {  	s3 =	sld [smem:$0x3FFE];
	_ =	sdelay $0x1  }
0x8a: {  	s1 =	srdreg.scid  }
0x8b: {  	s0 =	sand.u32 $0x1, s1  }
0x8c: {  	s17 =	sshll.u32 s0, $0xA;
	s2 =	sadd.s32 s3, s2  }
0x8d: {  	s2 =	sadd.s32 s2, s17  }
0x8e: {  	[smem:$0x3FC6] =	sst s2  }
0x8f: {  	_ = 	snop  }
0x90: {  	s2 =	sld [smem:$0x3FC9]  }
0x91: {  	s18 =	sld [smem:$0x3FC8]  }
0x92: {  	s4 =	sld [smem:$0x3FD0];
	(tm) =	ssettm $0x1  }
0x93: {  	s5 =	sld [smem:$0x3FFB];
	_ =	sdelay $0x3  }
0x94: {  	_ =	strace s5  }
0x95: {  	s5 =	sld [smem:$0x3FFC];
	_ =	sdelay $0x3  }
0x96: {  	_ =	strace s5  }
0x97: {  	s5 =	sld [smem:$0x3FFD];
	_ =	sdelay $0x3  }
0x98: {  	_ =	strace s5  }
0x99: {  	_ =	strace $0x8FFFFFFF  }
0x9a: {  	s19 =	sld [smem:$0x3FDB];
	_ =	sdelay $0x1  }
0x9b: {  	s6 =	simm.s32 $_scs_section_size  }
0x9c: {  	s7 =	simm.s32 $_size__tile_overlayer_lowered;
	s8 =	simm.s32 $_tile_overlayer_lowered  }
0x9d: {  	s22 =	simm.s32 $0x1BFF;
	s21 =	sshll.u32 s8, $0x1;
	s5 =	sadd.s32 s6, s19  }
0x9e: {  	s9 =	simm.s32 $0x0;
	s20 =	sshll.u32 s7, $0x1;
	s7 =	sadd.s32 s21, s5  }
0x9f: {  	[timem:s9], [sflag:s22] =	dma.local [hbm:s7], s20  }
0xa0: {  	_ =	swait.ge [sflag:s22], s20  }
0xa1: {  	s6 =	ssub.s32 $0x0, s20;
	[sflag:s22] =	ssyncset.done $0x0  }
0xa2: {  	[sflag:s22] =	ssyncadd.s32 s6;
	_ =	sdelay $0x1  }
0xa3: {  	s23 =	simm.s32 $0x1B8B  }
0xa4: {  	_ =	swait.ge [sflag:s23], $0x1  }
0xa5: {  	[sflag:s23] =	ssyncset.done $0x0  }
0xa6: {  	s25 =	simm.s32 $0x1B8E;
	s24 =	sld [smem:$0x3FFE];
	[sflag:s23] =	ssyncadd.s32 $0xFFFFFFFF  }
0xa7: {  	s26 =	simm.s32 $execute0_lowered;
	[smem:$0x3FD2] =	sst s25  }
0xa8: {  	s7 =	sshll.u32 s26, $0x1;
	_ =	strace $0x80000046;
	[dreg:$0x1] =	wrdreg $0xFFFFFFFF  }
0xa9: {  	s28 =	simm.s32 $_size_execute0_lowered;
	s5 =	sadd.s32 s5, s7;
	[dreg:$0x0] =	wrdreg $0x0  }
0xaa: {  	s7 =	sshll.u32 s28, $0x1;
	[dreg:$0x2] =	wrdreg s5  }
0xab: {  	[dreg:$0x3] =	wrdreg s7  }
0xac: {  	[dreg:$0x4] =	wrdreg $0xC0  }
0xad: {  	_ =	task [dreg:s9], $0x5FFFF  }
0xae: {  	[dreg:$0x1] =	wrdreg $0xFFFFFFFF  }
0xaf: {  	[dreg:$0x0] =	wrdreg $0x60  }
0xb0: {  	[dreg:$0x2] =	wrdreg s18  }
0xb1: {  	[dreg:$0x3] =	wrdreg s4  }
0xb2: {  	[dreg:$0x4] =	wrdreg s2  }
0xb3: {  	[dreg:$0x5] =	wrdreg s24  }
0xb4: {  	[dreg:$0x6] =	wrdreg $0x9  }
0xb5: {  	_ =	task.clear_ibuf [dreg:s9], $0x7FFFF;
	_ =	strace $0x90000046  }
0xb6: {  	s29 =	simm.s32 $0x9;
	_ =	strace $0x80000048  }
0xb7: {  	_ =	swait.ge [sflag:s29], $0x1  }
0xb8: {  	[sflag:s29] =	ssyncadd.s32 $0xFFFFFFFF  }
0xb9: {  	_ =	strace $0x90000048  }
0xba: {  	_ =	sfence  }
0xbb: {  	s30 =	sld [smem:$0x0];
	_ =	sdelay $0x2  }
0xbc: {  	s31 =	sshll.u32 s1, $0xD;
	s1 =	sshrl.u32 s1, $0x2  }
0xbd: {  	s3 =	sand.u32 $0x4000, s31;
	s1 =	sadd.s32 s1, s30  }
0xbe: {  	s0 =	sor.u32 s3, s0;
	s1 =	sshll.u32 s1, $0x11  }
0xbf: {  	s0 =	sor.u32 s1, s0  }
0xc0: {  	s0 =	sadd.s32 $0x8F2B, s0  }
0xc1: {  	[sflag:s0] =	ssyncadd.remote.s32 $0x1  }
0xc2: {  	_ =	sfence.sel $0xFFFF  }
0xc3: {  	[dreg:$0x0] =	wrdreg $0xFFFFFFFF;
	(pc) =	sbr.abs _section_cstart, $3  }
0xc4: {  	[dreg:$0x1] =	wrdreg $0xFFFFFFFF  }
0xc5: {  	_ =	task.clear_ibuf [dreg:s9], $0x2FFFF;
	_ =	strace $0x9FFFFFFF  }
0xc6: {  	(tm) =	ssettm $0x7FFFFFFF  }
0xc7: {  	_ =	shalt  }
tec
execute0_lowered:
.L_overlay_start_1:
0x0: {  	(tag) =	ssettag $0x1  }
0x1: {  	v0 =	vimm.s32 $0x1380;
	vm14 =	vcmask $0x300  }
0x2: {  	vm13 =	vcmask $0x704;
	vm12 =	vcmask $0xB08;
	vm11 =	vcmask $0xF0C  }
0x3: {  	vm10 =	vcmask $0x1310;
	vm9 =	vcmask $0x1714;
	vm8 =	vcmask $0x1B18  }
0x4: {  	vm7 =	vcmask $0x1F1C;
	vm6 =	vcmask $0x2320;
	vm5 =	vcmask $0x2724  }
0x5: {  	vm4 =	vcmask $0x2B28;
	vm3 =	vcmask $0x2F2C;
	vm2 =	vcmask $0x3330  }
0x6: {  	vm0 =	vcmask $0x3734;
	vm1 =	vcmask $0x3B38;
	v7 =	vimm.s32 $0x3380  }
0x7: {  	v8 =	vimm.s32 $0x5380;
	v9 =	vimm.s32 $0x7380;
	v0 =	vsel vm14, $0x0, v0  }
0x8: {  	v7 =	vsel vm14, $0x2000, v7;
	v8 =	vsel vm14, $0x4000, v8;
	v9 =	vsel vm14, $0x6000, v9  }
0x9: {  	v0 =	vsel vm13, $0x80, v0;
	v7 =	vsel vm13, $0x2080, v7;
	v8 =	vsel vm13, $0x4080, v8  }
0xa: {  	v9 =	vsel vm13, $0x6080, v9;
	v0 =	vsel vm12, $0x100, v0;
	v7 =	vsel vm12, $0x2100, v7  }
0xb: {  	s0 =	srdreg.scid;
	s1 =	stileid.u32;
	v8 =	vsel vm12, $0x4100, v8;
	v9 =	vsel vm12, $0x6100, v9;
	v0 =	vsel vm11, $0x180, v0  }
0xc: {  	s2 =	rddreg [dreg:$0x0];
	s3 =	sand.u32 $0x1, s0;
	s28 =	sshll.u32 s1, $0x1;
	v7 =	vsel vm11, $0x2180, v7;
	v8 =	vsel vm11, $0x4180, v8;
	v9 =	vsel vm11, $0x6180, v9  }
0xd: {  	s7 =	rddreg [dreg:$0x3];
	s14 =	simm.s32 $0x20;
	s0 =	sor.u32 s3, s28;
	v0 =	vsel vm10, $0x200, v0;
	v7 =	vsel vm10, $0x2200, v7;
	v8 =	vsel vm10, $0x4200, v8  }
0xe: {  	s15 =	simm.s32 $0x1E180;
	s16 =	simm.s32 $0x1C180;
	s1 =	sshll.u32 s0, $0xF;
	v9 =	vsel vm10, $0x6200, v9;
	v0 =	vsel vm9, $0x280, v0;
	v7 =	vsel vm9, $0x2280, v7  }
0xf: {  	s17 =	simm.s32 $0x1E200;
	s18 =	simm.s32 $0x1D180;
	s4 =	ssub.s32 $0xF4240, s1;
	v8 =	vsel vm9, $0x4280, v8;
	v9 =	vsel vm9, $0x6280, v9;
	v0 =	vsel vm8, $0x300, v0  }
0x10: {  	s20 =	simm.s32 $0x1;
	s21 =	simm.s32 $0x4;
	s5 =	sshra.s32 s4, $0x1F;
	v7 =	vsel vm8, $0x2300, v7;
	v8 =	vsel vm8, $0x4300, v8;
	v9 =	vsel vm8, $0x6300, v9  }
0x11: {  	s22 =	simm.s32 $0x14080;
	s23 =	simm.s32 $0x3;
	s6 =	sshrl.u32 s5, $0x17;
	v0 =	vsel vm7, $0x380, v0;
	v7 =	vsel vm7, $0x2380, v7;
	v8 =	vsel vm7, $0x4380, v8  }
0x12: {  	s24 =	simm.s32 $0xC080;
	s25 =	simm.s32 $0x2;
	s4 =	sadd.s32 s6, s4;
	v9 =	vsel vm7, $0x6380, v9;
	v1 =	vsel vm6, $0x1000, v0;
	v0 =	vmov s0  }
0x13: {  	s26 =	simm.s32 $0x0;
	s7 =	sadd.s32 $0x400, s7;
	s4 =	sshra.s32 s4, $0x9;
	v7 =	vsel vm6, $0x3000, v7;
	v8 =	vsel vm6, $0x5000, v8;
	v9 =	vsel vm6, $0x7000, v9  }
0x14: {  	s3 =	ssub.s32 $0x2, s3;
	s29 =	sor.u32 $0x4000, s0;
	s4 =	sadd.s32 s5, s4;
	v2 =	vsel vm5, $0x1080, v1;
	v1 =	vor.u32 $0x4000, v0;
	v7 =	vsel vm5, $0x3080, v7  }
0x15: {  	s9 =	sshrl.u32 s3, $0x1;
	p0 =	sgt.s32 s4, $0x0;
	s5 =	smov.u32 s4;
	v8 =	vsel vm5, $0x5080, v8;
	v9 =	vsel vm5, $0x7080, v9;
	v3 =	vsel vm4, $0x1100, v2  }
0x16: {  	s30 =	sadd.s32 s2, s1;
	s6 =	simm.s32 $0x0;
	v2 =	vmov s29;
	s5 =	simm.s32 @!p0 $0x0;
	v7 =	vsel vm4, $0x3100, v7;
	v8 =	vsel vm4, $0x5100, v8  }
0x17: {  	s3 =	ssub.s32 s3, s9;
	[smem:$0x7FF] =	sst s6;
	v9 =	vsel vm4, $0x7100, v9;
	v4 =	vsel vm3, $0x1180, v3;
	v3 =	vimm.s32 $0x0;
	s8 =	smin.u32 s5, $0x40  }
0x18: {  	s3 =	smax.u32 s3, $0x1;
	_ =	strace $0x80000047;
	v7 =	vsel vm3, $0x3180, v7;
	v8 =	vsel vm3, $0x5180, v8;
	v9 =	vsel vm3, $0x7180, v9;
	s31 =	sadd.s32 $0x1, s8  }
.Ltmp0:
0x19: {  	[dreg:$0x5] =	wrdreg s30;
	v5 =	vsel vm2, $0x1200, v4;
	v4 =	vimm.s32 $0x7FFFFFF0;
	v7 =	vsel vm2, $0x3200, v7;
	s11 =	sshrl.u32 s31, $0x1;
	(pc) =	sbr.rel .LBB2_1-.Ltmp0, $4  }
0x1a: {  	s12 =	sshll.u32 s0, $0x12;
	[dreg:$0x7] =	wrdreg s3;
	v8 =	vsel vm2, $0x5200, v8;
	v9 =	vsel vm2, $0x7200, v9;
	v6 =	vsel vm0, $0x1280, v5;
	p2 =	seq.s32 s11, $0x0  }
0x1b: {  	p0 =	slt.s32 s4, $0x1;
	s5 =	sadd.s32 $0x200, s30;
	v5 =	vlaneseq.u32;
	v7 =	vsel vm0, $0x3280, v7;
	v8 =	vsel vm0, $0x5280, v8;
	s3 =	simm.s32 @!p2 $0x0  }
0x1c: {  	p1 =	seq.s32 @!p0 s4, $0x1;
	[dreg:$0x6] =	wrdreg s5;
	v9 =	vsel vm0, $0x7280, v9;
	v6 =	vsel vm1, $0x1300, v6;
	v7 =	vsel vm1, $0x3300, v7;
	s3 =	simm.s32 @p2 $0x1  }
0x1d: {  	p3 =	sne.s32 s0, $0x1E;
	p1 =	por p1, p0;
	v8 =	vsel vm1, $0x5300, v8;
	v9 =	vsel vm1, $0x7300, v9;
	v10 =	vor.u32 $0x10, v5;
	[smem:$0x7FD] =	sst s3  }
.LBB2_38:
0x1e: {  	_ =	swait.ge [sflag:s23], $0x1000  }
0x1f: {  	[sflag:s23] =	ssyncset.done $0x0  }
0x20: {  	[sflag:s23] =	ssyncadd.s32 $0xFFFFF000  }
0x21: {  	_ =	swait.ge [sflag:s21], $0x1000  }
0x22: {  	s26 =	sadd.s32 $0x1, s26;
	s0 =	rddreg [dreg:$0x7]  }
0x23: {  	p2 =	sne.s32 s26, s0  }
.Ltmp1:
0x24: {  	_ = 	snop;
	(pc) =	sbr.rel @!p2 .LBB2_39-.Ltmp1, $3  }
0x25: {  	_ =	sdelay $0x1  }
0x26: {  	[sflag:s21] =	ssyncset.done $0x0  }
0x27: {  	[sflag:s21] =	ssyncadd.s32 $0xFFFFF000  }
.LBB2_1:
0x28: {  	[tilespmem:$0x1E180] =	vst v1  }
0x29: {  	[tilespmem:$0x1E190] =	vst v1  }
0x2a: {  	[hbm4b:s7+s14] =	stream.indirect.scatter [tilespmem:s16], [sflag:$0x3], $0x80, s15, s14, $0xb8;
	[tilespmem:$0x1E380] =	vst v63  }
0x2b: {  	[tilespmem:$0x1E200] =	vst v1  }
0x2c: {  	[tilespmem:$0x1E210] =	vst v1  }
0x2d: {  	[hbm4b:s7+s14] =	stream.indirect.scatter [tilespmem:s18], [sflag:$0x4], $0x80, s17, s14, $0xb8;
	[tilespmem:$0x1E380] =	vst v63  }
0x2e: {  	s0 =	rddreg [dreg:$0x2];
	s30 =	simm.s32 $0x5  }
0x2f: {  	[tilespmem:s6], [sflag:$0x5] =	stream.linear.gather [hbm4b:s0+s6], $0x4000, $0x38;
	[tilespmem:$0x1E380] =	vst v63  }
0x30: {  	_ =	swait.ge [sflag:s30], $0x4000  }
0x31: {  	[sflag:s30] =	ssyncset.done $0x0  }
0x32: {  	[sflag:s30] =	ssyncadd.s32 $0xFFFFC000  }
0x33: {  	v11 =	vld [tilespmem:s6+$0x0];
	_ =	sdelay $0x4  }
0x34: {  	v12 =	vshrl.u32 v11, $0xF  }
0x35: {  	vm0 =	veq.s32 v12, v0  }
0x36: {  	v13 =	vsel vm0, $0x1, v3  }
0x37: {  	(xrf0) =	vadd.scan.msk.s32 $0xffff, v13;
	_ =	sdelay $0x5  }
0x38: {  	v13, _, _ =	vpop (xrf0)  }
0x39: {  	(v2sf) =	vpush v13, $0xF;
	_ =	sdelay $0xe  }
0x3a: {  	s31 =	spop (v2sf)  }
0x3b: {  	p5 =	slt.s32 s31, $0x1  }
0x3c: {  	vm0 =	veq.s32 @!p5 v12, v0;
	s3 =	simm.s32 @!p5 $0x1E280;
	v12 =	vlaneseq.u32 @!p5  }
0x3d: {  	[tilespmem:s3+$0x0] =	vst.msk @!p5 vm0, v11;
	v11 =	vor.u32 @!p5 s6, v12;
	s3 =	simm.s32 @!p5 $0x1E300  }
0x3e: {  	[tilespmem:s3+$0x0] =	vst.msk @!p5 vm0, v11  }
0x3f: {  	v11 =	vld @!p5 [tilespmem:$0x1E280];
	_ =	sdelay $0x4  }
0x40: {  	s5 =	simm.s32 $0x0;
	[tilespmem:s6+$0x4000] =	vst @!p5 v11  }
0x41: {  	s4 =	simm.s32 $0x0;
	s0 =	sadd.s32 $0x0, s31;
	s3 =	simm.s32 $0x10;
	v11 =	vld @!p5 [tilespmem:$0x1E300]  }
.LBB2_2:
0x42: {  	_ =	sdelay $0x3  }
0x43: {  	s4 =	sadd.s32 $0x10, s4;
	s9 =	smov.u32 s3;
	s3 =	sadd.s32 $0x10, s3;
	[tilespmem:s5+$0x8080] =	vst @!p5 v11  }
0x44: {  	p4 =	sne.s32 s3, $0x4000;
	s5 =	smov.u32 s0;
	v11 =	vld [tilespmem:s4+$0x0];
	_ =	sdelay $0x4  }
0x45: {  	v12 =	vshrl.u32 v11, $0xF  }
0x46: {  	vm0 =	veq.s32 v12, v0  }
0x47: {  	v13 =	vsel vm0, $0x1, v3  }
0x48: {  	(xrf0) =	vadd.scan.msk.s32 $0xffff, v13;
	_ =	sdelay $0x5  }
0x49: {  	v13, _, _ =	vpop (xrf0)  }
0x4a: {  	(v2sf) =	vpush v13, $0xF;
	_ =	sdelay $0xe  }
0x4b: {  	s10 =	spop (v2sf)  }
0x4c: {  	p5 =	slt.s32 s10, $0x1;
	s0 =	sadd.s32 s0, s10  }
0x4d: {  	vm0 =	veq.s32 @!p5 v12, v0;
	s10 =	simm.s32 @!p5 $0x1E280;
	v12 =	vlaneseq.u32 @!p5  }
0x4e: {  	[tilespmem:s10+$0x0] =	vst.msk @!p5 vm0, v11;
	v11 =	vor.u32 @!p5 s9, v12;
	s9 =	simm.s32 @!p5 $0x1E300  }
0x4f: {  	[tilespmem:s9+$0x0] =	vst.msk @!p5 vm0, v11  }
0x50: {  	v11 =	vld @!p5 [tilespmem:$0x1E280];
	_ =	sdelay $0x1  }
.Ltmp2:
0x51: {  	(pc) =	sbr.rel @p4 .LBB2_2-.Ltmp2, $3  }
0x52: {  	_ =	sdelay $0x1  }
0x53: {  	[tilespmem:s5+$0x4000] =	vst @!p5 v11  }
0x54: {  	v11 =	vld @!p5 [tilespmem:$0x1E300]  }
0x55: {  	_ =	sdelay $0x1  }
0x56: {  	s3 =	sadd.s32 $0xF, s0;
	s4 =	simm.s32 @!p0 $0x7A1400;
	s9 =	rddreg [dreg:$0x5]  }
0x57: {  	s31 =	sld [smem:$0x7FD];
	s13 =	sand.u32 $0xF, s3;
	s19 =	sshra.s32 s3, $0x1F  }
0x58: {  	p4 =	slt.s32 s3, $0x1;
	p6 =	sne.s32 s13, $0x0;
	s30 =	sshrl.u32 s19, $0x1C;
	[tilespmem:s5+$0x8080] =	vst @!p5 v11  }
0x59: {  	p4 =	por !p4, !p6;
	s5 =	simm.s32 @!p0 $0xC080;
	[tilespmem:s0+$0x4000] =	vst v4;
	s0 =	simm.s32 @!p0 $0x1000  }
0x5a: {  	[tilespmem:s5], [sflag:$0x1] =	stream.strided.gather @!p0 [hbm4b:s9+s0], $0x8000, s4, s0, $0x38;
	[tilespmem:$0x1E380] =	vst v63  }
0x5b: {  	p2 =	seq.s32 s31, $0x1;
	s0 =	simm.s32 @!p1 $0x1000;
	s4 =	simm.s32 @!p1 $0x7A1400  }
.Ltmp3:
0x5c: {  	s5 =	simm.s32 @!p1 $0x14080;
	s9 =	rddreg [dreg:$0x6];
	(pc) =	sbr.rel @!p2 .LBB2_4-.Ltmp3, $4  }
0x5d: {  	[tilespmem:s5], [sflag:$0x2] =	stream.strided.gather @!p1 [hbm4b:s9+s0], $0x8000, s4, s0, $0x38;
	[tilespmem:$0x1E380] =	vst v63  }
0x5e: {  	p4 =	por !p4, !p4;
	s0 =	sadd.s32 s30, s3;
	s3 =	simm.s32 $0x1  }
0x5f: {  	s0 =	sshra.s32 s0, $0x4;
	s3 =	simm.s32 @!p4 $0x0  }
0x60: {  	s29 =	simm.s32 $0x0;
	s28 =	ssub.s32 s0, s3  }
.LBB2_29:
0x61: {  	s29 =	simm.s32 @!p3 $0x0  }
0x62: {  	s0 =	simm.s32 @!p3 $0x14080;
	s3 =	rddreg [dreg:$0x1];
	p2 =	slt.s32 @!p3 s28, $0x1  }
0x63: {  	[tilespmem:s0], [sflag:$0x5] =	stream.linear.gather @!p3 [hbm4b:s3+s29], $0x8000, $0x38;
	[tilespmem:$0x1E380] =	vst v63  }
0x64: {  	p2 =	por p3, p2  }
.Ltmp4:
0x65: {  	_ = 	snop;
	(pc) =	sbr.rel @p2 .LBB2_38-.Ltmp4, $4  }
0x66: {  	s0 =	simm.s32 @!p3 $0x5  }
0x67: {  	_ =	swait.ge @!p3 [sflag:s0], $0x8000  }
0x68: {  	[sflag:s0] =	ssyncset.done @!p3 $0x0  }
0x69: {  	s30 =	simm.s32 @!p3 $0x0;
	[sflag:s0] =	ssyncadd.s32 @!p3 $0xFFFF8000  }
.LBB2_30:
0x6a: {  	s0 =	sshll.u32 s30, $0x4  }
0x6b: {  	v11 =	vld [tilespmem:s0+$0x4000];
	_ =	sdelay $0x4  }
0x6c: {  	v12 =	vand.u32 $0xFFFFFFC0, v11  }
0x6d: {  	vm0 =	veq.s32 v12, $0xF4200  }
0x6e: {  	v13 =	vsel vm0, $0x1, v3  }
0x6f: {  	(xrf0) =	vadd.scan.msk.s32 $0xffff, v13;
	_ =	sdelay $0x5  }
0x70: {  	v13, _, _ =	vpop (xrf0)  }
0x71: {  	(v2sf) =	vpush v13, $0xF;
	_ =	sdelay $0xe  }
0x72: {  	p4 =	sgt.s32 s29, $0xF;
	s3 =	spop (v2sf)  }
0x73: {  	p2 =	slt.s32 @!p4 s3, $0x1  }
0x74: {  	p5 =	por p2, p4  }
0x75: {  	v13 =	vld @!p5 [tilespmem:s0+$0x8080];
	_ =	sdelay $0x2  }
0x76: {  	vm0 =	veq.s32 @!p5 v12, $0xF4200;
	v12 =	vadd.s32 @!p5 $0xFFF0BE00, v11;
	s4 =	simm.s32 @!p5 $0x1E280  }
0x77: {  	[tilespmem:s4+$0x0] =	vst.msk @!p5 vm0, v12;
	s4 =	simm.s32 @!p5 $0x1E300  }
0x78: {  	[tilespmem:s4+$0x0] =	vst.msk @!p5 vm0, v13  }
0x79: {  	v12 =	vld @!p5 [tilespmem:$0x1E280];
	_ =	sdelay $0x4  }
0x7a: {  	[tilespmem:s29+$0x1C080] =	vst @!p5 v12  }
0x7b: {  	s30 =	sadd.s32 $0x1, s30;
	p2 =	por !p2, p4;
	v12 =	vld @!p5 [tilespmem:$0x1E300]  }
0x7c: {  	s3 =	simm.s32 @!p2 $0x0;
	p2 =	sne.s32 s30, s28  }
.Ltmp5:
0x7d: {  	_ = 	snop;
	(pc) =	sbr.rel @p2 .LBB2_30-.Ltmp5, $3  }
0x7e: {  	_ =	sdelay $0x1  }
0x7f: {  	v11 =	vsel @!p5 vm0, $0x7FFFFFF0, v11;
	s3 =	simm.s32 @p4 $0x0;
	[tilespmem:s29+$0x1C100] =	vst @!p5 v12  }
0x80: {  	s29 =	sadd.s32 s29, s3;
	[tilespmem:s0+$0x4000] =	vst @!p5 v11  }
0x81: {  	p2 =	slt.s32 s29, $0x1  }
.Ltmp6:
0x82: {  	_ = 	snop;
	(pc) =	sbr.rel @p2 .LBB2_38-.Ltmp6, $1  }
0x83: {  	_ =	sdelay $0x3  }
0x84: {  	p2 =	sne.s32 s29, $0x1  }
.Ltmp7:
0x85: {  	_ = 	snop;
	(pc) =	sbr.rel @!p2 .LBB2_33-.Ltmp7, $4  }
0x86: {  	_ = 	snop  }
0x87: {  	_ =	swait.ge [sflag:s21], $0x1000;
	s30 =	simm.s32 $0x0  }
0x88: {  	s0 =	simm.s32 $0x1D1B0;
	s3 =	simm.s32 $0x1;
	[sflag:s21] =	ssyncset.done $0x0  }
0x89: {  	p4 =	por $0x0, $0x0;
	s9 =	sand.u32 $0xFFFFFFC0, s30;
	[sflag:s21] =	ssyncadd.s32 $0xFFFFF000  }
0x8a: {  	s4 =	sshra.s32 s9, $0x2  }
0x8b: {  	v11 =	vld [tilespmem:s4+$0x1C080];
	_ =	sdelay $0x1  }
0x8c: {  	s31 =	sand.u32 $0xF, s30  }
0x8d: {  	v12 =	vmov s31  }
0x8e: {  	vm0 =	veq.s32 v12, v5  }
0x8f: {  	v11 =	vnsel vm0, $0x0, v11  }
0x90: {  	(xrf0) =	vadd.scan.msk.s32 $0xffff, v11;
	_ =	sdelay $0x5  }
0x91: {  	v11, _, _ =	vpop (xrf0)  }
0x92: {  	v11 =	vbroadcast v11, $0xF;
	_ =	sdelay $0x1  }
0x93: {  	v62 =	vshll.u32 v11, $0x3  }
0x94: {  	v11 =	vand.u32 $0x7F, v11;
	v12 =	vand.u32 $0xFFFFFC00, v62  }
0x95: {  	v11 =	vor.u32 v11, v12  }
0x96: {  	v12 =	vadd.s32 v6, v11;
	_ =	sdelay $0x4  }
0x97: {  	v12 =	vld.idx.msk [tilespmem:v12+s22+$0x0], $0xffff  }
0x98: {  	v13 =	vadd.s32 v7, v11;
	_ =	sdelay $0x3  }
0x99: {  	[tilespmem:s0+$0xFFFFFFD0] =	vst v12  }
0x9a: {  	v12 =	vld.idx.msk [tilespmem:v13+s22+$0x0], $0xffff  }
0x9b: {  	v63 =	vadd.s32 v8, v11;
	_ =	sdelay $0x3  }
0x9c: {  	[tilespmem:s0+$0xFFFFFFE0] =	vst v12  }
0x9d: {  	v12 =	vld.idx.msk [tilespmem:v63+s22+$0x0], $0xffff  }
0x9e: {  	v11 =	vadd.s32 v9, v11;
	_ =	sdelay $0x2  }
0x9f: {  	p2 =	sne.s32 s29, $0x2  }
.Ltmp8:
0xa0: {  	[tilespmem:s0+$0xFFFFFFF0] =	vst v12;
	(pc) =	sbr.rel @!p2 .LBB2_35-.Ltmp8, $3  }
0xa1: {  	v11 =	vld.idx.msk [tilespmem:v11+s22+$0x0], $0xffff;
	_ =	sdelay $0x1  }
0xa2: {  	s5 =	simm.s32 $0x2;
	s10 =	simm.s32 $0x4  }
0xa3: {  	p4 =	por $0x1, $0x1;
	s9 =	sand.u32 $0xFFFFFFC0, s10;
	s4 =	simm.s32 $0x1D1B0  }
.LBB2_36:
0xa4: {  	s9 =	sshra.s32 s9, $0x2  }
0xa5: {  	[tilespmem:s4+$0x0] =	vst v11;
	s4 =	sadd.s32 $0x80, s4;
	s13 =	smov.u32 s5;
	s5 =	sadd.s32 $0x1, s5  }
0xa6: {  	p5 =	sne.s32 s29, s5;
	v11 =	vld [tilespmem:s9+$0x1C080];
	_ =	sdelay $0x1  }
0xa7: {  	s9 =	sand.u32 $0xF, s3;
	s3 =	smov.u32 s13  }
0xa8: {  	v12 =	vmov s9  }
0xa9: {  	vm0 =	veq.s32 v12, v5  }
0xaa: {  	v11 =	vnsel vm0, $0x0, v11  }
0xab: {  	(xrf0) =	vadd.scan.msk.s32 $0xffff, v11;
	_ =	sdelay $0x5  }
0xac: {  	v11, _, _ =	vpop (xrf0)  }
0xad: {  	v11 =	vbroadcast v11, $0xF;
	_ =	sdelay $0x1  }
0xae: {  	v12 =	vshll.u32 v11, $0x3  }
0xaf: {  	v11 =	vand.u32 $0x7F, v11;
	v12 =	vand.u32 $0xFFFFFC00, v12  }
0xb0: {  	v11 =	vor.u32 v11, v12  }
0xb1: {  	v12 =	vadd.s32 v6, v11;
	_ =	sdelay $0x4  }
0xb2: {  	v12 =	vld.idx.msk [tilespmem:v12+s22+$0x0], $0xffff;
	_ =	sdelay $0x1  }
0xb3: {  	v13 =	vadd.s32 v7, v11;
	_ =	sdelay $0x3  }
0xb4: {  	[tilespmem:s4+$0xFFFFFFD0] =	vst v12  }
0xb5: {  	v12 =	vld.idx.msk [tilespmem:v13+s22+$0x0], $0xffff;
	_ =	sdelay $0x1  }
0xb6: {  	v13 =	vadd.s32 v8, v11;
	_ =	sdelay $0x3  }
0xb7: {  	[tilespmem:s4+$0xFFFFFFE0] =	vst v12  }
0xb8: {  	v12 =	vld.idx.msk [tilespmem:v13+s22+$0x0], $0xffff;
	_ =	sdelay $0x1  }
0xb9: {  	v11 =	vadd.s32 v9, v11;
	_ =	sdelay $0x3  }
0xba: {  	[tilespmem:s4+$0xFFFFFFF0] =	vst v12  }
0xbb: {  	v11 =	vld.idx.msk [tilespmem:v11+s22+$0x0], $0xffff  }
.Ltmp9:
0xbc: {  	(pc) =	sbr.rel @p5 .LBB2_36-.Ltmp9, $3  }
0xbd: {  	_ =	sdelay $0x1  }
0xbe: {  	s10 =	sadd.s32 $0x4, s10  }
0xbf: {  	s9 =	sand.u32 $0xFFFFFFC0, s10  }
.LBB2_37:
0xc0: {  	s5 =	sshra.s32 s9, $0x2;
	[tilespmem:s4+$0x0] =	vst @p4 v11  }
0xc1: {  	v11 =	vld [tilespmem:s5+$0x1C080];
	_ =	sdelay $0x1  }
0xc2: {  	s3 =	sand.u32 $0xF, s3  }
0xc3: {  	v12 =	vmov s3  }
0xc4: {  	vm0 =	veq.s32 v12, v5  }
0xc5: {  	v11 =	vnsel vm0, $0x0, v11  }
0xc6: {  	(xrf0) =	vadd.scan.msk.s32 $0xffff, v11;
	_ =	sdelay $0x5  }
0xc7: {  	v11, _, _ =	vpop (xrf0)  }
0xc8: {  	v11 =	vbroadcast v11, $0xF;
	_ =	sdelay $0x1  }
0xc9: {  	v61 =	vshll.u32 v11, $0x3  }
0xca: {  	v11 =	vand.u32 $0x7F, v11;
	v12 =	vand.u32 $0xFFFFFC00, v61  }
0xcb: {  	v11 =	vor.u32 v11, v12  }
0xcc: {  	v12 =	vadd.s32 v6, v11;
	_ =	sdelay $0x4  }
0xcd: {  	v12 =	vld.idx.msk [tilespmem:v12+s22+$0x0], $0xffff  }
0xce: {  	v13 =	vadd.s32 v7, v11;
	_ =	sdelay $0x1  }
0xcf: {  	s3 =	sadd.s32 @p4 $0x80, s4  }
0xd0: {  	s0 =	smov.u32 @p4 s3  }
0xd1: {  	[tilespmem:s0+$0xFFFFFFD0] =	vst v12  }
0xd2: {  	v12 =	vld.idx.msk [tilespmem:v13+s22+$0x0], $0xffff  }
0xd3: {  	v62 =	vadd.s32 v8, v11;
	_ =	sdelay $0x3  }
0xd4: {  	[tilespmem:s0+$0xFFFFFFE0] =	vst v12  }
0xd5: {  	v12 =	vld.idx.msk [tilespmem:v62+s22+$0x0], $0xffff  }
0xd6: {  	v11 =	vadd.s32 v9, v11;
	_ =	sdelay $0x3  }
0xd7: {  	[tilespmem:s0+$0xFFFFFFF0] =	vst v12  }
0xd8: {  	v11 =	vld.idx.msk [tilespmem:v11+s22+$0x0], $0xffff;
	_ =	sdelay $0x4  }
0xd9: {  	[tilespmem:s0+$0x0] =	vst v11  }
0xda: {  	v11 =	vld [tilespmem:$0x1C100]  }
0xdb: {  	v12 =	vld [tilespmem:$0x1C110];
	_ =	sdelay $0x1  }
0xdc: {  	v63 =	vmov s29;
	p2 =	sgt.u32 s29, $0xF  }
.Ltmp10:
0xdd: {  	vm14 =	vgt.s32 v63, v5;
	(pc) =	sbr.rel @p2 .LBB2_30-.Ltmp10, $4  }
.Ltmp11:
0xde: {  	vm15 =	vgt.s32 v63, v10;
	v11 =	vsel vm14, v11, v2;
	(pc) =	sbr.rel @!p2 .LBB2_38-.Ltmp11, $4  }
0xdf: {  	[tilespmem:$0x1E200] =	vst v11;
	v11 =	vsel vm15, v12, v2  }
0xe0: {  	s29 =	simm.s32 $0x0;
	[tilespmem:$0x1E210] =	vst v11  }
0xe1: {  	[hbm4b:s7+s14] =	stream.indirect.scatter [tilespmem:s18], [sflag:$0x4], $0x80, s17, s14, $0xb8;
	[tilespmem:$0x1E380] =	vst v63  }
0xe2: {  	_ = 	snop  }
.LBB2_33:
.Ltmp12:
0xe3: {  	(pc) =	sbr.rel .LBB2_37-.Ltmp12, $2  }
0xe4: {  	_ =	sdelay $0x2  }
0xe5: {  	s4 =	simm.s32 $0x1D1B0;
	s3 =	simm.s32 $0x0  }
.LBB2_35:
.Ltmp13:
0xe6: {  	(pc) =	sbr.rel .LBB2_37-.Ltmp13, $2  }
0xe7: {  	_ =	sdelay $0x2  }
0xe8: {  	s4 =	simm.s32 $0x1D1B0  }
.LBB2_27:
0xe9: {  	s0 =	sadd.s32 $0x3, s30  }
0xea: {  	p2 =	sge.u32 s0, s8  }
0xeb: {  	s0 =	sshll.u32 @!p2 s0, $0xC  }
0xec: {  	s0 =	sadd.s32 @!p2 s12, s0  }
0xed: {  	s3 =	simm.s32 @!p2 $0x1000;
	s0 =	sshrl.u32 @!p2 s0, $0x3  }
0xee: {  	s4 =	simm.s32 @!p2 $0x7A1400;
	s5 =	simm.s32 @!p2 $0x14080;
	s0 =	sadd.s32 @!p2 s2, s0  }
0xef: {  	[tilespmem:s5], [sflag:$0x2] =	stream.strided.gather @!p2 [hbm4b:s0+s3], $0x8000, s4, s3, $0x38;
	[tilespmem:$0x1E380] =	vst v63  }
.LBB2_28:
0xf0: {  	s29 =	sadd.s32 $0x1, s29  }
0xf1: {  	p2 =	sne.s32 s29, s11  }
.Ltmp14:
0xf2: {  	_ = 	snop;
	(pc) =	sbr.rel @!p2 .LBB2_29-.Ltmp14, $1  }
0xf3: {  	_ =	sdelay $0x3  }
.LBB2_4:
0xf4: {  	s30 =	sshll.u32 s29, $0x1  }
0xf5: {  	p5 =	sge.u32 s30, s8  }
.Ltmp15:
0xf6: {  	_ = 	snop;
	(pc) =	sbr.rel @p5 .LBB2_16-.Ltmp15, $2  }
0xf7: {  	_ =	sdelay $0x2  }
0xf8: {  	p4 =	slt.s32 s28, $0x1  }
.Ltmp16:
0xf9: {  	(pc) =	sbr.rel @p4 .LBB2_15-.Ltmp16, $4  }
0xfa: {  	_ = 	snop  }
0xfb: {  	_ =	swait.ge [sflag:s20], $0x8000  }
0xfc: {  	[sflag:s20] =	ssyncset.done $0x0  }
0xfd: {  	[sflag:s20] =	ssyncadd.s32 $0xFFFF8000  }
0xfe: {  	s0 =	sshll.u32 s29, $0xA  }
0xff: {  	s0 =	sadd.s32 s1, s0  }
0x100: {  	s3 =	sor.u32 $0x200, s0  }
0x101: {  	s31 =	simm.s32 $0x0;
	s5 =	simm.s32 $0x0;
	v11 =	vmov s0;
	v12 =	vmov s3  }
.LBB2_7:
0x102: {  	s0 =	sshll.u32 s5, $0x4  }
0x103: {  	v13 =	vld [tilespmem:s0+$0x4000];
	_ =	sdelay $0x4  }
0x104: {  	vm0 =	vge.s32 v13, v11;
	vm1 =	vlt.s32 v13, v12  }
0x105: {  	vm0 =	vmand vm0, vm1  }
0x106: {  	v14 =	vsel vm0, $0x1, v3  }
0x107: {  	(xrf0) =	vadd.scan.msk.s32 $0xffff, v14;
	_ =	sdelay $0x5  }
0x108: {  	v14, _, _ =	vpop (xrf0)  }
0x109: {  	(v2sf) =	vpush v14, $0xF;
	_ =	sdelay $0xe  }
0x10a: {  	p5 =	sgt.s32 s31, $0xF;
	s3 =	spop (v2sf)  }
0x10b: {  	p2 =	slt.s32 @!p5 s3, $0x1  }
0x10c: {  	p6 =	por p2, p5  }
0x10d: {  	v14 =	vld @!p6 [tilespmem:s0+$0x8080];
	_ =	sdelay $0x2  }
0x10e: {  	v15 =	vsub.s32 @!p6 v13, v11;
	s4 =	simm.s32 @!p6 $0x1E280  }
0x10f: {  	[tilespmem:s4+$0x0] =	vst.msk @!p6 vm0, v15;
	s4 =	simm.s32 @!p6 $0x1E300  }
0x110: {  	[tilespmem:s4+$0x0] =	vst.msk @!p6 vm0, v14  }
0x111: {  	v14 =	vld @!p6 [tilespmem:$0x1E280];
	_ =	sdelay $0x4  }
0x112: {  	[tilespmem:s31+$0x1C080] =	vst @!p6 v14  }
0x113: {  	s5 =	sadd.s32 $0x1, s5;
	p2 =	por !p2, p5;
	v14 =	vld @!p6 [tilespmem:$0x1E300]  }
0x114: {  	s3 =	simm.s32 @!p2 $0x0;
	p2 =	sne.s32 s5, s28  }
.Ltmp17:
0x115: {  	_ = 	snop;
	(pc) =	sbr.rel @p2 .LBB2_7-.Ltmp17, $3  }
0x116: {  	_ =	sdelay $0x1  }
0x117: {  	v13 =	vsel @!p6 vm0, $0x7FFFFFF0, v13;
	s3 =	simm.s32 @p5 $0x0;
	[tilespmem:s31+$0x1C100] =	vst @!p6 v14  }
0x118: {  	s31 =	sadd.s32 s31, s3;
	[tilespmem:s0+$0x4000] =	vst @!p6 v13  }
0x119: {  	p2 =	slt.s32 s31, $0x1  }
.Ltmp18:
0x11a: {  	_ = 	snop;
	(pc) =	sbr.rel @p2 .LBB2_15-.Ltmp18, $1  }
0x11b: {  	_ =	sdelay $0x3  }
0x11c: {  	p2 =	sne.s32 s31, $0x1  }
.Ltmp19:
0x11d: {  	_ = 	snop;
	(pc) =	sbr.rel @!p2 .LBB2_10-.Ltmp19, $4  }
0x11e: {  	_ = 	snop  }
0x11f: {  	_ =	swait.ge [sflag:s23], $0x1000;
	s5 =	simm.s32 $0x0  }
0x120: {  	s0 =	simm.s32 $0x1C1A0;
	s3 =	simm.s32 $0x1;
	[sflag:s23] =	ssyncset.done $0x0  }
0x121: {  	p5 =	por $0x0, $0x0;
	s9 =	sand.u32 $0xFFFFFFC0, s5;
	[sflag:s23] =	ssyncadd.s32 $0xFFFFF000  }
0x122: {  	s4 =	sshra.s32 s9, $0x2  }
0x123: {  	v13 =	vld [tilespmem:s4+$0x1C080];
	_ =	sdelay $0x1  }
0x124: {  	s19 =	sand.u32 $0xF, s5  }
0x125: {  	v14 =	vmov s19  }
0x126: {  	vm0 =	veq.s32 v14, v5  }
0x127: {  	v13 =	vnsel vm0, $0x0, v13  }
0x128: {  	(xrf0) =	vadd.scan.msk.s32 $0xffff, v13;
	_ =	sdelay $0x5  }
0x129: {  	v13, _, _ =	vpop (xrf0)  }
0x12a: {  	v13 =	vbroadcast v13, $0xF;
	_ =	sdelay $0x1  }
0x12b: {  	v14 =	vshll.u32 v13, $0x3  }
0x12c: {  	v13 =	vand.u32 $0x7F, v13;
	v14 =	vand.u32 $0xFFFFFC00, v14  }
0x12d: {  	v13 =	vor.u32 v13, v14  }
0x12e: {  	v14 =	vadd.s32 v6, v13;
	_ =	sdelay $0x4  }
0x12f: {  	v14 =	vld.idx.msk [tilespmem:v14+s24+$0x0], $0xffff  }
0x130: {  	v15 =	vadd.s32 v7, v13;
	_ =	sdelay $0x3  }
0x131: {  	[tilespmem:s0+$0xFFFFFFE0] =	vst v14  }
0x132: {  	v14 =	vld.idx.msk [tilespmem:v15+s24+$0x0], $0xffff  }
0x133: {  	v15 =	vadd.s32 v8, v13;
	_ =	sdelay $0x3  }
0x134: {  	[tilespmem:s0+$0xFFFFFFF0] =	vst v14  }
0x135: {  	v14 =	vld.idx.msk [tilespmem:v15+s24+$0x0], $0xffff  }
0x136: {  	v13 =	vadd.s32 v9, v13;
	_ =	sdelay $0x2  }
0x137: {  	p2 =	sne.s32 s31, $0x2  }
.Ltmp20:
0x138: {  	[tilespmem:s0+$0x0] =	vst v14;
	(pc) =	sbr.rel @!p2 .LBB2_12-.Ltmp20, $3  }
0x139: {  	v13 =	vld.idx.msk [tilespmem:v13+s24+$0x0], $0xffff;
	_ =	sdelay $0x1  }
0x13a: {  	s10 =	simm.s32 $0x2;
	s13 =	simm.s32 $0x4  }
0x13b: {  	p5 =	por $0x1, $0x1;
	s9 =	sand.u32 $0xFFFFFFC0, s13;
	s4 =	simm.s32 $0x1C1A0  }
.LBB2_13:
0x13c: {  	s9 =	sshra.s32 s9, $0x2  }
0x13d: {  	[tilespmem:s4+$0x10] =	vst v13;
	s4 =	sadd.s32 $0x80, s4;
	s19 =	smov.u32 s10;
	s10 =	sadd.s32 $0x1, s10  }
0x13e: {  	p6 =	sne.s32 s31, s10;
	v13 =	vld [tilespmem:s9+$0x1C080];
	_ =	sdelay $0x1  }
0x13f: {  	s9 =	sand.u32 $0xF, s3;
	s3 =	smov.u32 s19  }
0x140: {  	v14 =	vmov s9  }
0x141: {  	vm0 =	veq.s32 v14, v5  }
0x142: {  	v13 =	vnsel vm0, $0x0, v13  }
0x143: {  	(xrf0) =	vadd.scan.msk.s32 $0xffff, v13;
	_ =	sdelay $0x5  }
0x144: {  	v13, _, _ =	vpop (xrf0)  }
0x145: {  	v13 =	vbroadcast v13, $0xF;
	_ =	sdelay $0x1  }
0x146: {  	v14 =	vshll.u32 v13, $0x3  }
0x147: {  	v13 =	vand.u32 $0x7F, v13;
	v14 =	vand.u32 $0xFFFFFC00, v14  }
0x148: {  	v13 =	vor.u32 v13, v14  }
0x149: {  	v14 =	vadd.s32 v6, v13;
	_ =	sdelay $0x4  }
0x14a: {  	v14 =	vld.idx.msk [tilespmem:v14+s24+$0x0], $0xffff;
	_ =	sdelay $0x1  }
0x14b: {  	v15 =	vadd.s32 v7, v13;
	_ =	sdelay $0x3  }
0x14c: {  	[tilespmem:s4+$0xFFFFFFE0] =	vst v14  }
0x14d: {  	v14 =	vld.idx.msk [tilespmem:v15+s24+$0x0], $0xffff;
	_ =	sdelay $0x1  }
0x14e: {  	v15 =	vadd.s32 v8, v13;
	_ =	sdelay $0x3  }
0x14f: {  	[tilespmem:s4+$0xFFFFFFF0] =	vst v14  }
0x150: {  	v14 =	vld.idx.msk [tilespmem:v15+s24+$0x0], $0xffff;
	_ =	sdelay $0x1  }
0x151: {  	v13 =	vadd.s32 v9, v13;
	_ =	sdelay $0x3  }
0x152: {  	[tilespmem:s4+$0x0] =	vst v14  }
0x153: {  	v13 =	vld.idx.msk [tilespmem:v13+s24+$0x0], $0xffff  }
.Ltmp21:
0x154: {  	(pc) =	sbr.rel @p6 .LBB2_13-.Ltmp21, $3  }
0x155: {  	_ =	sdelay $0x1  }
0x156: {  	s13 =	sadd.s32 $0x4, s13  }
0x157: {  	s9 =	sand.u32 $0xFFFFFFC0, s13  }
.LBB2_14:
0x158: {  	s9 =	sshra.s32 s9, $0x2;
	[tilespmem:s4+$0x10] =	vst @p5 v13  }
0x159: {  	v13 =	vld [tilespmem:s9+$0x1C080];
	_ =	sdelay $0x1  }
0x15a: {  	s3 =	sand.u32 $0xF, s3  }
0x15b: {  	v14 =	vmov s3  }
0x15c: {  	vm0 =	veq.s32 v14, v5  }
0x15d: {  	v13 =	vnsel vm0, $0x0, v13  }
0x15e: {  	(xrf0) =	vadd.scan.msk.s32 $0xffff, v13;
	_ =	sdelay $0x5  }
0x15f: {  	v13, _, _ =	vpop (xrf0)  }
0x160: {  	v13 =	vbroadcast v13, $0xF;
	_ =	sdelay $0x1  }
0x161: {  	v14 =	vshll.u32 v13, $0x3  }
0x162: {  	v13 =	vand.u32 $0x7F, v13;
	v14 =	vand.u32 $0xFFFFFC00, v14  }
0x163: {  	v13 =	vor.u32 v13, v14  }
0x164: {  	v14 =	vadd.s32 v6, v13;
	_ =	sdelay $0x4  }
0x165: {  	v14 =	vld.idx.msk [tilespmem:v14+s24+$0x0], $0xffff  }
0x166: {  	v15 =	vadd.s32 v7, v13;
	_ =	sdelay $0x1  }
0x167: {  	s3 =	sadd.s32 @p5 $0x80, s4  }
0x168: {  	s0 =	smov.u32 @p5 s3  }
0x169: {  	[tilespmem:s0+$0xFFFFFFE0] =	vst v14  }
0x16a: {  	v14 =	vld.idx.msk [tilespmem:v15+s24+$0x0], $0xffff  }
0x16b: {  	v15 =	vadd.s32 v8, v13;
	_ =	sdelay $0x3  }
0x16c: {  	[tilespmem:s0+$0xFFFFFFF0] =	vst v14  }
0x16d: {  	v14 =	vld.idx.msk [tilespmem:v15+s24+$0x0], $0xffff  }
0x16e: {  	v13 =	vadd.s32 v9, v13;
	_ =	sdelay $0x3  }
0x16f: {  	[tilespmem:s0+$0x0] =	vst v14  }
0x170: {  	v13 =	vld.idx.msk [tilespmem:v13+s24+$0x0], $0xffff;
	_ =	sdelay $0x4  }
0x171: {  	[tilespmem:s0+$0x10] =	vst v13  }
0x172: {  	v13 =	vld [tilespmem:$0x1C100]  }
0x173: {  	v14 =	vld [tilespmem:$0x1C110];
	_ =	sdelay $0x1  }
0x174: {  	p2 =	sgt.u32 s31, $0xF;
	v15 =	vmov s31  }
.Ltmp22:
0x175: {  	vm14 =	vgt.s32 v15, v5;
	(pc) =	sbr.rel @p2 .LBB2_7-.Ltmp22, $4  }
.Ltmp23:
0x176: {  	vm15 =	vgt.s32 v15, v10;
	v13 =	vsel vm14, v13, v2;
	(pc) =	sbr.rel @!p2 .LBB2_15-.Ltmp23, $4  }
0x177: {  	[tilespmem:$0x1E180] =	vst v13;
	v13 =	vsel vm15, v14, v2  }
0x178: {  	s31 =	simm.s32 $0x0;
	[tilespmem:$0x1E190] =	vst v13  }
0x179: {  	[hbm4b:s7+s14] =	stream.indirect.scatter [tilespmem:s16], [sflag:$0x3], $0x80, s15, s14, $0xb8;
	[tilespmem:$0x1E380] =	vst v63  }
0x17a: {  	_ = 	snop  }
.LBB2_10:
.Ltmp24:
0x17b: {  	(pc) =	sbr.rel .LBB2_14-.Ltmp24, $2  }
0x17c: {  	_ =	sdelay $0x2  }
0x17d: {  	s4 =	simm.s32 $0x1C1A0;
	s3 =	simm.s32 $0x0  }
.LBB2_12:
.Ltmp25:
0x17e: {  	(pc) =	sbr.rel .LBB2_14-.Ltmp25, $2  }
0x17f: {  	_ =	sdelay $0x2  }
0x180: {  	s4 =	simm.s32 $0x1C1A0  }
.LBB2_15:
0x181: {  	s0 =	sadd.s32 $0x2, s30  }
0x182: {  	p2 =	sge.u32 s0, s8  }
0x183: {  	s0 =	sshll.u32 @!p2 s0, $0xC  }
0x184: {  	s0 =	sadd.s32 @!p2 s12, s0  }
0x185: {  	s3 =	simm.s32 @!p2 $0x1000;
	s0 =	sshrl.u32 @!p2 s0, $0x3  }
0x186: {  	s4 =	simm.s32 @!p2 $0x7A1400;
	s5 =	simm.s32 @!p2 $0xC080;
	s0 =	sadd.s32 @!p2 s2, s0  }
0x187: {  	[tilespmem:s5], [sflag:$0x1] =	stream.strided.gather @!p2 [hbm4b:s0+s3], $0x8000, s4, s3, $0x38;
	[tilespmem:$0x1E380] =	vst v63  }
.LBB2_16:
0x188: {  	s0 =	sor.u32 $0x1, s30  }
0x189: {  	p2 =	sge.u32 s0, s8  }
.Ltmp26:
0x18a: {  	_ = 	snop;
	(pc) =	sbr.rel @p2 .LBB2_28-.Ltmp26, $1  }
0x18b: {  	_ =	sdelay $0x3  }
.Ltmp27:
0x18c: {  	(pc) =	sbr.rel @p4 .LBB2_27-.Ltmp27, $4  }
0x18d: {  	_ = 	snop  }
0x18e: {  	_ =	swait.ge [sflag:s25], $0x8000  }
0x18f: {  	[sflag:s25] =	ssyncset.done $0x0  }
0x190: {  	[sflag:s25] =	ssyncadd.s32 $0xFFFF8000  }
0x191: {  	s0 =	sshll.u32 s0, $0x9  }
0x192: {  	s0 =	sadd.s32 s1, s0  }
0x193: {  	s3 =	sadd.s32 $0x200, s0  }
0x194: {  	s31 =	simm.s32 $0x0;
	s5 =	simm.s32 $0x0;
	v11 =	vmov s0;
	v12 =	vmov s3  }
.LBB2_19:
0x195: {  	s0 =	sshll.u32 s5, $0x4  }
0x196: {  	v13 =	vld [tilespmem:s0+$0x4000];
	_ =	sdelay $0x4  }
0x197: {  	vm0 =	vge.s32 v13, v11;
	vm1 =	vlt.s32 v13, v12  }
0x198: {  	vm0 =	vmand vm0, vm1  }
0x199: {  	v14 =	vsel vm0, $0x1, v3  }
0x19a: {  	(xrf0) =	vadd.scan.msk.s32 $0xffff, v14;
	_ =	sdelay $0x5  }
0x19b: {  	v14, _, _ =	vpop (xrf0)  }
0x19c: {  	(v2sf) =	vpush v14, $0xF;
	_ =	sdelay $0xe  }
0x19d: {  	p4 =	sgt.s32 s31, $0xF;
	s3 =	spop (v2sf)  }
0x19e: {  	p2 =	slt.s32 @!p4 s3, $0x1  }
0x19f: {  	p5 =	por p2, p4  }
0x1a0: {  	v14 =	vld @!p5 [tilespmem:s0+$0x8080];
	_ =	sdelay $0x2  }
0x1a1: {  	v15 =	vsub.s32 @!p5 v13, v11;
	s4 =	simm.s32 @!p5 $0x1E280  }
0x1a2: {  	[tilespmem:s4+$0x0] =	vst.msk @!p5 vm0, v15;
	s4 =	simm.s32 @!p5 $0x1E300  }
0x1a3: {  	[tilespmem:s4+$0x0] =	vst.msk @!p5 vm0, v14  }
0x1a4: {  	v14 =	vld @!p5 [tilespmem:$0x1E280];
	_ =	sdelay $0x4  }
0x1a5: {  	[tilespmem:s31+$0x1C080] =	vst @!p5 v14  }
0x1a6: {  	s5 =	sadd.s32 $0x1, s5;
	p2 =	por !p2, p4;
	v14 =	vld @!p5 [tilespmem:$0x1E300]  }
0x1a7: {  	s3 =	simm.s32 @!p2 $0x0;
	p2 =	sne.s32 s5, s28  }
.Ltmp28:
0x1a8: {  	_ = 	snop;
	(pc) =	sbr.rel @p2 .LBB2_19-.Ltmp28, $3  }
0x1a9: {  	_ =	sdelay $0x1  }
0x1aa: {  	v13 =	vsel @!p5 vm0, $0x7FFFFFF0, v13;
	s3 =	simm.s32 @p4 $0x0;
	[tilespmem:s31+$0x1C100] =	vst @!p5 v14  }
0x1ab: {  	s31 =	sadd.s32 s31, s3;
	[tilespmem:s0+$0x4000] =	vst @!p5 v13  }
0x1ac: {  	p2 =	slt.s32 s31, $0x1  }
.Ltmp29:
0x1ad: {  	_ = 	snop;
	(pc) =	sbr.rel @p2 .LBB2_27-.Ltmp29, $1  }
0x1ae: {  	_ =	sdelay $0x3  }
0x1af: {  	p2 =	sne.s32 s31, $0x1  }
.Ltmp30:
0x1b0: {  	_ = 	snop;
	(pc) =	sbr.rel @!p2 .LBB2_22-.Ltmp30, $4  }
0x1b1: {  	_ = 	snop  }
0x1b2: {  	_ =	swait.ge [sflag:s21], $0x1000;
	s5 =	simm.s32 $0x0  }
0x1b3: {  	s0 =	simm.s32 $0x1D1B0;
	s3 =	simm.s32 $0x1;
	[sflag:s21] =	ssyncset.done $0x0  }
0x1b4: {  	p4 =	por $0x0, $0x0;
	s9 =	sand.u32 $0xFFFFFFC0, s5;
	[sflag:s21] =	ssyncadd.s32 $0xFFFFF000  }
0x1b5: {  	s4 =	sshra.s32 s9, $0x2  }
0x1b6: {  	v13 =	vld [tilespmem:s4+$0x1C080];
	_ =	sdelay $0x1  }
0x1b7: {  	s19 =	sand.u32 $0xF, s5  }
0x1b8: {  	v14 =	vmov s19  }
0x1b9: {  	vm0 =	veq.s32 v14, v5  }
0x1ba: {  	v13 =	vnsel vm0, $0x0, v13  }
0x1bb: {  	(xrf0) =	vadd.scan.msk.s32 $0xffff, v13;
	_ =	sdelay $0x5  }
0x1bc: {  	v13, _, _ =	vpop (xrf0)  }
0x1bd: {  	v13 =	vbroadcast v13, $0xF;
	_ =	sdelay $0x1  }
0x1be: {  	v14 =	vshll.u32 v13, $0x3  }
0x1bf: {  	v13 =	vand.u32 $0x7F, v13;
	v14 =	vand.u32 $0xFFFFFC00, v14  }
0x1c0: {  	v13 =	vor.u32 v13, v14  }
0x1c1: {  	v14 =	vadd.s32 v6, v13;
	_ =	sdelay $0x4  }
0x1c2: {  	v14 =	vld.idx.msk [tilespmem:v14+s22+$0x0], $0xffff  }
0x1c3: {  	v15 =	vadd.s32 v7, v13;
	_ =	sdelay $0x3  }
0x1c4: {  	[tilespmem:s0+$0xFFFFFFD0] =	vst v14  }
0x1c5: {  	v14 =	vld.idx.msk [tilespmem:v15+s22+$0x0], $0xffff  }
0x1c6: {  	v15 =	vadd.s32 v8, v13;
	_ =	sdelay $0x3  }
0x1c7: {  	[tilespmem:s0+$0xFFFFFFE0] =	vst v14  }
0x1c8: {  	v14 =	vld.idx.msk [tilespmem:v15+s22+$0x0], $0xffff  }
0x1c9: {  	v13 =	vadd.s32 v9, v13;
	_ =	sdelay $0x2  }
0x1ca: {  	p2 =	sne.s32 s31, $0x2  }
.Ltmp31:
0x1cb: {  	[tilespmem:s0+$0xFFFFFFF0] =	vst v14;
	(pc) =	sbr.rel @!p2 .LBB2_24-.Ltmp31, $3  }
0x1cc: {  	v13 =	vld.idx.msk [tilespmem:v13+s22+$0x0], $0xffff;
	_ =	sdelay $0x1  }
0x1cd: {  	s10 =	simm.s32 $0x2;
	s13 =	simm.s32 $0x4  }
0x1ce: {  	p4 =	por $0x1, $0x1;
	s9 =	sand.u32 $0xFFFFFFC0, s13;
	s4 =	simm.s32 $0x1D1B0  }
.LBB2_25:
0x1cf: {  	s9 =	sshra.s32 s9, $0x2  }
0x1d0: {  	[tilespmem:s4+$0x0] =	vst v13;
	s4 =	sadd.s32 $0x80, s4;
	s19 =	smov.u32 s10;
	s10 =	sadd.s32 $0x1, s10  }
0x1d1: {  	p5 =	sne.s32 s31, s10;
	v13 =	vld [tilespmem:s9+$0x1C080];
	_ =	sdelay $0x1  }
0x1d2: {  	s9 =	sand.u32 $0xF, s3;
	s3 =	smov.u32 s19  }
0x1d3: {  	v14 =	vmov s9  }
0x1d4: {  	vm0 =	veq.s32 v14, v5  }
0x1d5: {  	v13 =	vnsel vm0, $0x0, v13  }
0x1d6: {  	(xrf0) =	vadd.scan.msk.s32 $0xffff, v13;
	_ =	sdelay $0x5  }
0x1d7: {  	v13, _, _ =	vpop (xrf0)  }
0x1d8: {  	v13 =	vbroadcast v13, $0xF;
	_ =	sdelay $0x1  }
0x1d9: {  	v14 =	vshll.u32 v13, $0x3  }
0x1da: {  	v13 =	vand.u32 $0x7F, v13;
	v14 =	vand.u32 $0xFFFFFC00, v14  }
0x1db: {  	v13 =	vor.u32 v13, v14  }
0x1dc: {  	v14 =	vadd.s32 v6, v13;
	_ =	sdelay $0x4  }
0x1dd: {  	v14 =	vld.idx.msk [tilespmem:v14+s22+$0x0], $0xffff;
	_ =	sdelay $0x1  }
0x1de: {  	v15 =	vadd.s32 v7, v13;
	_ =	sdelay $0x3  }
0x1df: {  	[tilespmem:s4+$0xFFFFFFD0] =	vst v14  }
0x1e0: {  	v14 =	vld.idx.msk [tilespmem:v15+s22+$0x0], $0xffff;
	_ =	sdelay $0x1  }
0x1e1: {  	v15 =	vadd.s32 v8, v13;
	_ =	sdelay $0x3  }
0x1e2: {  	[tilespmem:s4+$0xFFFFFFE0] =	vst v14  }
0x1e3: {  	v14 =	vld.idx.msk [tilespmem:v15+s22+$0x0], $0xffff;
	_ =	sdelay $0x1  }
0x1e4: {  	v13 =	vadd.s32 v9, v13;
	_ =	sdelay $0x3  }
0x1e5: {  	[tilespmem:s4+$0xFFFFFFF0] =	vst v14  }
0x1e6: {  	v13 =	vld.idx.msk [tilespmem:v13+s22+$0x0], $0xffff  }
.Ltmp32:
0x1e7: {  	(pc) =	sbr.rel @p5 .LBB2_25-.Ltmp32, $3  }
0x1e8: {  	_ =	sdelay $0x1  }
0x1e9: {  	s13 =	sadd.s32 $0x4, s13  }
0x1ea: {  	s9 =	sand.u32 $0xFFFFFFC0, s13  }
.LBB2_26:
0x1eb: {  	s9 =	sshra.s32 s9, $0x2;
	[tilespmem:s4+$0x0] =	vst @p4 v13  }
0x1ec: {  	v13 =	vld [tilespmem:s9+$0x1C080];
	_ =	sdelay $0x1  }
0x1ed: {  	s3 =	sand.u32 $0xF, s3  }
0x1ee: {  	v14 =	vmov s3  }
0x1ef: {  	vm0 =	veq.s32 v14, v5  }
0x1f0: {  	v13 =	vnsel vm0, $0x0, v13  }
0x1f1: {  	(xrf0) =	vadd.scan.msk.s32 $0xffff, v13;
	_ =	sdelay $0x5  }
0x1f2: {  	v13, _, _ =	vpop (xrf0)  }
0x1f3: {  	v13 =	vbroadcast v13, $0xF;
	_ =	sdelay $0x1  }
0x1f4: {  	v14 =	vshll.u32 v13, $0x3  }
0x1f5: {  	v13 =	vand.u32 $0x7F, v13;
	v14 =	vand.u32 $0xFFFFFC00, v14  }
0x1f6: {  	v13 =	vor.u32 v13, v14  }
0x1f7: {  	v14 =	vadd.s32 v6, v13;
	_ =	sdelay $0x4  }
0x1f8: {  	v14 =	vld.idx.msk [tilespmem:v14+s22+$0x0], $0xffff  }
0x1f9: {  	v15 =	vadd.s32 v7, v13;
	_ =	sdelay $0x1  }
0x1fa: {  	s3 =	sadd.s32 @p4 $0x80, s4  }
0x1fb: {  	s0 =	smov.u32 @p4 s3  }
0x1fc: {  	[tilespmem:s0+$0xFFFFFFD0] =	vst v14  }
0x1fd: {  	v14 =	vld.idx.msk [tilespmem:v15+s22+$0x0], $0xffff  }
0x1fe: {  	v15 =	vadd.s32 v8, v13;
	_ =	sdelay $0x3  }
0x1ff: {  	[tilespmem:s0+$0xFFFFFFE0] =	vst v14  }
0x200: {  	v14 =	vld.idx.msk [tilespmem:v15+s22+$0x0], $0xffff  }
0x201: {  	v13 =	vadd.s32 v9, v13;
	_ =	sdelay $0x3  }
0x202: {  	[tilespmem:s0+$0xFFFFFFF0] =	vst v14  }
0x203: {  	v13 =	vld.idx.msk [tilespmem:v13+s22+$0x0], $0xffff;
	_ =	sdelay $0x4  }
0x204: {  	[tilespmem:s0+$0x0] =	vst v13  }
0x205: {  	v13 =	vld [tilespmem:$0x1C100]  }
0x206: {  	v14 =	vld [tilespmem:$0x1C110];
	_ =	sdelay $0x1  }
0x207: {  	p2 =	sgt.u32 s31, $0xF;
	v15 =	vmov s31  }
.Ltmp33:
0x208: {  	vm14 =	vgt.s32 v15, v5;
	(pc) =	sbr.rel @p2 .LBB2_19-.Ltmp33, $4  }
.Ltmp34:
0x209: {  	vm15 =	vgt.s32 v15, v10;
	v13 =	vsel vm14, v13, v2;
	(pc) =	sbr.rel @!p2 .LBB2_27-.Ltmp34, $4  }
0x20a: {  	[tilespmem:$0x1E200] =	vst v13;
	v13 =	vsel vm15, v14, v2  }
0x20b: {  	s31 =	simm.s32 $0x0;
	[tilespmem:$0x1E210] =	vst v13  }
0x20c: {  	[hbm4b:s7+s14] =	stream.indirect.scatter [tilespmem:s18], [sflag:$0x4], $0x80, s17, s14, $0xb8;
	[tilespmem:$0x1E380] =	vst v63  }
0x20d: {  	_ = 	snop  }
.LBB2_22:
.Ltmp35:
0x20e: {  	(pc) =	sbr.rel .LBB2_26-.Ltmp35, $2  }
0x20f: {  	_ =	sdelay $0x2  }
0x210: {  	s4 =	simm.s32 $0x1D1B0;
	s3 =	simm.s32 $0x0  }
.LBB2_24:
.Ltmp36:
0x211: {  	(pc) =	sbr.rel .LBB2_26-.Ltmp36, $2  }
0x212: {  	_ =	sdelay $0x2  }
0x213: {  	s4 =	simm.s32 $0x1D1B0  }
.LBB2_39:
0x214: {  	_ =	sfence.sel $0x180000  }
0x215: {  	[bflag:$0x0] =	sbarrier.arrive $0xFFFF  }
0x216: {  	_ =	strace $0x90000047  }
0x217: {  	s0 =	stileid.u32;
	[bflag:$0x2] =	sbarrier.arrive $0xFFFF  }
0x218: {  	p0 =	sne.s32 s0, $0x0;
	s0 =	rddreg [dreg:$0x4]  }
0x219: {  	s0 =	sadd.s32 @!p0 $0x100000, s0  }
0x21a: {  	[sflag:s0] =	ssyncadd.tile.s32 @!p0 $0x1;
	_ =	shalt  }
.Lfunc_end2:
_tile_overlayer_lowered:
.L_overlay_start_2:
0x21b: {  	(tag) =	ssettag $0x2  }
0x21c: {  	s0 =	rddreg [dreg:$0x0];
	s2 =	stileid.u32  }
0x21d: {  	s1 =	rddreg [dreg:$0x1];
	p0 =	sne.s32 s2, $0x0  }
0x21e: {  	s3 =	rddreg [dreg:$0x2];
	[bflag:$0x3] =	sbarrier.arrive $0xFFFF;
	s2 =	simm.s32 @!p0 $0x1C05  }
0x21f: {  	[timem:s3], [sflag:s2] =	dma.local @!p0 [hbm:s0], s1  }
0x220: {  	s0 =	simm.s32 @!p0 $0x5  }
0x221: {  	_ =	swait.ge @!p0 [sflag:s0], s1  }
0x222: {  	s1 =	ssub.s32 @!p0 $0x0, s1;
	[sflag:s0] =	ssyncset.done @!p0 $0x0  }
0x223: {  	[sflag:s0] =	ssyncadd.s32 @!p0 s1  }
0x224: {  	[bflag:$0x3] =	sbarrier.arrive $0xFFFF  }
0x225: {  	_ =	shalt  }

</sc_bundles>
